<compile_context>
chip_gen: v7x
topology: tpu7x:2x2x1
jax: 0.10.2.dev20260603
libtpu: 0.0.44.dev20260713+nightly
codegen_flags: <defaults>
</compile_context>

<pallas_src>
import functools

import jax
import jax.numpy as jnp
from jax import lax
from jax.experimental import pallas as pl
from jax.experimental.pallas import tpu as pltpu
from jax.experimental.pallas import tpu_sc as plsc

N = 10000
E = 320000
D = 128

NC = 2
NS = 16
NW = NC * NS
C = 128
NCH = 80
EPAD = NW * NCH * C
NP = 10240
RPT = NP // NS
BT = 1024

_mesh = plsc.VectorSubcoreMesh(core_axis_name="c", subcore_axis_name="s")


def _make_sc(with_counts: bool):
  out_type = [jax.ShapeDtypeStruct((NC, NP, D), jnp.float32)]
  scratch = [
      pltpu.VMEM_SHARED((NP, D), jnp.bfloat16),
      pltpu.VMEM((NCH, C), jnp.int32),
      pltpu.VMEM((NCH, C), jnp.int32),
      pltpu.VMEM((C, D), jnp.bfloat16),
      pltpu.VMEM((C, D), jnp.bfloat16),
      pltpu.VMEM((C, D), jnp.float32),
      pltpu.VMEM((C, D), jnp.float32),
      pltpu.SemaphoreType.DMA,
      pltpu.SemaphoreType.DMA,
      pltpu.SemaphoreType.DMA,
      pltpu.SemaphoreType.DMA,
      pltpu.SemaphoreType.DMA,
      pltpu.SemaphoreType.DMA,
      pltpu.SemaphoreType.DMA,
      pltpu.SemaphoreType.DMA,
  ]
  if with_counts:
    out_type.append(jax.ShapeDtypeStruct((NC * NP,), jnp.float32))
    scratch += [
        pltpu.VMEM_SHARED((NP,), jnp.float32),
        pltpu.VMEM((C,), jnp.float32),
        pltpu.VMEM((RPT,), jnp.float32),
        pltpu.SemaphoreType.DMA,
        pltpu.SemaphoreType.DMA,
    ]

  def body(table, src_i, dst_i, acc_out, cnt_out, acc_sh, src_v, dst_v,
           rows0, rows1, fbuf, fbuf1, sem_i0, sem_i1, sem_o0, sem_o1,
           sem_g0, sem_g1, sem_s0, sem_s1,
           cnt_sh=None, ones_v=None, cnt_v=None, sem_c0=None, sem_c1=None):
    c = lax.axis_index("c")
    s = lax.axis_index("s")
    w = c * NS + s
    zero16 = jnp.zeros((16,), jnp.float32)
    zero32 = jnp.zeros((32,), jnp.bfloat16)

    @pl.loop(0, C)
    def _(i):
      for k in range(D // 32):
        rows0[i, pl.ds(32 * k, 32)] = zero32

    @pl.loop(0, RPT // C)
    def _(k):
      pltpu.sync_copy(rows0, acc_sh.at[pl.ds(s * RPT + k * C, C)])

    pltpu.sync_copy(src_i.at[w], src_v)
    pltpu.sync_copy(dst_i.at[w], dst_v)
    if with_counts:
      @pl.loop(0, RPT // 16)
      def _(i):
        cnt_v[pl.ds(16 * i, 16)] = zero16
      pltpu.sync_copy(cnt_v, cnt_sh.at[pl.ds(s * RPT, RPT)])
      one16 = jnp.ones((16,), jnp.float32)
      for k in range(C // 16):
        ones_v[pl.ds(16 * k, 16)] = one16
    plsc.subcore_barrier()

    pltpu.async_copy(table.at[src_v.at[0]], rows0, sem_g0)
    pltpu.async_copy(table.at[src_v.at[1]], rows1, sem_g1)

    @pl.loop(0, NCH, step=2)
    def _(j):
      pltpu.make_async_copy(table.at[src_v.at[j]], rows0, sem_g0).wait()
      pltpu.sync_copy(rows0, acc_sh.at[dst_v.at[j]], add=True)
      if with_counts:
        pltpu.sync_copy(ones_v, cnt_sh.at[dst_v.at[j]], add=True)
      pltpu.async_copy(table.at[src_v.at[(j + 2) % NCH]], rows0, sem_g0)

      j1 = j + 1
      pltpu.make_async_copy(table.at[src_v.at[j1]], rows1, sem_g1).wait()
      pltpu.sync_copy(rows1, acc_sh.at[dst_v.at[j1]], add=True)
      if with_counts:
        pltpu.sync_copy(ones_v, cnt_sh.at[dst_v.at[j1]], add=True)
      pltpu.async_copy(table.at[src_v.at[(j1 + 2) % NCH]], rows1, sem_g1)

    pltpu.make_async_copy(table.at[src_v.at[0]], rows0, sem_g0).wait()
    pltpu.make_async_copy(table.at[src_v.at[1]], rows1, sem_g1).wait()
    plsc.subcore_barrier()

    ev_idx = 2 * lax.iota(jnp.int32, 16)
    NB = RPT // C
    rbufs = (rows0, rows1)
    fbufs = (fbuf, fbuf1)
    sin = (sem_i0, sem_i1)
    sout = (sem_o0, sem_o1)

    def blk(k):
      return acc_sh.at[pl.ds(s * RPT + k * C, C)]

    def oblk(k):
      return acc_out.at[c].at[pl.ds(s * RPT + k * C, C)]

    pltpu.async_copy(blk(0), rows0, sem_i0)
    for k in range(NB):
      b = k % 2
      pltpu.make_async_copy(blk(k), rbufs[b], sin[b]).wait()
      if k + 1 < NB:
        pltpu.async_copy(blk(k + 1), rbufs[1 - b], sin[1 - b])
      if k >= 2:
        pltpu.make_async_copy(fbufs[b], oblk(k - 2), sout[b]).wait()

      @pl.loop(0, C)
      def _(i):
        for g in range(D // 32):
          v = rbufs[b][i, pl.ds(32 * g, 32)]
          a, bb = plsc.unpack(v, format=plsc.PackFormat.INTERLEAVED)
          plsc.store_scatter(fbufs[b].at[i], [32 * g + ev_idx], a)
          plsc.store_scatter(fbufs[b].at[i], [32 * g + 1 + ev_idx], bb)

      pltpu.async_copy(fbufs[b], oblk(k), sout[b])
    pltpu.make_async_copy(fbuf, oblk(NB - 2), sem_o0).wait()
    pltpu.make_async_copy(fbuf1, oblk(NB - 1), sem_o1).wait()
    if with_counts:
      pltpu.sync_copy(cnt_sh.at[pl.ds(s * RPT, RPT)], cnt_v)
      pltpu.sync_copy(cnt_v, cnt_out.at[pl.ds(c * NP + s * RPT, RPT)])

  if with_counts:
    def body_wc(table, src_i, dst_i, acc_out, cnt_out, acc_sh, src_v,
                dst_v, rows0, rows1, fbuf, fbuf1, sem_i0, sem_i1,
                sem_o0, sem_o1, sem_g0, sem_g1, sem_s0, sem_s1,
                cnt_sh, ones_v, cnt_v, sem_c0, sem_c1):
      body(table, src_i, dst_i, acc_out, cnt_out, acc_sh, src_v, dst_v,
           rows0, rows1, fbuf, fbuf1, sem_i0, sem_i1, sem_o0, sem_o1,
           sem_g0, sem_g1, sem_s0, sem_s1,
           cnt_sh, ones_v, cnt_v, sem_c0, sem_c1)
    fn = body_wc
  else:
    def body_nc(table, src_i, dst_i, acc_out, acc_sh, src_v, dst_v,
                rows0, rows1, fbuf, fbuf1, sem_i0, sem_i1, sem_o0, sem_o1,
                sem_g0, sem_g1, sem_s0, sem_s1):
      body(table, src_i, dst_i, acc_out, None, acc_sh, src_v, dst_v,
           rows0, rows1, fbuf, fbuf1, sem_i0, sem_i1, sem_o0, sem_o1,
           sem_g0, sem_g1, sem_s0, sem_s1)
    fn = body_nc

  return pl.kernel(
      fn, out_type=out_type, mesh=_mesh, scratch_types=scratch,
      compiler_params=pltpu.CompilerParams(
          use_tc_tiling_on_sc=False, needs_layout_passes=False),
      name="sc_agg_cnt" if with_counts else "sc_agg")


_sc_agg_counts = _make_sc(True)
_sc_agg = _make_sc(False)


def _make_combine(out_dtype):
  def body(acc_ref, cnt_ref, h_ref, wl_ref, wr_ref, b_ref, out_ref):
    agg = acc_ref[0] + acc_ref[1]
    cnt = jnp.sum(cnt_ref[...], axis=0)[:, None]
    mean = agg * (1.0 / jnp.maximum(cnt, 1.0))
    dn = (((1,), (1,)), ((), ()))
    out = (
        lax.dot_general(mean, wl_ref[...], dn,
                        preferred_element_type=jnp.float32)
        + lax.dot_general(h_ref[...].astype(jnp.float32), wr_ref[...], dn,
                          preferred_element_type=jnp.float32)
        + b_ref[...])
    out_ref[...] = out.astype(out_dtype)

  return pl.pallas_call(
      body,
      grid=(NP // BT,),
      in_specs=[
          pl.BlockSpec((NC, BT, D), lambda i: (0, i, 0)),
          pl.BlockSpec((NC, BT), lambda i: (0, i)),
          pl.BlockSpec((BT, D), lambda i: (i, 0)),
          pl.BlockSpec((D, D), lambda i: (0, 0)),
          pl.BlockSpec((D, D), lambda i: (0, 0)),
          pl.BlockSpec((1, D), lambda i: (0, 0)),
      ],
      out_specs=pl.BlockSpec((BT, D), lambda i: (i, 0)),
      out_shape=jax.ShapeDtypeStruct((N, D), out_dtype),
  )


_tc_combine_mid = _make_combine(jnp.bfloat16)
_tc_combine_out = _make_combine(jnp.float32)


_WPB = 16


def _edge_prep_body(ei_ref, src_ref, dst_ref):
  g = pl.program_id(0)
  e0 = g * (_WPB * NCH * C)
  shp = (_WPB, NCH, C)
  eidx = e0 + (lax.broadcasted_iota(jnp.int32, shp, 0) * (NCH * C)
               + lax.broadcasted_iota(jnp.int32, shp, 1) * C
               + lax.broadcasted_iota(jnp.int32, shp, 2))
  valid = eidx < E
  s = ei_ref[0].reshape(shp)
  d = ei_ref[1].reshape(shp)
  src_ref[...] = jnp.where(valid, s, eidx % N)
  dst_ref[...] = jnp.where(valid, d, N + eidx % (NP - N))


_edge_prep = pl.pallas_call(
    _edge_prep_body,
    grid=(NW // _WPB,),
    in_specs=[pl.BlockSpec((2, _WPB * NCH * C), lambda i: (0, i))],
    out_specs=[
        pl.BlockSpec((_WPB, NCH, C), lambda i: (i, 0, 0)),
        pl.BlockSpec((_WPB, NCH, C), lambda i: (i, 0, 0)),
    ],
    out_shape=[
        jax.ShapeDtypeStruct((NW, NCH, C), jnp.int32),
        jax.ShapeDtypeStruct((NW, NCH, C), jnp.int32),
    ],
)




@jax.jit
def kernel(x, edge_index, W_l0, b_l0, W_r0, W_l1, b_l1, W_r1):
  src, dst = _edge_prep(edge_index)
  x_bf = x.astype(jnp.bfloat16)
  acc1, cnt1 = _sc_agg_counts(x_bf, src, dst)
  cnt1 = cnt1.reshape(NC, NP)
  h1 = _tc_combine_mid(acc1, cnt1, x_bf, W_l0, W_r0, b_l0.reshape(1, D))
  (acc2,) = _sc_agg(h1, src, dst)
  out = _tc_combine_out(acc2, cnt1, h1, W_l1, W_r1, b_l1.reshape(1, D))
  return out

# --- scband reference (transcript-rebuilt; emitter-appended) ---
"""Pipeline reference for scband-message-passing-block-90744069030125 (READ-ONLY COPY).

The authoritative reference and input builder live on the scoring server;
editing this copy changes nothing except your own understanding.
"""

import jax, jax.numpy as jnp
import numpy as np

N = 10000
E = 320000
D = 128


def setup_inputs(seed: int = 0):
    key = jax.random.key(seed)
    ks = jax.random.split(key, 10)
    x = jax.random.normal(ks[0], (N, D), dtype=jnp.float32)
    edge_index = jax.random.randint(ks[1], (2, E), 0, N, dtype=jnp.int32)
    s = 1.0 / np.sqrt(D)
    W_l0 = jax.random.uniform(ks[2], (D, D), minval=-s, maxval=s, dtype=jnp.float32)
    b_l0 = jax.random.uniform(ks[3], (D,), minval=-s, maxval=s, dtype=jnp.float32)
    W_r0 = jax.random.uniform(ks[4], (D, D), minval=-s, maxval=s, dtype=jnp.float32)
    W_l1 = jax.random.uniform(ks[5], (D, D), minval=-s, maxval=s, dtype=jnp.float32)
    b_l1 = jax.random.uniform(ks[6], (D,), minval=-s, maxval=s, dtype=jnp.float32)
    W_r1 = jax.random.uniform(ks[7], (D, D), minval=-s, maxval=s, dtype=jnp.float32)
    return {"x": x, "edge_index": edge_index, "W_l0": W_l0, "b_l0": b_l0, "W_r0": W_r0,
            "W_l1": W_l1, "b_l1": b_l1, "W_r1": W_r1}


def sage_conv(x, edge_index, W_l, b_l, W_r):
    # PyG SAGEConv with mean aggregation:
    # out = lin_l(mean_{j in N(i)} x_j) + lin_r(x_i)
    src = edge_index[0]
    dst = edge_index[1]
    msgs = jnp.take(x, src, axis=0)                       # gather (SparseCore)
    agg = jax.ops.segment_sum(msgs, dst, num_segments=N)  # scatter-add
    cnt = jax.ops.segment_sum(jnp.ones((msgs.shape[0], 1), dtype=x.dtype), dst, num_segments=N)
    mean = agg / jnp.clip(cnt, 1.0, None)
    return mean @ W_l.T + b_l + x @ W_r.T


def reference(x, edge_index, W_l0, b_l0, W_r0, W_l1, b_l1, W_r1):
    h = sage_conv(x, edge_index, W_l0, b_l0, W_r0)
    h = sage_conv(h, edge_index, W_l1, b_l1, W_r1)
    return h

if __name__ == "__main__":
    import jax
    _d = setup_inputs()
    print(jax.jit(kernel)(*tuple(_d.values())))

</pallas_src>

<mosaic_0001>
#map = affine_map<(d0, d1) -> (0, 0)>
#map1 = affine_map<(d0, d1) -> (0, 0, 0)>
module attributes {stable_mosaic.version = 14 : i64} {
  func.func @sc_agg(%arg0: i32, %arg1: i32, %arg2: memref<10000x128xbf16, #tpu.memory_space<hbm>>, %arg3: memref<32x80x128xi32, #tpu.memory_space<hbm>>, %arg4: memref<32x80x128xi32, #tpu.memory_space<hbm>>, %arg5: memref<2x10240x128xf32, #tpu.memory_space<hbm>>, %arg6: memref<10240x128xbf16, #tpu.memory_space<vmem_shared>>, %arg7: memref<80x128xi32, #tpu.memory_space<vmem>>, %arg8: memref<80x128xi32, #tpu.memory_space<vmem>>, %arg9: memref<128x128xbf16, #tpu.memory_space<vmem>>, %arg10: memref<128x128xbf16, #tpu.memory_space<vmem>>, %arg11: memref<128x128xf32, #tpu.memory_space<vmem>>, %arg12: memref<128x128xf32, #tpu.memory_space<vmem>>, %arg13: memref<!tpu.dma_semaphore, #tpu.memory_space<semaphore_mem>>, %arg14: memref<!tpu.dma_semaphore, #tpu.memory_space<semaphore_mem>>, %arg15: memref<!tpu.dma_semaphore, #tpu.memory_space<semaphore_mem>>, %arg16: memref<!tpu.dma_semaphore, #tpu.memory_space<semaphore_mem>>, %arg17: memref<!tpu.dma_semaphore, #tpu.memory_space<semaphore_mem>>, %arg18: memref<!tpu.dma_semaphore, #tpu.memory_space<semaphore_mem>>, %arg19: memref<!tpu.dma_semaphore, #tpu.memory_space<semaphore_mem>>, %arg20: memref<!tpu.dma_semaphore, #tpu.memory_space<semaphore_mem>>) attributes {dimension_semantics = [#tpu.dimension_semantics<core_parallel>, #tpu.dimension_semantics<subcore_parallel>], iteration_bounds = array<i64: 2, 16>, scalar_prefetch = 0 : i64, scratch_operands = 15 : i64, tpu.core_type = #tpu.core_type<sc_vector_subcore>, window_params = [{transform_indices = #map}, {transform_indices = #map1}, {transform_indices = #map1}, {transform_indices = #map1}]} {
    %mul3A = arith.constant 16 : i32
    %mul3A_0 = arith.muli %arg0, %mul3A : i32
    %add3A = arith.addi %mul3A_0, %arg1 : i32
    %broadcast_in_dim3A = arith.constant 0.000000e+00 : f32
    %broadcast_in_dim3A_1 = vector.broadcast %broadcast_in_dim3A : f32 to vector<16xf32>
    %broadcast_in_dim3A_2 = arith.constant 0.000000e+00 : bf16
    %broadcast_in_dim3A_3 = vector.broadcast %broadcast_in_dim3A_2 : bf16 to vector<32xbf16>
    %scan3A = arith.constant 0 : i32
    %scan3A_4 = arith.constant 128 : i32
    %scan3A_5 = arith.addi %scan3A, %scan3A_4 : i32
    %scan3A_6 = arith.constant 1 : i32
    scf.for %scan3A_313 = %scan3A to %scan3A_5 step %scan3A_6  : i32 {
      %mul3A_314 = arith.constant 1 : i32
      %mul3A_315 = arith.muli %scan3A_313, %mul3A_314 : i32
      %add3A_316 = arith.constant 0 : i32
      %add3A_317 = arith.addi %add3A_316, %mul3A_315 : i32
      %swap3A = arith.index_cast %add3A_317 : i32 to index
      %swap3A_318 = arith.constant 0 : index
      %swap3A_319 = tpu.vector_load %arg9[%swap3A, %swap3A_318] {strides = array<i32>} : memref<128x128xbf16, #tpu.memory_space<vmem>>, vector<32xbf16>,
      tpu.vector_store %arg9[%swap3A, %swap3A_318], %broadcast_in_dim3A_3 {strides = array<i32>} : memref<128x128xbf16, #tpu.memory_space<vmem>>, vector<32xbf16>,
      %swap3A_320 = arith.index_cast %add3A_317 : i32 to index
      %swap3A_321 = arith.constant 32 : index
      %swap3A_322 = tpu.vector_load %arg9[%swap3A_320, %swap3A_321] {strides = array<i32>} : memref<128x128xbf16, #tpu.memory_space<vmem>>, vector<32xbf16>,
      tpu.vector_store %arg9[%swap3A_320, %swap3A_321], %broadcast_in_dim3A_3 {strides = array<i32>} : memref<128x128xbf16, #tpu.memory_space<vmem>>, vector<32xbf16>,
      %swap3A_323 = arith.index_cast %add3A_317 : i32 to index
      %swap3A_324 = arith.constant 64 : index
      %swap3A_325 = tpu.vector_load %arg9[%swap3A_323, %swap3A_324] {strides = array<i32>} : memref<128x128xbf16, #tpu.memory_space<vmem>>, vector<32xbf16>,
      tpu.vector_store %arg9[%swap3A_323, %swap3A_324], %broadcast_in_dim3A_3 {strides = array<i32>} : memref<128x128xbf16, #tpu.memory_space<vmem>>, vector<32xbf16>,
      %swap3A_326 = arith.index_cast %add3A_317 : i32 to index
      %swap3A_327 = arith.constant 96 : index
      %swap3A_328 = tpu.vector_load %arg9[%swap3A_326, %swap3A_327] {strides = array<i32>} : memref<128x128xbf16, #tpu.memory_space<vmem>>, vector<32xbf16>,
      tpu.vector_store %arg9[%swap3A_326, %swap3A_327], %broadcast_in_dim3A_3 {strides = array<i32>} : memref<128x128xbf16, #tpu.memory_space<vmem>>, vector<32xbf16>,
    }
    %scan3A_7 = arith.constant 128 : i32
    %scan3A_8 = arith.constant 0 : i32
    %scan3A_9 = arith.constant 5 : i32
    %scan3A_10 = arith.addi %scan3A_8, %scan3A_9 : i32
    %scan3A_11 = arith.constant 1 : i32
    scf.for %scan3A_313 = %scan3A_8 to %scan3A_10 step %scan3A_11  : i32 {
      %mul3A_314 = arith.constant 1 : i32
      %mul3A_315 = arith.muli %scan3A_313, %mul3A_314 : i32
      %add3A_316 = arith.constant 0 : i32
      %add3A_317 = arith.addi %add3A_316, %mul3A_315 : i32
      %mul3A_318 = arith.constant 640 : i32
      %mul3A_319 = arith.muli %arg1, %mul3A_318 : i32
      %mul3A_320 = arith.constant 128 : i32
      %mul3A_321 = arith.muli %add3A_317, %mul3A_320 : i32
      %add3A_322 = arith.addi %mul3A_319, %mul3A_321 : i32
      "tpu.region"() ({
        %run_scoped3A = tpu.sem_alloc : memref<!tpu.dma_semaphore, #tpu.memory_space<semaphore_mem>>
        %dma_start3A_323 = arith.constant 0 : i32
        %dma_start3A_324 = tpu.memref_slice %arg6[%add3A_322, %dma_start3A_323] : memref<10240x128xbf16, #tpu.memory_space<vmem_shared>> -> memref<128x128xbf16, #tpu.memory_space<vmem_shared>>
        %dma_start3A_325 = arith.constant 0 : i32
        %dma_start3A_326 = tpu.memref_slice %arg6[%add3A_322, %dma_start3A_325] : memref<10240x128xbf16, #tpu.memory_space<vmem_shared>> -> memref<128x128xbf16, #tpu.memory_space<vmem_shared>>
        tpu.enqueue_dma source(%arg9 : memref<128x128xbf16, #tpu.memory_space<vmem>>) target(%dma_start3A_326 : memref<128x128xbf16, #tpu.memory_space<vmem_shared>>) target_semaphore(%run_scoped3A : memref<!tpu.dma_semaphore, #tpu.memory_space<semaphore_mem>>)
        %dma_wait3A_327 = arith.constant 0 : i32
        %dma_wait3A_328 = tpu.memref_slice %arg6[%add3A_322, %dma_wait3A_327] : memref<10240x128xbf16, #tpu.memory_space<vmem_shared>> -> memref<128x128xbf16, #tpu.memory_space<vmem_shared>>
        %dma_wait3A_329 = arith.constant 0 : i32
        %dma_wait3A_330 = tpu.memref_slice %arg6[%add3A_322, %dma_wait3A_329] : memref<10240x128xbf16, #tpu.memory_space<vmem_shared>> -> memref<128x128xbf16, #tpu.memory_space<vmem_shared>>
        tpu.wait_dma2 semaphore(%run_scoped3A : memref<!tpu.dma_semaphore, #tpu.memory_space<semaphore_mem>>) src(%arg9 : memref<128x128xbf16, #tpu.memory_space<vmem>>) dst(%dma_wait3A_330 : memref<128x128xbf16, #tpu.memory_space<vmem_shared>>)
        tpu.yield
      }) : () -> ()
    }
    %scan3A_12 = arith.constant 5 : i32
    "tpu.region"() ({
      %run_scoped3A = tpu.sem_alloc : memref<!tpu.dma_semaphore, #tpu.memory_space<semaphore_mem>>
      %dma_start3A_313 = arith.constant 0 : i32
      %dma_start3A_314 = arith.constant 0 : i32
      %dma_start3A_315 = tpu.memref_slice %arg3[%add3A, %dma_start3A_313, %dma_start3A_314] : memref<32x80x128xi32, #tpu.memory_space<hbm>> -> memref<1x80x128xi32, #tpu.memory_space<hbm>>
      %dma_start3A_316 = tpu.memref_squeeze %dma_start3A_315 : memref<1x80x128xi32, #tpu.memory_space<hbm>> -> memref<80x128xi32, #tpu.memory_space<hbm>>
      %dma_start3A_317 = arith.constant 0 : i32
      %dma_start3A_318 = arith.constant 0 : i32
      %dma_start3A_319 = tpu.memref_slice %arg3[%add3A, %dma_start3A_317, %dma_start3A_318] : memref<32x80x128xi32, #tpu.memory_space<hbm>> -> memref<1x80x128xi32, #tpu.memory_space<hbm>>
      %dma_start3A_320 = tpu.memref_squeeze %dma_start3A_319 : memref<1x80x128xi32, #tpu.memory_space<hbm>> -> memref<80x128xi32, #tpu.memory_space<hbm>>
      tpu.enqueue_dma source(%dma_start3A_320 : memref<80x128xi32, #tpu.memory_space<hbm>>) target(%arg7 : memref<80x128xi32, #tpu.memory_space<vmem>>) target_semaphore(%run_scoped3A : memref<!tpu.dma_semaphore, #tpu.memory_space<semaphore_mem>>)
      %dma_wait3A_321 = arith.constant 0 : i32
      %dma_wait3A_322 = arith.constant 0 : i32
      %dma_wait3A_323 = tpu.memref_slice %arg3[%add3A, %dma_wait3A_321, %dma_wait3A_322] : memref<32x80x128xi32, #tpu.memory_space<hbm>> -> memref<1x80x128xi32, #tpu.memory_space<hbm>>
      %dma_wait3A_324 = tpu.memref_squeeze %dma_wait3A_323 : memref<1x80x128xi32, #tpu.memory_space<hbm>> -> memref<80x128xi32, #tpu.memory_space<hbm>>
      %dma_wait3A_325 = arith.constant 0 : i32
      %dma_wait3A_326 = arith.constant 0 : i32
      %dma_wait3A_327 = tpu.memref_slice %arg3[%add3A, %dma_wait3A_325, %dma_wait3A_326] : memref<32x80x128xi32, #tpu.memory_space<hbm>> -> memref<1x80x128xi32, #tpu.memory_space<hbm>>
      %dma_wait3A_328 = tpu.memref_squeeze %dma_wait3A_327 : memref<1x80x128xi32, #tpu.memory_space<hbm>> -> memref<80x128xi32, #tpu.memory_space<hbm>>
      tpu.wait_dma2 semaphore(%run_scoped3A : memref<!tpu.dma_semaphore, #tpu.memory_space<semaphore_mem>>) src(%dma_wait3A_328 : memref<80x128xi32, #tpu.memory_space<hbm>>) dst(%arg7 : memref<80x128xi32, #tpu.memory_space<vmem>>)
      tpu.yield
    }) : () -> ()
    "tpu.region"() ({
      %run_scoped3A = tpu.sem_alloc : memref<!tpu.dma_semaphore, #tpu.memory_space<semaphore_mem>>
      %dma_start3A_313 = arith.constant 0 : i32
      %dma_start3A_314 = arith.constant 0 : i32
      %dma_start3A_315 = tpu.memref_slice %arg4[%add3A, %dma_start3A_313, %dma_start3A_314] : memref<32x80x128xi32, #tpu.memory_space<hbm>> -> memref<1x80x128xi32, #tpu.memory_space<hbm>>
      %dma_start3A_316 = tpu.memref_squeeze %dma_start3A_315 : memref<1x80x128xi32, #tpu.memory_space<hbm>> -> memref<80x128xi32, #tpu.memory_space<hbm>>
      %dma_start3A_317 = arith.constant 0 : i32
      %dma_start3A_318 = arith.constant 0 : i32
      %dma_start3A_319 = tpu.memref_slice %arg4[%add3A, %dma_start3A_317, %dma_start3A_318] : memref<32x80x128xi32, #tpu.memory_space<hbm>> -> memref<1x80x128xi32, #tpu.memory_space<hbm>>
      %dma_start3A_320 = tpu.memref_squeeze %dma_start3A_319 : memref<1x80x128xi32, #tpu.memory_space<hbm>> -> memref<80x128xi32, #tpu.memory_space<hbm>>
      tpu.enqueue_dma source(%dma_start3A_320 : memref<80x128xi32, #tpu.memory_space<hbm>>) target(%arg8 : memref<80x128xi32, #tpu.memory_space<vmem>>) target_semaphore(%run_scoped3A : memref<!tpu.dma_semaphore, #tpu.memory_space<semaphore_mem>>)
      %dma_wait3A_321 = arith.constant 0 : i32
      %dma_wait3A_322 = arith.constant 0 : i32
      %dma_wait3A_323 = tpu.memref_slice %arg4[%add3A, %dma_wait3A_321, %dma_wait3A_322] : memref<32x80x128xi32, #tpu.memory_space<hbm>> -> memref<1x80x128xi32, #tpu.memory_space<hbm>>
      %dma_wait3A_324 = tpu.memref_squeeze %dma_wait3A_323 : memref<1x80x128xi32, #tpu.memory_space<hbm>> -> memref<80x128xi32, #tpu.memory_space<hbm>>
      %dma_wait3A_325 = arith.constant 0 : i32
      %dma_wait3A_326 = arith.constant 0 : i32
      %dma_wait3A_327 = tpu.memref_slice %arg4[%add3A, %dma_wait3A_325, %dma_wait3A_326] : memref<32x80x128xi32, #tpu.memory_space<hbm>> -> memref<1x80x128xi32, #tpu.memory_space<hbm>>
      %dma_wait3A_328 = tpu.memref_squeeze %dma_wait3A_327 : memref<1x80x128xi32, #tpu.memory_space<hbm>> -> memref<80x128xi32, #tpu.memory_space<hbm>>
      tpu.wait_dma2 semaphore(%run_scoped3A : memref<!tpu.dma_semaphore, #tpu.memory_space<semaphore_mem>>) src(%dma_wait3A_328 : memref<80x128xi32, #tpu.memory_space<hbm>>) dst(%arg8 : memref<80x128xi32, #tpu.memory_space<vmem>>)
      tpu.yield
    }) : () -> ()
    %barrier3A = arith.constant 0 : index
    tpu.barrier barrier_id(%barrier3A)
    %dma_start3A = arith.constant 0 : i32
    %dma_start3A_13 = arith.constant 0 : i32
    %dma_start3A_14 = tpu.memref_slice %arg7[%dma_start3A, %dma_start3A_13] : memref<80x128xi32, #tpu.memory_space<vmem>> -> memref<1x128xi32, #tpu.memory_space<vmem>>
    %dma_start3A_15 = tpu.memref_squeeze %dma_start3A_14 : memref<1x128xi32, #tpu.memory_space<vmem>> -> memref<128xi32, #tpu.memory_space<vmem>>
    %dma_start3A_16 = arith.constant 0 : i32
    %dma_start3A_17 = arith.constant 0 : i32
    %dma_start3A_18 = tpu.memref_slice %arg2[%dma_start3A_16, %dma_start3A_17] : memref<10000x128xbf16, #tpu.memory_space<hbm>> -> memref<10000x128xbf16, #tpu.memory_space<hbm>>
    tpu.enqueue_indirect_dma source(%dma_start3A_18 : memref<10000x128xbf16, #tpu.memory_space<hbm>>) target(%arg9 : memref<128x128xbf16, #tpu.memory_space<vmem>>) offsets(%dma_start3A_15 : memref<128xi32, #tpu.memory_space<vmem>>) semaphore(%arg17 : memref<!tpu.dma_semaphore, #tpu.memory_space<semaphore_mem>>)
    %dma_start3A_19 = arith.constant 1 : i32
    %dma_start3A_20 = arith.constant 0 : i32
    %dma_start3A_21 = tpu.memref_slice %arg7[%dma_start3A_19, %dma_start3A_20] : memref<80x128xi32, #tpu.memory_space<vmem>> -> memref<1x128xi32, #tpu.memory_space<vmem>>
    %dma_start3A_22 = tpu.memref_squeeze %dma_start3A_21 : memref<1x128xi32, #tpu.memory_space<vmem>> -> memref<128xi32, #tpu.memory_space<vmem>>
    %dma_start3A_23 = arith.constant 0 : i32
    %dma_start3A_24 = arith.constant 0 : i32
    %dma_start3A_25 = tpu.memref_slice %arg2[%dma_start3A_23, %dma_start3A_24] : memref<10000x128xbf16, #tpu.memory_space<hbm>> -> memref<10000x128xbf16, #tpu.memory_space<hbm>>
    tpu.enqueue_indirect_dma source(%dma_start3A_25 : memref<10000x128xbf16, #tpu.memory_space<hbm>>) target(%arg10 : memref<128x128xbf16, #tpu.memory_space<vmem>>) offsets(%dma_start3A_22 : memref<128xi32, #tpu.memory_space<vmem>>) semaphore(%arg18 : memref<!tpu.dma_semaphore, #tpu.memory_space<semaphore_mem>>)
    %scan3A_26 = arith.constant 0 : i32
    %scan3A_27 = arith.constant 40 : i32
    %scan3A_28 = arith.addi %scan3A_26, %scan3A_27 : i32
    %scan3A_29 = arith.constant 1 : i32
    scf.for %scan3A_313 = %scan3A_26 to %scan3A_28 step %scan3A_29  : i32 {
      %mul3A_314 = arith.constant 2 : i32
      %mul3A_315 = arith.muli %scan3A_313, %mul3A_314 : i32
      %add3A_316 = arith.constant 0 : i32
      %add3A_317 = arith.addi %add3A_316, %mul3A_315 : i32
      %dma_wait3A_318 = arith.constant 0 : i32
      %dma_wait3A_319 = tpu.memref_slice %arg7[%add3A_317, %dma_wait3A_318] : memref<80x128xi32, #tpu.memory_space<vmem>> -> memref<1x128xi32, #tpu.memory_space<vmem>>
      %dma_wait3A_320 = tpu.memref_squeeze %dma_wait3A_319 : memref<1x128xi32, #tpu.memory_space<vmem>> -> memref<128xi32, #tpu.memory_space<vmem>>
      %dma_wait3A_321 = arith.constant 0 : i32
      %dma_wait3A_322 = arith.constant 0 : i32
      %dma_wait3A_323 = tpu.memref_slice %arg2[%dma_wait3A_321, %dma_wait3A_322] : memref<10000x128xbf16, #tpu.memory_space<hbm>> -> memref<10000x128xbf16, #tpu.memory_space<hbm>>
      tpu.wait_indirect_dma semaphore(%arg17 : memref<!tpu.dma_semaphore, #tpu.memory_space<semaphore_mem>>) src(%dma_wait3A_323 : memref<10000x128xbf16, #tpu.memory_space<hbm>>) dst(%arg9 : memref<128x128xbf16, #tpu.memory_space<vmem>>)
      "tpu.region"() ({
        %run_scoped3A = tpu.sem_alloc : memref<!tpu.dma_semaphore, #tpu.memory_space<semaphore_mem>>
        %dma_start3A_373 = arith.constant 0 : i32
        %dma_start3A_374 = tpu.memref_slice %arg8[%add3A_317, %dma_start3A_373] : memref<80x128xi32, #tpu.memory_space<vmem>> -> memref<1x128xi32, #tpu.memory_space<vmem>>
        %dma_start3A_375 = tpu.memref_squeeze %dma_start3A_374 : memref<1x128xi32, #tpu.memory_space<vmem>> -> memref<128xi32, #tpu.memory_space<vmem>>
        %dma_start3A_376 = arith.constant 0 : i32
        %dma_start3A_377 = arith.constant 0 : i32
        %dma_start3A_378 = tpu.memref_slice %arg6[%dma_start3A_376, %dma_start3A_377] : memref<10240x128xbf16, #tpu.memory_space<vmem_shared>> -> memref<10240x128xbf16, #tpu.memory_space<vmem_shared>>
        tpu.enqueue_indirect_dma source(%arg9 : memref<128x128xbf16, #tpu.memory_space<vmem>>) target(%dma_start3A_378 : memref<10240x128xbf16, #tpu.memory_space<vmem_shared>>) offsets(%dma_start3A_375 : memref<128xi32, #tpu.memory_space<vmem>>) semaphore(%run_scoped3A : memref<!tpu.dma_semaphore, #tpu.memory_space<semaphore_mem>>) {add = true}
        %dma_wait3A_379 = arith.constant 0 : i32
        %dma_wait3A_380 = tpu.memref_slice %arg8[%add3A_317, %dma_wait3A_379] : memref<80x128xi32, #tpu.memory_space<vmem>> -> memref<1x128xi32, #tpu.memory_space<vmem>>
        %dma_wait3A_381 = tpu.memref_squeeze %dma_wait3A_380 : memref<1x128xi32, #tpu.memory_space<vmem>> -> memref<128xi32, #tpu.memory_space<vmem>>
        %dma_wait3A_382 = arith.constant 0 : i32
        %dma_wait3A_383 = arith.constant 0 : i32
        %dma_wait3A_384 = tpu.memref_slice %arg6[%dma_wait3A_382, %dma_wait3A_383] : memref<10240x128xbf16, #tpu.memory_space<vmem_shared>> -> memref<10240x128xbf16, #tpu.memory_space<vmem_shared>>
        tpu.wait_indirect_dma semaphore(%run_scoped3A : memref<!tpu.dma_semaphore, #tpu.memory_space<semaphore_mem>>) src(%arg9 : memref<128x128xbf16, #tpu.memory_space<vmem>>) dst(%dma_wait3A_384 : memref<10240x128xbf16, #tpu.memory_space<vmem_shared>>)
        tpu.yield
      }) : () -> ()
      %add3A_324 = arith.constant 2 : i32
      %add3A_325 = arith.addi %add3A_317, %add3A_324 : i32
      %jit3A = arith.constant 80 : i32
      %eq3A = arith.constant 0 : i32
      %eq3A_326 = arith.cmpi eq, %jit3A, %eq3A : i32
      %jit3A_327 = arith.constant 1 : i32
      %select_n3A = arith.select %eq3A_326, %jit3A_327, %jit3A : i32
      %rem3A = arith.remsi %add3A_325, %select_n3A : i32
      %ne3A = arith.constant 0 : i32
      %ne3A_328 = arith.cmpi ne, %rem3A, %ne3A : i32
      %lt3A = arith.constant 0 : i32
      %lt3A_329 = arith.cmpi slt, %rem3A, %lt3A : i32
      %lt3A_330 = arith.constant 0 : i32
      %lt3A_331 = arith.cmpi slt, %select_n3A, %lt3A_330 : i32
      %ne3A_332 = arith.xori %lt3A_329, %lt3A_331 : i1
      %and3A = arith.andi %ne3A_332, %ne3A_328 : i1
      %add3A_333 = arith.addi %rem3A, %select_n3A : i32
      %select_n3A_334 = arith.select %and3A, %add3A_333, %rem3A : i32
      %dma_start3A_335 = arith.constant 0 : i32
      %dma_start3A_336 = tpu.memref_slice %arg7[%select_n3A_334, %dma_start3A_335] : memref<80x128xi32, #tpu.memory_space<vmem>> -> memref<1x128xi32, #tpu.memory_space<vmem>>
      %dma_start3A_337 = tpu.memref_squeeze %dma_start3A_336 : memref<1x128xi32, #tpu.memory_space<vmem>> -> memref<128xi32, #tpu.memory_space<vmem>>
      %dma_start3A_338 = arith.constant 0 : i32
      %dma_start3A_339 = arith.constant 0 : i32
      %dma_start3A_340 = tpu.memref_slice %arg2[%dma_start3A_338, %dma_start3A_339] : memref<10000x128xbf16, #tpu.memory_space<hbm>> -> memref<10000x128xbf16, #tpu.memory_space<hbm>>
      tpu.enqueue_indirect_dma source(%dma_start3A_340 : memref<10000x128xbf16, #tpu.memory_space<hbm>>) target(%arg9 : memref<128x128xbf16, #tpu.memory_space<vmem>>) offsets(%dma_start3A_337 : memref<128xi32, #tpu.memory_space<vmem>>) semaphore(%arg17 : memref<!tpu.dma_semaphore, #tpu.memory_space<semaphore_mem>>)
      %add3A_341 = arith.constant 1 : i32
      %add3A_342 = arith.addi %add3A_317, %add3A_341 : i32
      %dma_wait3A_343 = arith.constant 0 : i32
      %dma_wait3A_344 = tpu.memref_slice %arg7[%add3A_342, %dma_wait3A_343] : memref<80x128xi32, #tpu.memory_space<vmem>> -> memref<1x128xi32, #tpu.memory_space<vmem>>
      %dma_wait3A_345 = tpu.memref_squeeze %dma_wait3A_344 : memref<1x128xi32, #tpu.memory_space<vmem>> -> memref<128xi32, #tpu.memory_space<vmem>>
      %dma_wait3A_346 = arith.constant 0 : i32
      %dma_wait3A_347 = arith.constant 0 : i32
      %dma_wait3A_348 = tpu.memref_slice %arg2[%dma_wait3A_346, %dma_wait3A_347] : memref<10000x128xbf16, #tpu.memory_space<hbm>> -> memref<10000x128xbf16, #tpu.memory_space<hbm>>
      tpu.wait_indirect_dma semaphore(%arg18 : memref<!tpu.dma_semaphore, #tpu.memory_space<semaphore_mem>>) src(%dma_wait3A_348 : memref<10000x128xbf16, #tpu.memory_space<hbm>>) dst(%arg10 : memref<128x128xbf16, #tpu.memory_space<vmem>>)
      "tpu.region"() ({
        %run_scoped3A = tpu.sem_alloc : memref<!tpu.dma_semaphore, #tpu.memory_space<semaphore_mem>>
        %dma_start3A_373 = arith.constant 0 : i32
        %dma_start3A_374 = tpu.memref_slice %arg8[%add3A_342, %dma_start3A_373] : memref<80x128xi32, #tpu.memory_space<vmem>> -> memref<1x128xi32, #tpu.memory_space<vmem>>
        %dma_start3A_375 = tpu.memref_squeeze %dma_start3A_374 : memref<1x128xi32, #tpu.memory_space<vmem>> -> memref<128xi32, #tpu.memory_space<vmem>>
        %dma_start3A_376 = arith.constant 0 : i32
        %dma_start3A_377 = arith.constant 0 : i32
        %dma_start3A_378 = tpu.memref_slice %arg6[%dma_start3A_376, %dma_start3A_377] : memref<10240x128xbf16, #tpu.memory_space<vmem_shared>> -> memref<10240x128xbf16, #tpu.memory_space<vmem_shared>>
        tpu.enqueue_indirect_dma source(%arg10 : memref<128x128xbf16, #tpu.memory_space<vmem>>) target(%dma_start3A_378 : memref<10240x128xbf16, #tpu.memory_space<vmem_shared>>) offsets(%dma_start3A_375 : memref<128xi32, #tpu.memory_space<vmem>>) semaphore(%run_scoped3A : memref<!tpu.dma_semaphore, #tpu.memory_space<semaphore_mem>>) {add = true}
        %dma_wait3A_379 = arith.constant 0 : i32
        %dma_wait3A_380 = tpu.memref_slice %arg8[%add3A_342, %dma_wait3A_379] : memref<80x128xi32, #tpu.memory_space<vmem>> -> memref<1x128xi32, #tpu.memory_space<vmem>>
        %dma_wait3A_381 = tpu.memref_squeeze %dma_wait3A_380 : memref<1x128xi32, #tpu.memory_space<vmem>> -> memref<128xi32, #tpu.memory_space<vmem>>
        %dma_wait3A_382 = arith.constant 0 : i32
        %dma_wait3A_383 = arith.constant 0 : i32
        %dma_wait3A_384 = tpu.memref_slice %arg6[%dma_wait3A_382, %dma_wait3A_383] : memref<10240x128xbf16, #tpu.memory_space<vmem_shared>> -> memref<10240x128xbf16, #tpu.memory_space<vmem_shared>>
        tpu.wait_indirect_dma semaphore(%run_scoped3A : memref<!tpu.dma_semaphore, #tpu.memory_space<semaphore_mem>>) src(%arg10 : memref<128x128xbf16, #tpu.memory_space<vmem>>) dst(%dma_wait3A_384 : memref<10240x128xbf16, #tpu.memory_space<vmem_shared>>)
        tpu.yield
      }) : () -> ()
      %add3A_349 = arith.constant 2 : i32
      %add3A_350 = arith.addi %add3A_342, %add3A_349 : i32
      %jit3A_351 = arith.constant 80 : i32
      %eq3A_352 = arith.constant 0 : i32
      %eq3A_353 = arith.cmpi eq, %jit3A_351, %eq3A_352 : i32
      %jit3A_354 = arith.constant 1 : i32
      %select_n3A_355 = arith.select %eq3A_353, %jit3A_354, %jit3A_351 : i32
      %rem3A_356 = arith.remsi %add3A_350, %select_n3A_355 : i32
      %ne3A_357 = arith.constant 0 : i32
      %ne3A_358 = arith.cmpi ne, %rem3A_356, %ne3A_357 : i32
      %lt3A_359 = arith.constant 0 : i32
      %lt3A_360 = arith.cmpi slt, %rem3A_356, %lt3A_359 : i32
      %lt3A_361 = arith.constant 0 : i32
      %lt3A_362 = arith.cmpi slt, %select_n3A_355, %lt3A_361 : i32
      %ne3A_363 = arith.xori %lt3A_360, %lt3A_362 : i1
      %and3A_364 = arith.andi %ne3A_363, %ne3A_358 : i1
      %add3A_365 = arith.addi %rem3A_356, %select_n3A_355 : i32
      %select_n3A_366 = arith.select %and3A_364, %add3A_365, %rem3A_356 : i32
      %dma_start3A_367 = arith.constant 0 : i32
      %dma_start3A_368 = tpu.memref_slice %arg7[%select_n3A_366, %dma_start3A_367] : memref<80x128xi32, #tpu.memory_space<vmem>> -> memref<1x128xi32, #tpu.memory_space<vmem>>
      %dma_start3A_369 = tpu.memref_squeeze %dma_start3A_368 : memref<1x128xi32, #tpu.memory_space<vmem>> -> memref<128xi32, #tpu.memory_space<vmem>>
      %dma_start3A_370 = arith.constant 0 : i32
      %dma_start3A_371 = arith.constant 0 : i32
      %dma_start3A_372 = tpu.memref_slice %arg2[%dma_start3A_370, %dma_start3A_371] : memref<10000x128xbf16, #tpu.memory_space<hbm>> -> memref<10000x128xbf16, #tpu.memory_space<hbm>>
      tpu.enqueue_indirect_dma source(%dma_start3A_372 : memref<10000x128xbf16, #tpu.memory_space<hbm>>) target(%arg10 : memref<128x128xbf16, #tpu.memory_space<vmem>>) offsets(%dma_start3A_369 : memref<128xi32, #tpu.memory_space<vmem>>) semaphore(%arg18 : memref<!tpu.dma_semaphore, #tpu.memory_space<semaphore_mem>>)
    }
    %scan3A_30 = arith.constant 40 : i32
    %dma_wait3A = arith.constant 0 : i32
    %dma_wait3A_31 = arith.constant 0 : i32
    %dma_wait3A_32 = tpu.memref_slice %arg7[%dma_wait3A, %dma_wait3A_31] : memref<80x128xi32, #tpu.memory_space<vmem>> -> memref<1x128xi32, #tpu.memory_space<vmem>>
    %dma_wait3A_33 = tpu.memref_squeeze %dma_wait3A_32 : memref<1x128xi32, #tpu.memory_space<vmem>> -> memref<128xi32, #tpu.memory_space<vmem>>
    %dma_wait3A_34 = arith.constant 0 : i32
    %dma_wait3A_35 = arith.constant 0 : i32
    %dma_wait3A_36 = tpu.memref_slice %arg2[%dma_wait3A_34, %dma_wait3A_35] : memref<10000x128xbf16, #tpu.memory_space<hbm>> -> memref<10000x128xbf16, #tpu.memory_space<hbm>>
    tpu.wait_indirect_dma semaphore(%arg17 : memref<!tpu.dma_semaphore, #tpu.memory_space<semaphore_mem>>) src(%dma_wait3A_36 : memref<10000x128xbf16, #tpu.memory_space<hbm>>) dst(%arg9 : memref<128x128xbf16, #tpu.memory_space<vmem>>)
    %dma_wait3A_37 = arith.constant 1 : i32
    %dma_wait3A_38 = arith.constant 0 : i32
    %dma_wait3A_39 = tpu.memref_slice %arg7[%dma_wait3A_37, %dma_wait3A_38] : memref<80x128xi32, #tpu.memory_space<vmem>> -> memref<1x128xi32, #tpu.memory_space<vmem>>
    %dma_wait3A_40 = tpu.memref_squeeze %dma_wait3A_39 : memref<1x128xi32, #tpu.memory_space<vmem>> -> memref<128xi32, #tpu.memory_space<vmem>>
    %dma_wait3A_41 = arith.constant 0 : i32
    %dma_wait3A_42 = arith.constant 0 : i32
    %dma_wait3A_43 = tpu.memref_slice %arg2[%dma_wait3A_41, %dma_wait3A_42] : memref<10000x128xbf16, #tpu.memory_space<hbm>> -> memref<10000x128xbf16, #tpu.memory_space<hbm>>
    tpu.wait_indirect_dma semaphore(%arg18 : memref<!tpu.dma_semaphore, #tpu.memory_space<semaphore_mem>>) src(%dma_wait3A_43 : memref<10000x128xbf16, #tpu.memory_space<hbm>>) dst(%arg10 : memref<128x128xbf16, #tpu.memory_space<vmem>>)
    %barrier3A_44 = arith.constant 0 : index
    tpu.barrier barrier_id(%barrier3A_44)
    %iota3A = tpu.iota {dimensions = array<i32: 0>} : vector<16xi32>
    %mul3A_45 = arith.constant 2 : i32
    %mul3A_46 = vector.broadcast %mul3A_45 : i32 to vector<16xi32>
    %mul3A_47 = arith.muli %mul3A_46, %iota3A : vector<16xi32>
    %mul3A_48 = arith.constant 640 : i32
    %mul3A_49 = arith.muli %arg1, %mul3A_48 : i32
    %add3A_50 = arith.constant 0 : i32
    %add3A_51 = arith.addi %mul3A_49, %add3A_50 : i32
    %dma_start3A_52 = arith.constant 0 : i32
    %dma_start3A_53 = tpu.memref_slice %arg6[%add3A_51, %dma_start3A_52] : memref<10240x128xbf16, #tpu.memory_space<vmem_shared>> -> memref<128x128xbf16, #tpu.memory_space<vmem_shared>>
    %dma_start3A_54 = arith.constant 0 : i32
    %dma_start3A_55 = tpu.memref_slice %arg6[%add3A_51, %dma_start3A_54] : memref<10240x128xbf16, #tpu.memory_space<vmem_shared>> -> memref<128x128xbf16, #tpu.memory_space<vmem_shared>>
    tpu.enqueue_dma source(%dma_start3A_55 : memref<128x128xbf16, #tpu.memory_space<vmem_shared>>) target(%arg9 : memref<128x128xbf16, #tpu.memory_space<vmem>>) target_semaphore(%arg13 : memref<!tpu.dma_semaphore, #tpu.memory_space<semaphore_mem>>)
    %mul3A_56 = arith.constant 640 : i32
    %mul3A_57 = arith.muli %arg1, %mul3A_56 : i32
    %add3A_58 = arith.constant 0 : i32
    %add3A_59 = arith.addi %mul3A_57, %add3A_58 : i32
    %dma_wait3A_60 = arith.constant 0 : i32
    %dma_wait3A_61 = tpu.memref_slice %arg6[%add3A_59, %dma_wait3A_60] : memref<10240x128xbf16, #tpu.memory_space<vmem_shared>> -> memref<128x128xbf16, #tpu.memory_space<vmem_shared>>
    %dma_wait3A_62 = arith.constant 0 : i32
    %dma_wait3A_63 = tpu.memref_slice %arg6[%add3A_59, %dma_wait3A_62] : memref<10240x128xbf16, #tpu.memory_space<vmem_shared>> -> memref<128x128xbf16, #tpu.memory_space<vmem_shared>>
    tpu.wait_dma2 semaphore(%arg13 : memref<!tpu.dma_semaphore, #tpu.memory_space<semaphore_mem>>) src(%dma_wait3A_63 : memref<128x128xbf16, #tpu.memory_space<vmem_shared>>) dst(%arg9 : memref<128x128xbf16, #tpu.memory_space<vmem>>)
    %mul3A_64 = arith.constant 640 : i32
    %mul3A_65 = arith.muli %arg1, %mul3A_64 : i32
    %add3A_66 = arith.constant 128 : i32
    %add3A_67 = arith.addi %mul3A_65, %add3A_66 : i32
    %dma_start3A_68 = arith.constant 0 : i32
    %dma_start3A_69 = tpu.memref_slice %arg6[%add3A_67, %dma_start3A_68] : memref<10240x128xbf16, #tpu.memory_space<vmem_shared>> -> memref<128x128xbf16, #tpu.memory_space<vmem_shared>>
    %dma_start3A_70 = arith.constant 0 : i32
    %dma_start3A_71 = tpu.memref_slice %arg6[%add3A_67, %dma_start3A_70] : memref<10240x128xbf16, #tpu.memory_space<vmem_shared>> -> memref<128x128xbf16, #tpu.memory_space<vmem_shared>>
    tpu.enqueue_dma source(%dma_start3A_71 : memref<128x128xbf16, #tpu.memory_space<vmem_shared>>) target(%arg10 : memref<128x128xbf16, #tpu.memory_space<vmem>>) target_semaphore(%arg14 : memref<!tpu.dma_semaphore, #tpu.memory_space<semaphore_mem>>)
    %scan3A_72 = arith.constant 0 : i32
    %scan3A_73 = arith.constant 128 : i32
    %scan3A_74 = arith.addi %scan3A_72, %scan3A_73 : i32
    %scan3A_75 = arith.constant 1 : i32
    scf.for %scan3A_313 = %scan3A_72 to %scan3A_74 step %scan3A_75  : i32 {
      %mul3A_314 = arith.constant 1 : i32
      %mul3A_315 = arith.muli %scan3A_313, %mul3A_314 : i32
      %add3A_316 = arith.constant 0 : i32
      %add3A_317 = arith.addi %add3A_316, %mul3A_315 : i32
      %get3A = arith.index_cast %add3A_317 : i32 to index
      %get3A_318 = arith.constant 0 : index
      %get3A_319 = tpu.vector_load %arg9[%get3A, %get3A_318] {strides = array<i32>} : memref<128x128xbf16, #tpu.memory_space<vmem>>, vector<32xbf16>,
      %unpack3A = tpu.unpack_subelements %get3A_319, 0 {pack_format = #tpu.pack_format<interleaved>} : vector<32xbf16> -> vector<16xf32>
      %unpack3A_320 = tpu.unpack_subelements %get3A_319, 1 {pack_format = #tpu.pack_format<interleaved>} : vector<32xbf16> -> vector<16xf32>
      %add3A_321 = arith.constant 0 : i32
      %add3A_322 = vector.broadcast %add3A_321 : i32 to vector<16xi32>
      %add3A_323 = arith.addi %add3A_322, %mul3A_47 : vector<16xi32>
      %scatter3A = arith.constant 0 : i32
      %scatter3A_324 = tpu.memref_slice %arg11[%add3A_317, %scatter3A] : memref<128x128xf32, #tpu.memory_space<vmem>> -> memref<1x128xf32, #tpu.memory_space<vmem>>
      %scatter3A_325 = tpu.memref_squeeze %scatter3A_324 : memref<1x128xf32, #tpu.memory_space<vmem>> -> memref<128xf32, #tpu.memory_space<vmem>>
      tpu.vector_store_idx %scatter3A_325[%add3A_323], %unpack3A : memref<128xf32, #tpu.memory_space<vmem>>[vector<16xi32>], vector<16xf32>,
      %add3A_326 = arith.constant 1 : i32
      %add3A_327 = vector.broadcast %add3A_326 : i32 to vector<16xi32>
      %add3A_328 = arith.addi %add3A_327, %mul3A_47 : vector<16xi32>
      %scatter3A_329 = arith.constant 0 : i32
      %scatter3A_330 = tpu.memref_slice %arg11[%add3A_317, %scatter3A_329] : memref<128x128xf32, #tpu.memory_space<vmem>> -> memref<1x128xf32, #tpu.memory_space<vmem>>
      %scatter3A_331 = tpu.memref_squeeze %scatter3A_330 : memref<1x128xf32, #tpu.memory_space<vmem>> -> memref<128xf32, #tpu.memory_space<vmem>>
      tpu.vector_store_idx %scatter3A_331[%add3A_328], %unpack3A_320 : memref<128xf32, #tpu.memory_space<vmem>>[vector<16xi32>], vector<16xf32>,
      %get3A_332 = arith.index_cast %add3A_317 : i32 to index
      %get3A_333 = arith.constant 32 : index
      %get3A_334 = tpu.vector_load %arg9[%get3A_332, %get3A_333] {strides = array<i32>} : memref<128x128xbf16, #tpu.memory_space<vmem>>, vector<32xbf16>,
      %unpack3A_335 = tpu.unpack_subelements %get3A_334, 0 {pack_format = #tpu.pack_format<interleaved>} : vector<32xbf16> -> vector<16xf32>
      %unpack3A_336 = tpu.unpack_subelements %get3A_334, 1 {pack_format = #tpu.pack_format<interleaved>} : vector<32xbf16> -> vector<16xf32>
      %add3A_337 = arith.constant 32 : i32
      %add3A_338 = vector.broadcast %add3A_337 : i32 to vector<16xi32>
      %add3A_339 = arith.addi %add3A_338, %mul3A_47 : vector<16xi32>
      %scatter3A_340 = arith.constant 0 : i32
      %scatter3A_341 = tpu.memref_slice %arg11[%add3A_317, %scatter3A_340] : memref<128x128xf32, #tpu.memory_space<vmem>> -> memref<1x128xf32, #tpu.memory_space<vmem>>
      %scatter3A_342 = tpu.memref_squeeze %scatter3A_341 : memref<1x128xf32, #tpu.memory_space<vmem>> -> memref<128xf32, #tpu.memory_space<vmem>>
      tpu.vector_store_idx %scatter3A_342[%add3A_339], %unpack3A_335 : memref<128xf32, #tpu.memory_space<vmem>>[vector<16xi32>], vector<16xf32>,
      %add3A_343 = arith.constant 33 : i32
      %add3A_344 = vector.broadcast %add3A_343 : i32 to vector<16xi32>
      %add3A_345 = arith.addi %add3A_344, %mul3A_47 : vector<16xi32>
      %scatter3A_346 = arith.constant 0 : i32
      %scatter3A_347 = tpu.memref_slice %arg11[%add3A_317, %scatter3A_346] : memref<128x128xf32, #tpu.memory_space<vmem>> -> memref<1x128xf32, #tpu.memory_space<vmem>>
      %scatter3A_348 = tpu.memref_squeeze %scatter3A_347 : memref<1x128xf32, #tpu.memory_space<vmem>> -> memref<128xf32, #tpu.memory_space<vmem>>
      tpu.vector_store_idx %scatter3A_348[%add3A_345], %unpack3A_336 : memref<128xf32, #tpu.memory_space<vmem>>[vector<16xi32>], vector<16xf32>,
      %get3A_349 = arith.index_cast %add3A_317 : i32 to index
      %get3A_350 = arith.constant 64 : index
      %get3A_351 = tpu.vector_load %arg9[%get3A_349, %get3A_350] {strides = array<i32>} : memref<128x128xbf16, #tpu.memory_space<vmem>>, vector<32xbf16>,
      %unpack3A_352 = tpu.unpack_subelements %get3A_351, 0 {pack_format = #tpu.pack_format<interleaved>} : vector<32xbf16> -> vector<16xf32>
      %unpack3A_353 = tpu.unpack_subelements %get3A_351, 1 {pack_format = #tpu.pack_format<interleaved>} : vector<32xbf16> -> vector<16xf32>
      %add3A_354 = arith.constant 64 : i32
      %add3A_355 = vector.broadcast %add3A_354 : i32 to vector<16xi32>
      %add3A_356 = arith.addi %add3A_355, %mul3A_47 : vector<16xi32>
      %scatter3A_357 = arith.constant 0 : i32
      %scatter3A_358 = tpu.memref_slice %arg11[%add3A_317, %scatter3A_357] : memref<128x128xf32, #tpu.memory_space<vmem>> -> memref<1x128xf32, #tpu.memory_space<vmem>>
      %scatter3A_359 = tpu.memref_squeeze %scatter3A_358 : memref<1x128xf32, #tpu.memory_space<vmem>> -> memref<128xf32, #tpu.memory_space<vmem>>
      tpu.vector_store_idx %scatter3A_359[%add3A_356], %unpack3A_352 : memref<128xf32, #tpu.memory_space<vmem>>[vector<16xi32>], vector<16xf32>,
      %add3A_360 = arith.constant 65 : i32
      %add3A_361 = vector.broadcast %add3A_360 : i32 to vector<16xi32>
      %add3A_362 = arith.addi %add3A_361, %mul3A_47 : vector<16xi32>
      %scatter3A_363 = arith.constant 0 : i32
      %scatter3A_364 = tpu.memref_slice %arg11[%add3A_317, %scatter3A_363] : memref<128x128xf32, #tpu.memory_space<vmem>> -> memref<1x128xf32, #tpu.memory_space<vmem>>
      %scatter3A_365 = tpu.memref_squeeze %scatter3A_364 : memref<1x128xf32, #tpu.memory_space<vmem>> -> memref<128xf32, #tpu.memory_space<vmem>>
      tpu.vector_store_idx %scatter3A_365[%add3A_362], %unpack3A_353 : memref<128xf32, #tpu.memory_space<vmem>>[vector<16xi32>], vector<16xf32>,
      %get3A_366 = arith.index_cast %add3A_317 : i32 to index
      %get3A_367 = arith.constant 96 : index
      %get3A_368 = tpu.vector_load %arg9[%get3A_366, %get3A_367] {strides = array<i32>} : memref<128x128xbf16, #tpu.memory_space<vmem>>, vector<32xbf16>,
      %unpack3A_369 = tpu.unpack_subelements %get3A_368, 0 {pack_format = #tpu.pack_format<interleaved>} : vector<32xbf16> -> vector<16xf32>
      %unpack3A_370 = tpu.unpack_subelements %get3A_368, 1 {pack_format = #tpu.pack_format<interleaved>} : vector<32xbf16> -> vector<16xf32>
      %add3A_371 = arith.constant 96 : i32
      %add3A_372 = vector.broadcast %add3A_371 : i32 to vector<16xi32>
      %add3A_373 = arith.addi %add3A_372, %mul3A_47 : vector<16xi32>
      %scatter3A_374 = arith.constant 0 : i32
      %scatter3A_375 = tpu.memref_slice %arg11[%add3A_317, %scatter3A_374] : memref<128x128xf32, #tpu.memory_space<vmem>> -> memref<1x128xf32, #tpu.memory_space<vmem>>
      %scatter3A_376 = tpu.memref_squeeze %scatter3A_375 : memref<1x128xf32, #tpu.memory_space<vmem>> -> memref<128xf32, #tpu.memory_space<vmem>>
      tpu.vector_store_idx %scatter3A_376[%add3A_373], %unpack3A_369 : memref<128xf32, #tpu.memory_space<vmem>>[vector<16xi32>], vector<16xf32>,
      %add3A_377 = arith.constant 97 : i32
      %add3A_378 = vector.broadcast %add3A_377 : i32 to vector<16xi32>
      %add3A_379 = arith.addi %add3A_378, %mul3A_47 : vector<16xi32>
      %scatter3A_380 = arith.constant 0 : i32
      %scatter3A_381 = tpu.memref_slice %arg11[%add3A_317, %scatter3A_380] : memref<128x128xf32, #tpu.memory_space<vmem>> -> memref<1x128xf32, #tpu.memory_space<vmem>>
      %scatter3A_382 = tpu.memref_squeeze %scatter3A_381 : memref<1x128xf32, #tpu.memory_space<vmem>> -> memref<128xf32, #tpu.memory_space<vmem>>
      tpu.vector_store_idx %scatter3A_382[%add3A_379], %unpack3A_370 : memref<128xf32, #tpu.memory_space<vmem>>[vector<16xi32>], vector<16xf32>,
    }
    %scan3A_76 = arith.constant 128 : i32
    %mul3A_77 = arith.constant 640 : i32
    %mul3A_78 = arith.muli %arg1, %mul3A_77 : i32
    %add3A_79 = arith.constant 0 : i32
    %add3A_80 = arith.addi %mul3A_78, %add3A_79 : i32
    %dma_start3A_81 = arith.constant 0 : i32
    %dma_start3A_82 = arith.constant 0 : i32
    %dma_start3A_83 = tpu.memref_slice %arg5[%arg0, %dma_start3A_81, %dma_start3A_82] : memref<2x10240x128xf32, #tpu.memory_space<hbm>> -> memref<1x10240x128xf32, #tpu.memory_space<hbm>>
    %dma_start3A_84 = tpu.memref_squeeze %dma_start3A_83 : memref<1x10240x128xf32, #tpu.memory_space<hbm>> -> memref<10240x128xf32, #tpu.memory_space<hbm>>
    %dma_start3A_85 = arith.constant 0 : i32
    %dma_start3A_86 = tpu.memref_slice %dma_start3A_84[%add3A_80, %dma_start3A_85] : memref<10240x128xf32, #tpu.memory_space<hbm>> -> memref<128x128xf32, #tpu.memory_space<hbm>>
    %dma_start3A_87 = arith.constant 0 : i32
    %dma_start3A_88 = arith.constant 0 : i32
    %dma_start3A_89 = tpu.memref_slice %arg5[%arg0, %dma_start3A_87, %dma_start3A_88] : memref<2x10240x128xf32, #tpu.memory_space<hbm>> -> memref<1x10240x128xf32, #tpu.memory_space<hbm>>
    %dma_start3A_90 = tpu.memref_squeeze %dma_start3A_89 : memref<1x10240x128xf32, #tpu.memory_space<hbm>> -> memref<10240x128xf32, #tpu.memory_space<hbm>>
    %dma_start3A_91 = arith.constant 0 : i32
    %dma_start3A_92 = tpu.memref_slice %dma_start3A_90[%add3A_80, %dma_start3A_91] : memref<10240x128xf32, #tpu.memory_space<hbm>> -> memref<128x128xf32, #tpu.memory_space<hbm>>
    tpu.enqueue_dma source(%arg11 : memref<128x128xf32, #tpu.memory_space<vmem>>) target(%dma_start3A_92 : memref<128x128xf32, #tpu.memory_space<hbm>>) target_semaphore(%arg15 : memref<!tpu.dma_semaphore, #tpu.memory_space<semaphore_mem>>)
    %mul3A_93 = arith.constant 640 : i32
    %mul3A_94 = arith.muli %arg1, %mul3A_93 : i32
    %add3A_95 = arith.constant 128 : i32
    %add3A_96 = arith.addi %mul3A_94, %add3A_95 : i32
    %dma_wait3A_97 = arith.constant 0 : i32
    %dma_wait3A_98 = tpu.memref_slice %arg6[%add3A_96, %dma_wait3A_97] : memref<10240x128xbf16, #tpu.memory_space<vmem_shared>> -> memref<128x128xbf16, #tpu.memory_space<vmem_shared>>
    %dma_wait3A_99 = arith.constant 0 : i32
    %dma_wait3A_100 = tpu.memref_slice %arg6[%add3A_96, %dma_wait3A_99] : memref<10240x128xbf16, #tpu.memory_space<vmem_shared>> -> memref<128x128xbf16, #tpu.memory_space<vmem_shared>>
    tpu.wait_dma2 semaphore(%arg14 : memref<!tpu.dma_semaphore, #tpu.memory_space<semaphore_mem>>) src(%dma_wait3A_100 : memref<128x128xbf16, #tpu.memory_space<vmem_shared>>) dst(%arg10 : memref<128x128xbf16, #tpu.memory_space<vmem>>)
    %mul3A_101 = arith.constant 640 : i32
    %mul3A_102 = arith.muli %arg1, %mul3A_101 : i32
    %add3A_103 = arith.constant 256 : i32
    %add3A_104 = arith.addi %mul3A_102, %add3A_103 : i32
    %dma_start3A_105 = arith.constant 0 : i32
    %dma_start3A_106 = tpu.memref_slice %arg6[%add3A_104, %dma_start3A_105] : memref<10240x128xbf16, #tpu.memory_space<vmem_shared>> -> memref<128x128xbf16, #tpu.memory_space<vmem_shared>>
    %dma_start3A_107 = arith.constant 0 : i32
    %dma_start3A_108 = tpu.memref_slice %arg6[%add3A_104, %dma_start3A_107] : memref<10240x128xbf16, #tpu.memory_space<vmem_shared>> -> memref<128x128xbf16, #tpu.memory_space<vmem_shared>>
    tpu.enqueue_dma source(%dma_start3A_108 : memref<128x128xbf16, #tpu.memory_space<vmem_shared>>) target(%arg9 : memref<128x128xbf16, #tpu.memory_space<vmem>>) target_semaphore(%arg13 : memref<!tpu.dma_semaphore, #tpu.memory_space<semaphore_mem>>)
    %scan3A_109 = arith.constant 0 : i32
    %scan3A_110 = arith.constant 128 : i32
    %scan3A_111 = arith.addi %scan3A_109, %scan3A_110 : i32
    %scan3A_112 = arith.constant 1 : i32
    scf.for %scan3A_313 = %scan3A_109 to %scan3A_111 step %scan3A_112  : i32 {
      %mul3A_314 = arith.constant 1 : i32
      %mul3A_315 = arith.muli %scan3A_313, %mul3A_314 : i32
      %add3A_316 = arith.constant 0 : i32
      %add3A_317 = arith.addi %add3A_316, %mul3A_315 : i32
      %get3A = arith.index_cast %add3A_317 : i32 to index
      %get3A_318 = arith.constant 0 : index
      %get3A_319 = tpu.vector_load %arg10[%get3A, %get3A_318] {strides = array<i32>} : memref<128x128xbf16, #tpu.memory_space<vmem>>, vector<32xbf16>,
      %unpack3A = tpu.unpack_subelements %get3A_319, 0 {pack_format = #tpu.pack_format<interleaved>} : vector<32xbf16> -> vector<16xf32>
      %unpack3A_320 = tpu.unpack_subelements %get3A_319, 1 {pack_format = #tpu.pack_format<interleaved>} : vector<32xbf16> -> vector<16xf32>
      %add3A_321 = arith.constant 0 : i32
      %add3A_322 = vector.broadcast %add3A_321 : i32 to vector<16xi32>
      %add3A_323 = arith.addi %add3A_322, %mul3A_47 : vector<16xi32>
      %scatter3A = arith.constant 0 : i32
      %scatter3A_324 = tpu.memref_slice %arg12[%add3A_317, %scatter3A] : memref<128x128xf32, #tpu.memory_space<vmem>> -> memref<1x128xf32, #tpu.memory_space<vmem>>
      %scatter3A_325 = tpu.memref_squeeze %scatter3A_324 : memref<1x128xf32, #tpu.memory_space<vmem>> -> memref<128xf32, #tpu.memory_space<vmem>>
      tpu.vector_store_idx %scatter3A_325[%add3A_323], %unpack3A : memref<128xf32, #tpu.memory_space<vmem>>[vector<16xi32>], vector<16xf32>,
      %add3A_326 = arith.constant 1 : i32
      %add3A_327 = vector.broadcast %add3A_326 : i32 to vector<16xi32>
      %add3A_328 = arith.addi %add3A_327, %mul3A_47 : vector<16xi32>
      %scatter3A_329 = arith.constant 0 : i32
      %scatter3A_330 = tpu.memref_slice %arg12[%add3A_317, %scatter3A_329] : memref<128x128xf32, #tpu.memory_space<vmem>> -> memref<1x128xf32, #tpu.memory_space<vmem>>
      %scatter3A_331 = tpu.memref_squeeze %scatter3A_330 : memref<1x128xf32, #tpu.memory_space<vmem>> -> memref<128xf32, #tpu.memory_space<vmem>>
      tpu.vector_store_idx %scatter3A_331[%add3A_328], %unpack3A_320 : memref<128xf32, #tpu.memory_space<vmem>>[vector<16xi32>], vector<16xf32>,
      %get3A_332 = arith.index_cast %add3A_317 : i32 to index
      %get3A_333 = arith.constant 32 : index
      %get3A_334 = tpu.vector_load %arg10[%get3A_332, %get3A_333] {strides = array<i32>} : memref<128x128xbf16, #tpu.memory_space<vmem>>, vector<32xbf16>,
      %unpack3A_335 = tpu.unpack_subelements %get3A_334, 0 {pack_format = #tpu.pack_format<interleaved>} : vector<32xbf16> -> vector<16xf32>
      %unpack3A_336 = tpu.unpack_subelements %get3A_334, 1 {pack_format = #tpu.pack_format<interleaved>} : vector<32xbf16> -> vector<16xf32>
      %add3A_337 = arith.constant 32 : i32
      %add3A_338 = vector.broadcast %add3A_337 : i32 to vector<16xi32>
      %add3A_339 = arith.addi %add3A_338, %mul3A_47 : vector<16xi32>
      %scatter3A_340 = arith.constant 0 : i32
      %scatter3A_341 = tpu.memref_slice %arg12[%add3A_317, %scatter3A_340] : memref<128x128xf32, #tpu.memory_space<vmem>> -> memref<1x128xf32, #tpu.memory_space<vmem>>
      %scatter3A_342 = tpu.memref_squeeze %scatter3A_341 : memref<1x128xf32, #tpu.memory_space<vmem>> -> memref<128xf32, #tpu.memory_space<vmem>>
      tpu.vector_store_idx %scatter3A_342[%add3A_339], %unpack3A_335 : memref<128xf32, #tpu.memory_space<vmem>>[vector<16xi32>], vector<16xf32>,
      %add3A_343 = arith.constant 33 : i32
      %add3A_344 = vector.broadcast %add3A_343 : i32 to vector<16xi32>
      %add3A_345 = arith.addi %add3A_344, %mul3A_47 : vector<16xi32>
      %scatter3A_346 = arith.constant 0 : i32
      %scatter3A_347 = tpu.memref_slice %arg12[%add3A_317, %scatter3A_346] : memref<128x128xf32, #tpu.memory_space<vmem>> -> memref<1x128xf32, #tpu.memory_space<vmem>>
      %scatter3A_348 = tpu.memref_squeeze %scatter3A_347 : memref<1x128xf32, #tpu.memory_space<vmem>> -> memref<128xf32, #tpu.memory_space<vmem>>
      tpu.vector_store_idx %scatter3A_348[%add3A_345], %unpack3A_336 : memref<128xf32, #tpu.memory_space<vmem>>[vector<16xi32>], vector<16xf32>,
      %get3A_349 = arith.index_cast %add3A_317 : i32 to index
      %get3A_350 = arith.constant 64 : index
      %get3A_351 = tpu.vector_load %arg10[%get3A_349, %get3A_350] {strides = array<i32>} : memref<128x128xbf16, #tpu.memory_space<vmem>>, vector<32xbf16>,
      %unpack3A_352 = tpu.unpack_subelements %get3A_351, 0 {pack_format = #tpu.pack_format<interleaved>} : vector<32xbf16> -> vector<16xf32>
      %unpack3A_353 = tpu.unpack_subelements %get3A_351, 1 {pack_format = #tpu.pack_format<interleaved>} : vector<32xbf16> -> vector<16xf32>
      %add3A_354 = arith.constant 64 : i32
      %add3A_355 = vector.broadcast %add3A_354 : i32 to vector<16xi32>
      %add3A_356 = arith.addi %add3A_355, %mul3A_47 : vector<16xi32>
      %scatter3A_357 = arith.constant 0 : i32
      %scatter3A_358 = tpu.memref_slice %arg12[%add3A_317, %scatter3A_357] : memref<128x128xf32, #tpu.memory_space<vmem>> -> memref<1x128xf32, #tpu.memory_space<vmem>>
      %scatter3A_359 = tpu.memref_squeeze %scatter3A_358 : memref<1x128xf32, #tpu.memory_space<vmem>> -> memref<128xf32, #tpu.memory_space<vmem>>
      tpu.vector_store_idx %scatter3A_359[%add3A_356], %unpack3A_352 : memref<128xf32, #tpu.memory_space<vmem>>[vector<16xi32>], vector<16xf32>,
      %add3A_360 = arith.constant 65 : i32
      %add3A_361 = vector.broadcast %add3A_360 : i32 to vector<16xi32>
      %add3A_362 = arith.addi %add3A_361, %mul3A_47 : vector<16xi32>
      %scatter3A_363 = arith.constant 0 : i32
      %scatter3A_364 = tpu.memref_slice %arg12[%add3A_317, %scatter3A_363] : memref<128x128xf32, #tpu.memory_space<vmem>> -> memref<1x128xf32, #tpu.memory_space<vmem>>
      %scatter3A_365 = tpu.memref_squeeze %scatter3A_364 : memref<1x128xf32, #tpu.memory_space<vmem>> -> memref<128xf32, #tpu.memory_space<vmem>>
      tpu.vector_store_idx %scatter3A_365[%add3A_362], %unpack3A_353 : memref<128xf32, #tpu.memory_space<vmem>>[vector<16xi32>], vector<16xf32>,
      %get3A_366 = arith.index_cast %add3A_317 : i32 to index
      %get3A_367 = arith.constant 96 : index
      %get3A_368 = tpu.vector_load %arg10[%get3A_366, %get3A_367] {strides = array<i32>} : memref<128x128xbf16, #tpu.memory_space<vmem>>, vector<32xbf16>,
      %unpack3A_369 = tpu.unpack_subelements %get3A_368, 0 {pack_format = #tpu.pack_format<interleaved>} : vector<32xbf16> -> vector<16xf32>
      %unpack3A_370 = tpu.unpack_subelements %get3A_368, 1 {pack_format = #tpu.pack_format<interleaved>} : vector<32xbf16> -> vector<16xf32>
      %add3A_371 = arith.constant 96 : i32
      %add3A_372 = vector.broadcast %add3A_371 : i32 to vector<16xi32>
      %add3A_373 = arith.addi %add3A_372, %mul3A_47 : vector<16xi32>
      %scatter3A_374 = arith.constant 0 : i32
      %scatter3A_375 = tpu.memref_slice %arg12[%add3A_317, %scatter3A_374] : memref<128x128xf32, #tpu.memory_space<vmem>> -> memref<1x128xf32, #tpu.memory_space<vmem>>
      %scatter3A_376 = tpu.memref_squeeze %scatter3A_375 : memref<1x128xf32, #tpu.memory_space<vmem>> -> memref<128xf32, #tpu.memory_space<vmem>>
      tpu.vector_store_idx %scatter3A_376[%add3A_373], %unpack3A_369 : memref<128xf32, #tpu.memory_space<vmem>>[vector<16xi32>], vector<16xf32>,
      %add3A_377 = arith.constant 97 : i32
      %add3A_378 = vector.broadcast %add3A_377 : i32 to vector<16xi32>
      %add3A_379 = arith.addi %add3A_378, %mul3A_47 : vector<16xi32>
      %scatter3A_380 = arith.constant 0 : i32
      %scatter3A_381 = tpu.memref_slice %arg12[%add3A_317, %scatter3A_380] : memref<128x128xf32, #tpu.memory_space<vmem>> -> memref<1x128xf32, #tpu.memory_space<vmem>>
      %scatter3A_382 = tpu.memref_squeeze %scatter3A_381 : memref<1x128xf32, #tpu.memory_space<vmem>> -> memref<128xf32, #tpu.memory_space<vmem>>
      tpu.vector_store_idx %scatter3A_382[%add3A_379], %unpack3A_370 : memref<128xf32, #tpu.memory_space<vmem>>[vector<16xi32>], vector<16xf32>,
    }
    %scan3A_113 = arith.constant 128 : i32
    %mul3A_114 = arith.constant 640 : i32
    %mul3A_115 = arith.muli %arg1, %mul3A_114 : i32
    %add3A_116 = arith.constant 128 : i32
    %add3A_117 = arith.addi %mul3A_115, %add3A_116 : i32
    %dma_start3A_118 = arith.constant 0 : i32
    %dma_start3A_119 = arith.constant 0 : i32
    %dma_start3A_120 = tpu.memref_slice %arg5[%arg0, %dma_start3A_118, %dma_start3A_119] : memref<2x10240x128xf32, #tpu.memory_space<hbm>> -> memref<1x10240x128xf32, #tpu.memory_space<hbm>>
    %dma_start3A_121 = tpu.memref_squeeze %dma_start3A_120 : memref<1x10240x128xf32, #tpu.memory_space<hbm>> -> memref<10240x128xf32, #tpu.memory_space<hbm>>
    %dma_start3A_122 = arith.constant 0 : i32
    %dma_start3A_123 = tpu.memref_slice %dma_start3A_121[%add3A_117, %dma_start3A_122] : memref<10240x128xf32, #tpu.memory_space<hbm>> -> memref<128x128xf32, #tpu.memory_space<hbm>>
    %dma_start3A_124 = arith.constant 0 : i32
    %dma_start3A_125 = arith.constant 0 : i32
    %dma_start3A_126 = tpu.memref_slice %arg5[%arg0, %dma_start3A_124, %dma_start3A_125] : memref<2x10240x128xf32, #tpu.memory_space<hbm>> -> memref<1x10240x128xf32, #tpu.memory_space<hbm>>
    %dma_start3A_127 = tpu.memref_squeeze %dma_start3A_126 : memref<1x10240x128xf32, #tpu.memory_space<hbm>> -> memref<10240x128xf32, #tpu.memory_space<hbm>>
    %dma_start3A_128 = arith.constant 0 : i32
    %dma_start3A_129 = tpu.memref_slice %dma_start3A_127[%add3A_117, %dma_start3A_128] : memref<10240x128xf32, #tpu.memory_space<hbm>> -> memref<128x128xf32, #tpu.memory_space<hbm>>
    tpu.enqueue_dma source(%arg12 : memref<128x128xf32, #tpu.memory_space<vmem>>) target(%dma_start3A_129 : memref<128x128xf32, #tpu.memory_space<hbm>>) target_semaphore(%arg16 : memref<!tpu.dma_semaphore, #tpu.memory_space<semaphore_mem>>)
    %mul3A_130 = arith.constant 640 : i32
    %mul3A_131 = arith.muli %arg1, %mul3A_130 : i32
    %add3A_132 = arith.constant 256 : i32
    %add3A_133 = arith.addi %mul3A_131, %add3A_132 : i32
    %dma_wait3A_134 = arith.constant 0 : i32
    %dma_wait3A_135 = tpu.memref_slice %arg6[%add3A_133, %dma_wait3A_134] : memref<10240x128xbf16, #tpu.memory_space<vmem_shared>> -> memref<128x128xbf16, #tpu.memory_space<vmem_shared>>
    %dma_wait3A_136 = arith.constant 0 : i32
    %dma_wait3A_137 = tpu.memref_slice %arg6[%add3A_133, %dma_wait3A_136] : memref<10240x128xbf16, #tpu.memory_space<vmem_shared>> -> memref<128x128xbf16, #tpu.memory_space<vmem_shared>>
    tpu.wait_dma2 semaphore(%arg13 : memref<!tpu.dma_semaphore, #tpu.memory_space<semaphore_mem>>) src(%dma_wait3A_137 : memref<128x128xbf16, #tpu.memory_space<vmem_shared>>) dst(%arg9 : memref<128x128xbf16, #tpu.memory_space<vmem>>)
    %mul3A_138 = arith.constant 640 : i32
    %mul3A_139 = arith.muli %arg1, %mul3A_138 : i32
    %add3A_140 = arith.constant 384 : i32
    %add3A_141 = arith.addi %mul3A_139, %add3A_140 : i32
    %dma_start3A_142 = arith.constant 0 : i32
    %dma_start3A_143 = tpu.memref_slice %arg6[%add3A_141, %dma_start3A_142] : memref<10240x128xbf16, #tpu.memory_space<vmem_shared>> -> memref<128x128xbf16, #tpu.memory_space<vmem_shared>>
    %dma_start3A_144 = arith.constant 0 : i32
    %dma_start3A_145 = tpu.memref_slice %arg6[%add3A_141, %dma_start3A_144] : memref<10240x128xbf16, #tpu.memory_space<vmem_shared>> -> memref<128x128xbf16, #tpu.memory_space<vmem_shared>>
    tpu.enqueue_dma source(%dma_start3A_145 : memref<128x128xbf16, #tpu.memory_space<vmem_shared>>) target(%arg10 : memref<128x128xbf16, #tpu.memory_space<vmem>>) target_semaphore(%arg14 : memref<!tpu.dma_semaphore, #tpu.memory_space<semaphore_mem>>)
    %mul3A_146 = arith.constant 640 : i32
    %mul3A_147 = arith.muli %arg1, %mul3A_146 : i32
    %add3A_148 = arith.constant 0 : i32
    %add3A_149 = arith.addi %mul3A_147, %add3A_148 : i32
    %dma_wait3A_150 = arith.constant 0 : i32
    %dma_wait3A_151 = arith.constant 0 : i32
    %dma_wait3A_152 = tpu.memref_slice %arg5[%arg0, %dma_wait3A_150, %dma_wait3A_151] : memref<2x10240x128xf32, #tpu.memory_space<hbm>> -> memref<1x10240x128xf32, #tpu.memory_space<hbm>>
    %dma_wait3A_153 = tpu.memref_squeeze %dma_wait3A_152 : memref<1x10240x128xf32, #tpu.memory_space<hbm>> -> memref<10240x128xf32, #tpu.memory_space<hbm>>
    %dma_wait3A_154 = arith.constant 0 : i32
    %dma_wait3A_155 = tpu.memref_slice %dma_wait3A_153[%add3A_149, %dma_wait3A_154] : memref<10240x128xf32, #tpu.memory_space<hbm>> -> memref<128x128xf32, #tpu.memory_space<hbm>>
    %dma_wait3A_156 = arith.constant 0 : i32
    %dma_wait3A_157 = arith.constant 0 : i32
    %dma_wait3A_158 = tpu.memref_slice %arg5[%arg0, %dma_wait3A_156, %dma_wait3A_157] : memref<2x10240x128xf32, #tpu.memory_space<hbm>> -> memref<1x10240x128xf32, #tpu.memory_space<hbm>>
    %dma_wait3A_159 = tpu.memref_squeeze %dma_wait3A_158 : memref<1x10240x128xf32, #tpu.memory_space<hbm>> -> memref<10240x128xf32, #tpu.memory_space<hbm>>
    %dma_wait3A_160 = arith.constant 0 : i32
    %dma_wait3A_161 = tpu.memref_slice %dma_wait3A_159[%add3A_149, %dma_wait3A_160] : memref<10240x128xf32, #tpu.memory_space<hbm>> -> memref<128x128xf32, #tpu.memory_space<hbm>>
    tpu.wait_dma2 semaphore(%arg15 : memref<!tpu.dma_semaphore, #tpu.memory_space<semaphore_mem>>) src(%arg11 : memref<128x128xf32, #tpu.memory_space<vmem>>) dst(%dma_wait3A_161 : memref<128x128xf32, #tpu.memory_space<hbm>>)
    %scan3A_162 = arith.constant 0 : i32
    %scan3A_163 = arith.constant 128 : i32
    %scan3A_164 = arith.addi %scan3A_162, %scan3A_163 : i32
    %scan3A_165 = arith.constant 1 : i32
    scf.for %scan3A_313 = %scan3A_162 to %scan3A_164 step %scan3A_165  : i32 {
      %mul3A_314 = arith.constant 1 : i32
      %mul3A_315 = arith.muli %scan3A_313, %mul3A_314 : i32
      %add3A_316 = arith.constant 0 : i32
      %add3A_317 = arith.addi %add3A_316, %mul3A_315 : i32
      %get3A = arith.index_cast %add3A_317 : i32 to index
      %get3A_318 = arith.constant 0 : index
      %get3A_319 = tpu.vector_load %arg9[%get3A, %get3A_318] {strides = array<i32>} : memref<128x128xbf16, #tpu.memory_space<vmem>>, vector<32xbf16>,
      %unpack3A = tpu.unpack_subelements %get3A_319, 0 {pack_format = #tpu.pack_format<interleaved>} : vector<32xbf16> -> vector<16xf32>
      %unpack3A_320 = tpu.unpack_subelements %get3A_319, 1 {pack_format = #tpu.pack_format<interleaved>} : vector<32xbf16> -> vector<16xf32>
      %add3A_321 = arith.constant 0 : i32
      %add3A_322 = vector.broadcast %add3A_321 : i32 to vector<16xi32>
      %add3A_323 = arith.addi %add3A_322, %mul3A_47 : vector<16xi32>
      %scatter3A = arith.constant 0 : i32
      %scatter3A_324 = tpu.memref_slice %arg11[%add3A_317, %scatter3A] : memref<128x128xf32, #tpu.memory_space<vmem>> -> memref<1x128xf32, #tpu.memory_space<vmem>>
      %scatter3A_325 = tpu.memref_squeeze %scatter3A_324 : memref<1x128xf32, #tpu.memory_space<vmem>> -> memref<128xf32, #tpu.memory_space<vmem>>
      tpu.vector_store_idx %scatter3A_325[%add3A_323], %unpack3A : memref<128xf32, #tpu.memory_space<vmem>>[vector<16xi32>], vector<16xf32>,
      %add3A_326 = arith.constant 1 : i32
      %add3A_327 = vector.broadcast %add3A_326 : i32 to vector<16xi32>
      %add3A_328 = arith.addi %add3A_327, %mul3A_47 : vector<16xi32>
      %scatter3A_329 = arith.constant 0 : i32
      %scatter3A_330 = tpu.memref_slice %arg11[%add3A_317, %scatter3A_329] : memref<128x128xf32, #tpu.memory_space<vmem>> -> memref<1x128xf32, #tpu.memory_space<vmem>>
      %scatter3A_331 = tpu.memref_squeeze %scatter3A_330 : memref<1x128xf32, #tpu.memory_space<vmem>> -> memref<128xf32, #tpu.memory_space<vmem>>
      tpu.vector_store_idx %scatter3A_331[%add3A_328], %unpack3A_320 : memref<128xf32, #tpu.memory_space<vmem>>[vector<16xi32>], vector<16xf32>,
      %get3A_332 = arith.index_cast %add3A_317 : i32 to index
      %get3A_333 = arith.constant 32 : index
      %get3A_334 = tpu.vector_load %arg9[%get3A_332, %get3A_333] {strides = array<i32>} : memref<128x128xbf16, #tpu.memory_space<vmem>>, vector<32xbf16>,
      %unpack3A_335 = tpu.unpack_subelements %get3A_334, 0 {pack_format = #tpu.pack_format<interleaved>} : vector<32xbf16> -> vector<16xf32>
      %unpack3A_336 = tpu.unpack_subelements %get3A_334, 1 {pack_format = #tpu.pack_format<interleaved>} : vector<32xbf16> -> vector<16xf32>
      %add3A_337 = arith.constant 32 : i32
      %add3A_338 = vector.broadcast %add3A_337 : i32 to vector<16xi32>
      %add3A_339 = arith.addi %add3A_338, %mul3A_47 : vector<16xi32>
      %scatter3A_340 = arith.constant 0 : i32
      %scatter3A_341 = tpu.memref_slice %arg11[%add3A_317, %scatter3A_340] : memref<128x128xf32, #tpu.memory_space<vmem>> -> memref<1x128xf32, #tpu.memory_space<vmem>>
      %scatter3A_342 = tpu.memref_squeeze %scatter3A_341 : memref<1x128xf32, #tpu.memory_space<vmem>> -> memref<128xf32, #tpu.memory_space<vmem>>
      tpu.vector_store_idx %scatter3A_342[%add3A_339], %unpack3A_335 : memref<128xf32, #tpu.memory_space<vmem>>[vector<16xi32>], vector<16xf32>,
      %add3A_343 = arith.constant 33 : i32
      %add3A_344 = vector.broadcast %add3A_343 : i32 to vector<16xi32>
      %add3A_345 = arith.addi %add3A_344, %mul3A_47 : vector<16xi32>
      %scatter3A_346 = arith.constant 0 : i32
      %scatter3A_347 = tpu.memref_slice %arg11[%add3A_317, %scatter3A_346] : memref<128x128xf32, #tpu.memory_space<vmem>> -> memref<1x128xf32, #tpu.memory_space<vmem>>
      %scatter3A_348 = tpu.memref_squeeze %scatter3A_347 : memref<1x128xf32, #tpu.memory_space<vmem>> -> memref<128xf32, #tpu.memory_space<vmem>>
      tpu.vector_store_idx %scatter3A_348[%add3A_345], %unpack3A_336 : memref<128xf32, #tpu.memory_space<vmem>>[vector<16xi32>], vector<16xf32>,
      %get3A_349 = arith.index_cast %add3A_317 : i32 to index
      %get3A_350 = arith.constant 64 : index
      %get3A_351 = tpu.vector_load %arg9[%get3A_349, %get3A_350] {strides = array<i32>} : memref<128x128xbf16, #tpu.memory_space<vmem>>, vector<32xbf16>,
      %unpack3A_352 = tpu.unpack_subelements %get3A_351, 0 {pack_format = #tpu.pack_format<interleaved>} : vector<32xbf16> -> vector<16xf32>
      %unpack3A_353 = tpu.unpack_subelements %get3A_351, 1 {pack_format = #tpu.pack_format<interleaved>} : vector<32xbf16> -> vector<16xf32>
      %add3A_354 = arith.constant 64 : i32
      %add3A_355 = vector.broadcast %add3A_354 : i32 to vector<16xi32>
      %add3A_356 = arith.addi %add3A_355, %mul3A_47 : vector<16xi32>
      %scatter3A_357 = arith.constant 0 : i32
      %scatter3A_358 = tpu.memref_slice %arg11[%add3A_317, %scatter3A_357] : memref<128x128xf32, #tpu.memory_space<vmem>> -> memref<1x128xf32, #tpu.memory_space<vmem>>
      %scatter3A_359 = tpu.memref_squeeze %scatter3A_358 : memref<1x128xf32, #tpu.memory_space<vmem>> -> memref<128xf32, #tpu.memory_space<vmem>>
      tpu.vector_store_idx %scatter3A_359[%add3A_356], %unpack3A_352 : memref<128xf32, #tpu.memory_space<vmem>>[vector<16xi32>], vector<16xf32>,
      %add3A_360 = arith.constant 65 : i32
      %add3A_361 = vector.broadcast %add3A_360 : i32 to vector<16xi32>
      %add3A_362 = arith.addi %add3A_361, %mul3A_47 : vector<16xi32>
      %scatter3A_363 = arith.constant 0 : i32
      %scatter3A_364 = tpu.memref_slice %arg11[%add3A_317, %scatter3A_363] : memref<128x128xf32, #tpu.memory_space<vmem>> -> memref<1x128xf32, #tpu.memory_space<vmem>>
      %scatter3A_365 = tpu.memref_squeeze %scatter3A_364 : memref<1x128xf32, #tpu.memory_space<vmem>> -> memref<128xf32, #tpu.memory_space<vmem>>
      tpu.vector_store_idx %scatter3A_365[%add3A_362], %unpack3A_353 : memref<128xf32, #tpu.memory_space<vmem>>[vector<16xi32>], vector<16xf32>,
      %get3A_366 = arith.index_cast %add3A_317 : i32 to index
      %get3A_367 = arith.constant 96 : index
      %get3A_368 = tpu.vector_load %arg9[%get3A_366, %get3A_367] {strides = array<i32>} : memref<128x128xbf16, #tpu.memory_space<vmem>>, vector<32xbf16>,
      %unpack3A_369 = tpu.unpack_subelements %get3A_368, 0 {pack_format = #tpu.pack_format<interleaved>} : vector<32xbf16> -> vector<16xf32>
      %unpack3A_370 = tpu.unpack_subelements %get3A_368, 1 {pack_format = #tpu.pack_format<interleaved>} : vector<32xbf16> -> vector<16xf32>
      %add3A_371 = arith.constant 96 : i32
      %add3A_372 = vector.broadcast %add3A_371 : i32 to vector<16xi32>
      %add3A_373 = arith.addi %add3A_372, %mul3A_47 : vector<16xi32>
      %scatter3A_374 = arith.constant 0 : i32
      %scatter3A_375 = tpu.memref_slice %arg11[%add3A_317, %scatter3A_374] : memref<128x128xf32, #tpu.memory_space<vmem>> -> memref<1x128xf32, #tpu.memory_space<vmem>>
      %scatter3A_376 = tpu.memref_squeeze %scatter3A_375 : memref<1x128xf32, #tpu.memory_space<vmem>> -> memref<128xf32, #tpu.memory_space<vmem>>
      tpu.vector_store_idx %scatter3A_376[%add3A_373], %unpack3A_369 : memref<128xf32, #tpu.memory_space<vmem>>[vector<16xi32>], vector<16xf32>,
      %add3A_377 = arith.constant 97 : i32
      %add3A_378 = vector.broadcast %add3A_377 : i32 to vector<16xi32>
      %add3A_379 = arith.addi %add3A_378, %mul3A_47 : vector<16xi32>
      %scatter3A_380 = arith.constant 0 : i32
      %scatter3A_381 = tpu.memref_slice %arg11[%add3A_317, %scatter3A_380] : memref<128x128xf32, #tpu.memory_space<vmem>> -> memref<1x128xf32, #tpu.memory_space<vmem>>
      %scatter3A_382 = tpu.memref_squeeze %scatter3A_381 : memref<1x128xf32, #tpu.memory_space<vmem>> -> memref<128xf32, #tpu.memory_space<vmem>>
      tpu.vector_store_idx %scatter3A_382[%add3A_379], %unpack3A_370 : memref<128xf32, #tpu.memory_space<vmem>>[vector<16xi32>], vector<16xf32>,
    }
    %scan3A_166 = arith.constant 128 : i32
    %mul3A_167 = arith.constant 640 : i32
    %mul3A_168 = arith.muli %arg1, %mul3A_167 : i32
    %add3A_169 = arith.constant 256 : i32
    %add3A_170 = arith.addi %mul3A_168, %add3A_169 : i32
    %dma_start3A_171 = arith.constant 0 : i32
    %dma_start3A_172 = arith.constant 0 : i32
    %dma_start3A_173 = tpu.memref_slice %arg5[%arg0, %dma_start3A_171, %dma_start3A_172] : memref<2x10240x128xf32, #tpu.memory_space<hbm>> -> memref<1x10240x128xf32, #tpu.memory_space<hbm>>
    %dma_start3A_174 = tpu.memref_squeeze %dma_start3A_173 : memref<1x10240x128xf32, #tpu.memory_space<hbm>> -> memref<10240x128xf32, #tpu.memory_space<hbm>>
    %dma_start3A_175 = arith.constant 0 : i32
    %dma_start3A_176 = tpu.memref_slice %dma_start3A_174[%add3A_170, %dma_start3A_175] : memref<10240x128xf32, #tpu.memory_space<hbm>> -> memref<128x128xf32, #tpu.memory_space<hbm>>
    %dma_start3A_177 = arith.constant 0 : i32
    %dma_start3A_178 = arith.constant 0 : i32
    %dma_start3A_179 = tpu.memref_slice %arg5[%arg0, %dma_start3A_177, %dma_start3A_178] : memref<2x10240x128xf32, #tpu.memory_space<hbm>> -> memref<1x10240x128xf32, #tpu.memory_space<hbm>>
    %dma_start3A_180 = tpu.memref_squeeze %dma_start3A_179 : memref<1x10240x128xf32, #tpu.memory_space<hbm>> -> memref<10240x128xf32, #tpu.memory_space<hbm>>
    %dma_start3A_181 = arith.constant 0 : i32
    %dma_start3A_182 = tpu.memref_slice %dma_start3A_180[%add3A_170, %dma_start3A_181] : memref<10240x128xf32, #tpu.memory_space<hbm>> -> memref<128x128xf32, #tpu.memory_space<hbm>>
    tpu.enqueue_dma source(%arg11 : memref<128x128xf32, #tpu.memory_space<vmem>>) target(%dma_start3A_182 : memref<128x128xf32, #tpu.memory_space<hbm>>) target_semaphore(%arg15 : memref<!tpu.dma_semaphore, #tpu.memory_space<semaphore_mem>>)
    %mul3A_183 = arith.constant 640 : i32
    %mul3A_184 = arith.muli %arg1, %mul3A_183 : i32
    %add3A_185 = arith.constant 384 : i32
    %add3A_186 = arith.addi %mul3A_184, %add3A_185 : i32
    %dma_wait3A_187 = arith.constant 0 : i32
    %dma_wait3A_188 = tpu.memref_slice %arg6[%add3A_186, %dma_wait3A_187] : memref<10240x128xbf16, #tpu.memory_space<vmem_shared>> -> memref<128x128xbf16, #tpu.memory_space<vmem_shared>>
    %dma_wait3A_189 = arith.constant 0 : i32
    %dma_wait3A_190 = tpu.memref_slice %arg6[%add3A_186, %dma_wait3A_189] : memref<10240x128xbf16, #tpu.memory_space<vmem_shared>> -> memref<128x128xbf16, #tpu.memory_space<vmem_shared>>
    tpu.wait_dma2 semaphore(%arg14 : memref<!tpu.dma_semaphore, #tpu.memory_space<semaphore_mem>>) src(%dma_wait3A_190 : memref<128x128xbf16, #tpu.memory_space<vmem_shared>>) dst(%arg10 : memref<128x128xbf16, #tpu.memory_space<vmem>>)
    %mul3A_191 = arith.constant 640 : i32
    %mul3A_192 = arith.muli %arg1, %mul3A_191 : i32
    %add3A_193 = arith.constant 512 : i32
    %add3A_194 = arith.addi %mul3A_192, %add3A_193 : i32
    %dma_start3A_195 = arith.constant 0 : i32
    %dma_start3A_196 = tpu.memref_slice %arg6[%add3A_194, %dma_start3A_195] : memref<10240x128xbf16, #tpu.memory_space<vmem_shared>> -> memref<128x128xbf16, #tpu.memory_space<vmem_shared>>
    %dma_start3A_197 = arith.constant 0 : i32
    %dma_start3A_198 = tpu.memref_slice %arg6[%add3A_194, %dma_start3A_197] : memref<10240x128xbf16, #tpu.memory_space<vmem_shared>> -> memref<128x128xbf16, #tpu.memory_space<vmem_shared>>
    tpu.enqueue_dma source(%dma_start3A_198 : memref<128x128xbf16, #tpu.memory_space<vmem_shared>>) target(%arg9 : memref<128x128xbf16, #tpu.memory_space<vmem>>) target_semaphore(%arg13 : memref<!tpu.dma_semaphore, #tpu.memory_space<semaphore_mem>>)
    %mul3A_199 = arith.constant 640 : i32
    %mul3A_200 = arith.muli %arg1, %mul3A_199 : i32
    %add3A_201 = arith.constant 128 : i32
    %add3A_202 = arith.addi %mul3A_200, %add3A_201 : i32
    %dma_wait3A_203 = arith.constant 0 : i32
    %dma_wait3A_204 = arith.constant 0 : i32
    %dma_wait3A_205 = tpu.memref_slice %arg5[%arg0, %dma_wait3A_203, %dma_wait3A_204] : memref<2x10240x128xf32, #tpu.memory_space<hbm>> -> memref<1x10240x128xf32, #tpu.memory_space<hbm>>
    %dma_wait3A_206 = tpu.memref_squeeze %dma_wait3A_205 : memref<1x10240x128xf32, #tpu.memory_space<hbm>> -> memref<10240x128xf32, #tpu.memory_space<hbm>>
    %dma_wait3A_207 = arith.constant 0 : i32
    %dma_wait3A_208 = tpu.memref_slice %dma_wait3A_206[%add3A_202, %dma_wait3A_207] : memref<10240x128xf32, #tpu.memory_space<hbm>> -> memref<128x128xf32, #tpu.memory_space<hbm>>
    %dma_wait3A_209 = arith.constant 0 : i32
    %dma_wait3A_210 = arith.constant 0 : i32
    %dma_wait3A_211 = tpu.memref_slice %arg5[%arg0, %dma_wait3A_209, %dma_wait3A_210] : memref<2x10240x128xf32, #tpu.memory_space<hbm>> -> memref<1x10240x128xf32, #tpu.memory_space<hbm>>
    %dma_wait3A_212 = tpu.memref_squeeze %dma_wait3A_211 : memref<1x10240x128xf32, #tpu.memory_space<hbm>> -> memref<10240x128xf32, #tpu.memory_space<hbm>>
    %dma_wait3A_213 = arith.constant 0 : i32
    %dma_wait3A_214 = tpu.memref_slice %dma_wait3A_212[%add3A_202, %dma_wait3A_213] : memref<10240x128xf32, #tpu.memory_space<hbm>> -> memref<128x128xf32, #tpu.memory_space<hbm>>
    tpu.wait_dma2 semaphore(%arg16 : memref<!tpu.dma_semaphore, #tpu.memory_space<semaphore_mem>>) src(%arg12 : memref<128x128xf32, #tpu.memory_space<vmem>>) dst(%dma_wait3A_214 : memref<128x128xf32, #tpu.memory_space<hbm>>)
    %scan3A_215 = arith.constant 0 : i32
    %scan3A_216 = arith.constant 128 : i32
    %scan3A_217 = arith.addi %scan3A_215, %scan3A_216 : i32
    %scan3A_218 = arith.constant 1 : i32
    scf.for %scan3A_313 = %scan3A_215 to %scan3A_217 step %scan3A_218  : i32 {
      %mul3A_314 = arith.constant 1 : i32
      %mul3A_315 = arith.muli %scan3A_313, %mul3A_314 : i32
      %add3A_316 = arith.constant 0 : i32
      %add3A_317 = arith.addi %add3A_316, %mul3A_315 : i32
      %get3A = arith.index_cast %add3A_317 : i32 to index
      %get3A_318 = arith.constant 0 : index
      %get3A_319 = tpu.vector_load %arg10[%get3A, %get3A_318] {strides = array<i32>} : memref<128x128xbf16, #tpu.memory_space<vmem>>, vector<32xbf16>,
      %unpack3A = tpu.unpack_subelements %get3A_319, 0 {pack_format = #tpu.pack_format<interleaved>} : vector<32xbf16> -> vector<16xf32>
      %unpack3A_320 = tpu.unpack_subelements %get3A_319, 1 {pack_format = #tpu.pack_format<interleaved>} : vector<32xbf16> -> vector<16xf32>
      %add3A_321 = arith.constant 0 : i32
      %add3A_322 = vector.broadcast %add3A_321 : i32 to vector<16xi32>
      %add3A_323 = arith.addi %add3A_322, %mul3A_47 : vector<16xi32>
      %scatter3A = arith.constant 0 : i32
      %scatter3A_324 = tpu.memref_slice %arg12[%add3A_317, %scatter3A] : memref<128x128xf32, #tpu.memory_space<vmem>> -> memref<1x128xf32, #tpu.memory_space<vmem>>
      %scatter3A_325 = tpu.memref_squeeze %scatter3A_324 : memref<1x128xf32, #tpu.memory_space<vmem>> -> memref<128xf32, #tpu.memory_space<vmem>>
      tpu.vector_store_idx %scatter3A_325[%add3A_323], %unpack3A : memref<128xf32, #tpu.memory_space<vmem>>[vector<16xi32>], vector<16xf32>,
      %add3A_326 = arith.constant 1 : i32
      %add3A_327 = vector.broadcast %add3A_326 : i32 to vector<16xi32>
      %add3A_328 = arith.addi %add3A_327, %mul3A_47 : vector<16xi32>
      %scatter3A_329 = arith.constant 0 : i32
      %scatter3A_330 = tpu.memref_slice %arg12[%add3A_317, %scatter3A_329] : memref<128x128xf32, #tpu.memory_space<vmem>> -> memref<1x128xf32, #tpu.memory_space<vmem>>
      %scatter3A_331 = tpu.memref_squeeze %scatter3A_330 : memref<1x128xf32, #tpu.memory_space<vmem>> -> memref<128xf32, #tpu.memory_space<vmem>>
      tpu.vector_store_idx %scatter3A_331[%add3A_328], %unpack3A_320 : memref<128xf32, #tpu.memory_space<vmem>>[vector<16xi32>], vector<16xf32>,
      %get3A_332 = arith.index_cast %add3A_317 : i32 to index
      %get3A_333 = arith.constant 32 : index
      %get3A_334 = tpu.vector_load %arg10[%get3A_332, %get3A_333] {strides = array<i32>} : memref<128x128xbf16, #tpu.memory_space<vmem>>, vector<32xbf16>,
      %unpack3A_335 = tpu.unpack_subelements %get3A_334, 0 {pack_format = #tpu.pack_format<interleaved>} : vector<32xbf16> -> vector<16xf32>
      %unpack3A_336 = tpu.unpack_subelements %get3A_334, 1 {pack_format = #tpu.pack_format<interleaved>} : vector<32xbf16> -> vector<16xf32>
      %add3A_337 = arith.constant 32 : i32
      %add3A_338 = vector.broadcast %add3A_337 : i32 to vector<16xi32>
      %add3A_339 = arith.addi %add3A_338, %mul3A_47 : vector<16xi32>
      %scatter3A_340 = arith.constant 0 : i32
      %scatter3A_341 = tpu.memref_slice %arg12[%add3A_317, %scatter3A_340] : memref<128x128xf32, #tpu.memory_space<vmem>> -> memref<1x128xf32, #tpu.memory_space<vmem>>
      %scatter3A_342 = tpu.memref_squeeze %scatter3A_341 : memref<1x128xf32, #tpu.memory_space<vmem>> -> memref<128xf32, #tpu.memory_space<vmem>>
      tpu.vector_store_idx %scatter3A_342[%add3A_339], %unpack3A_335 : memref<128xf32, #tpu.memory_space<vmem>>[vector<16xi32>], vector<16xf32>,
      %add3A_343 = arith.constant 33 : i32
      %add3A_344 = vector.broadcast %add3A_343 : i32 to vector<16xi32>
      %add3A_345 = arith.addi %add3A_344, %mul3A_47 : vector<16xi32>
      %scatter3A_346 = arith.constant 0 : i32
      %scatter3A_347 = tpu.memref_slice %arg12[%add3A_317, %scatter3A_346] : memref<128x128xf32, #tpu.memory_space<vmem>> -> memref<1x128xf32, #tpu.memory_space<vmem>>
      %scatter3A_348 = tpu.memref_squeeze %scatter3A_347 : memref<1x128xf32, #tpu.memory_space<vmem>> -> memref<128xf32, #tpu.memory_space<vmem>>
      tpu.vector_store_idx %scatter3A_348[%add3A_345], %unpack3A_336 : memref<128xf32, #tpu.memory_space<vmem>>[vector<16xi32>], vector<16xf32>,
      %get3A_349 = arith.index_cast %add3A_317 : i32 to index
      %get3A_350 = arith.constant 64 : index
      %get3A_351 = tpu.vector_load %arg10[%get3A_349, %get3A_350] {strides = array<i32>} : memref<128x128xbf16, #tpu.memory_space<vmem>>, vector<32xbf16>,
      %unpack3A_352 = tpu.unpack_subelements %get3A_351, 0 {pack_format = #tpu.pack_format<interleaved>} : vector<32xbf16> -> vector<16xf32>
      %unpack3A_353 = tpu.unpack_subelements %get3A_351, 1 {pack_format = #tpu.pack_format<interleaved>} : vector<32xbf16> -> vector<16xf32>
      %add3A_354 = arith.constant 64 : i32
      %add3A_355 = vector.broadcast %add3A_354 : i32 to vector<16xi32>
      %add3A_356 = arith.addi %add3A_355, %mul3A_47 : vector<16xi32>
      %scatter3A_357 = arith.constant 0 : i32
      %scatter3A_358 = tpu.memref_slice %arg12[%add3A_317, %scatter3A_357] : memref<128x128xf32, #tpu.memory_space<vmem>> -> memref<1x128xf32, #tpu.memory_space<vmem>>
      %scatter3A_359 = tpu.memref_squeeze %scatter3A_358 : memref<1x128xf32, #tpu.memory_space<vmem>> -> memref<128xf32, #tpu.memory_space<vmem>>
      tpu.vector_store_idx %scatter3A_359[%add3A_356], %unpack3A_352 : memref<128xf32, #tpu.memory_space<vmem>>[vector<16xi32>], vector<16xf32>,
      %add3A_360 = arith.constant 65 : i32
      %add3A_361 = vector.broadcast %add3A_360 : i32 to vector<16xi32>
      %add3A_362 = arith.addi %add3A_361, %mul3A_47 : vector<16xi32>
      %scatter3A_363 = arith.constant 0 : i32
      %scatter3A_364 = tpu.memref_slice %arg12[%add3A_317, %scatter3A_363] : memref<128x128xf32, #tpu.memory_space<vmem>> -> memref<1x128xf32, #tpu.memory_space<vmem>>
      %scatter3A_365 = tpu.memref_squeeze %scatter3A_364 : memref<1x128xf32, #tpu.memory_space<vmem>> -> memref<128xf32, #tpu.memory_space<vmem>>
      tpu.vector_store_idx %scatter3A_365[%add3A_362], %unpack3A_353 : memref<128xf32, #tpu.memory_space<vmem>>[vector<16xi32>], vector<16xf32>,
      %get3A_366 = arith.index_cast %add3A_317 : i32 to index
      %get3A_367 = arith.constant 96 : index
      %get3A_368 = tpu.vector_load %arg10[%get3A_366, %get3A_367] {strides = array<i32>} : memref<128x128xbf16, #tpu.memory_space<vmem>>, vector<32xbf16>,
      %unpack3A_369 = tpu.unpack_subelements %get3A_368, 0 {pack_format = #tpu.pack_format<interleaved>} : vector<32xbf16> -> vector<16xf32>
      %unpack3A_370 = tpu.unpack_subelements %get3A_368, 1 {pack_format = #tpu.pack_format<interleaved>} : vector<32xbf16> -> vector<16xf32>
      %add3A_371 = arith.constant 96 : i32
      %add3A_372 = vector.broadcast %add3A_371 : i32 to vector<16xi32>
      %add3A_373 = arith.addi %add3A_372, %mul3A_47 : vector<16xi32>
      %scatter3A_374 = arith.constant 0 : i32
      %scatter3A_375 = tpu.memref_slice %arg12[%add3A_317, %scatter3A_374] : memref<128x128xf32, #tpu.memory_space<vmem>> -> memref<1x128xf32, #tpu.memory_space<vmem>>
      %scatter3A_376 = tpu.memref_squeeze %scatter3A_375 : memref<1x128xf32, #tpu.memory_space<vmem>> -> memref<128xf32, #tpu.memory_space<vmem>>
      tpu.vector_store_idx %scatter3A_376[%add3A_373], %unpack3A_369 : memref<128xf32, #tpu.memory_space<vmem>>[vector<16xi32>], vector<16xf32>,
      %add3A_377 = arith.constant 97 : i32
      %add3A_378 = vector.broadcast %add3A_377 : i32 to vector<16xi32>
      %add3A_379 = arith.addi %add3A_378, %mul3A_47 : vector<16xi32>
      %scatter3A_380 = arith.constant 0 : i32
      %scatter3A_381 = tpu.memref_slice %arg12[%add3A_317, %scatter3A_380] : memref<128x128xf32, #tpu.memory_space<vmem>> -> memref<1x128xf32, #tpu.memory_space<vmem>>
      %scatter3A_382 = tpu.memref_squeeze %scatter3A_381 : memref<1x128xf32, #tpu.memory_space<vmem>> -> memref<128xf32, #tpu.memory_space<vmem>>
      tpu.vector_store_idx %scatter3A_382[%add3A_379], %unpack3A_370 : memref<128xf32, #tpu.memory_space<vmem>>[vector<16xi32>], vector<16xf32>,
    }
    %scan3A_219 = arith.constant 128 : i32
    %mul3A_220 = arith.constant 640 : i32
    %mul3A_221 = arith.muli %arg1, %mul3A_220 : i32
    %add3A_222 = arith.constant 384 : i32
    %add3A_223 = arith.addi %mul3A_221, %add3A_222 : i32
    %dma_start3A_224 = arith.constant 0 : i32
    %dma_start3A_225 = arith.constant 0 : i32
    %dma_start3A_226 = tpu.memref_slice %arg5[%arg0, %dma_start3A_224, %dma_start3A_225] : memref<2x10240x128xf32, #tpu.memory_space<hbm>> -> memref<1x10240x128xf32, #tpu.memory_space<hbm>>
    %dma_start3A_227 = tpu.memref_squeeze %dma_start3A_226 : memref<1x10240x128xf32, #tpu.memory_space<hbm>> -> memref<10240x128xf32, #tpu.memory_space<hbm>>
    %dma_start3A_228 = arith.constant 0 : i32
    %dma_start3A_229 = tpu.memref_slice %dma_start3A_227[%add3A_223, %dma_start3A_228] : memref<10240x128xf32, #tpu.memory_space<hbm>> -> memref<128x128xf32, #tpu.memory_space<hbm>>
    %dma_start3A_230 = arith.constant 0 : i32
    %dma_start3A_231 = arith.constant 0 : i32
    %dma_start3A_232 = tpu.memref_slice %arg5[%arg0, %dma_start3A_230, %dma_start3A_231] : memref<2x10240x128xf32, #tpu.memory_space<hbm>> -> memref<1x10240x128xf32, #tpu.memory_space<hbm>>
    %dma_start3A_233 = tpu.memref_squeeze %dma_start3A_232 : memref<1x10240x128xf32, #tpu.memory_space<hbm>> -> memref<10240x128xf32, #tpu.memory_space<hbm>>
    %dma_start3A_234 = arith.constant 0 : i32
    %dma_start3A_235 = tpu.memref_slice %dma_start3A_233[%add3A_223, %dma_start3A_234] : memref<10240x128xf32, #tpu.memory_space<hbm>> -> memref<128x128xf32, #tpu.memory_space<hbm>>
    tpu.enqueue_dma source(%arg12 : memref<128x128xf32, #tpu.memory_space<vmem>>) target(%dma_start3A_235 : memref<128x128xf32, #tpu.memory_space<hbm>>) target_semaphore(%arg16 : memref<!tpu.dma_semaphore, #tpu.memory_space<semaphore_mem>>)
    %mul3A_236 = arith.constant 640 : i32
    %mul3A_237 = arith.muli %arg1, %mul3A_236 : i32
    %add3A_238 = arith.constant 512 : i32
    %add3A_239 = arith.addi %mul3A_237, %add3A_238 : i32
    %dma_wait3A_240 = arith.constant 0 : i32
    %dma_wait3A_241 = tpu.memref_slice %arg6[%add3A_239, %dma_wait3A_240] : memref<10240x128xbf16, #tpu.memory_space<vmem_shared>> -> memref<128x128xbf16, #tpu.memory_space<vmem_shared>>
    %dma_wait3A_242 = arith.constant 0 : i32
    %dma_wait3A_243 = tpu.memref_slice %arg6[%add3A_239, %dma_wait3A_242] : memref<10240x128xbf16, #tpu.memory_space<vmem_shared>> -> memref<128x128xbf16, #tpu.memory_space<vmem_shared>>
    tpu.wait_dma2 semaphore(%arg13 : memref<!tpu.dma_semaphore, #tpu.memory_space<semaphore_mem>>) src(%dma_wait3A_243 : memref<128x128xbf16, #tpu.memory_space<vmem_shared>>) dst(%arg9 : memref<128x128xbf16, #tpu.memory_space<vmem>>)
    %mul3A_244 = arith.constant 640 : i32
    %mul3A_245 = arith.muli %arg1, %mul3A_244 : i32
    %add3A_246 = arith.constant 256 : i32
    %add3A_247 = arith.addi %mul3A_245, %add3A_246 : i32
    %dma_wait3A_248 = arith.constant 0 : i32
    %dma_wait3A_249 = arith.constant 0 : i32
    %dma_wait3A_250 = tpu.memref_slice %arg5[%arg0, %dma_wait3A_248, %dma_wait3A_249] : memref<2x10240x128xf32, #tpu.memory_space<hbm>> -> memref<1x10240x128xf32, #tpu.memory_space<hbm>>
    %dma_wait3A_251 = tpu.memref_squeeze %dma_wait3A_250 : memref<1x10240x128xf32, #tpu.memory_space<hbm>> -> memref<10240x128xf32, #tpu.memory_space<hbm>>
    %dma_wait3A_252 = arith.constant 0 : i32
    %dma_wait3A_253 = tpu.memref_slice %dma_wait3A_251[%add3A_247, %dma_wait3A_252] : memref<10240x128xf32, #tpu.memory_space<hbm>> -> memref<128x128xf32, #tpu.memory_space<hbm>>
    %dma_wait3A_254 = arith.constant 0 : i32
    %dma_wait3A_255 = arith.constant 0 : i32
    %dma_wait3A_256 = tpu.memref_slice %arg5[%arg0, %dma_wait3A_254, %dma_wait3A_255] : memref<2x10240x128xf32, #tpu.memory_space<hbm>> -> memref<1x10240x128xf32, #tpu.memory_space<hbm>>
    %dma_wait3A_257 = tpu.memref_squeeze %dma_wait3A_256 : memref<1x10240x128xf32, #tpu.memory_space<hbm>> -> memref<10240x128xf32, #tpu.memory_space<hbm>>
    %dma_wait3A_258 = arith.constant 0 : i32
    %dma_wait3A_259 = tpu.memref_slice %dma_wait3A_257[%add3A_247, %dma_wait3A_258] : memref<10240x128xf32, #tpu.memory_space<hbm>> -> memref<128x128xf32, #tpu.memory_space<hbm>>
    tpu.wait_dma2 semaphore(%arg15 : memref<!tpu.dma_semaphore, #tpu.memory_space<semaphore_mem>>) src(%arg11 : memref<128x128xf32, #tpu.memory_space<vmem>>) dst(%dma_wait3A_259 : memref<128x128xf32, #tpu.memory_space<hbm>>)
    %scan3A_260 = arith.constant 0 : i32
    %scan3A_261 = arith.constant 128 : i32
    %scan3A_262 = arith.addi %scan3A_260, %scan3A_261 : i32
    %scan3A_263 = arith.constant 1 : i32
    scf.for %scan3A_313 = %scan3A_260 to %scan3A_262 step %scan3A_263  : i32 {
      %mul3A_314 = arith.constant 1 : i32
      %mul3A_315 = arith.muli %scan3A_313, %mul3A_314 : i32
      %add3A_316 = arith.constant 0 : i32
      %add3A_317 = arith.addi %add3A_316, %mul3A_315 : i32
      %get3A = arith.index_cast %add3A_317 : i32 to index
      %get3A_318 = arith.constant 0 : index
      %get3A_319 = tpu.vector_load %arg9[%get3A, %get3A_318] {strides = array<i32>} : memref<128x128xbf16, #tpu.memory_space<vmem>>, vector<32xbf16>,
      %unpack3A = tpu.unpack_subelements %get3A_319, 0 {pack_format = #tpu.pack_format<interleaved>} : vector<32xbf16> -> vector<16xf32>
      %unpack3A_320 = tpu.unpack_subelements %get3A_319, 1 {pack_format = #tpu.pack_format<interleaved>} : vector<32xbf16> -> vector<16xf32>
      %add3A_321 = arith.constant 0 : i32
      %add3A_322 = vector.broadcast %add3A_321 : i32 to vector<16xi32>
      %add3A_323 = arith.addi %add3A_322, %mul3A_47 : vector<16xi32>
      %scatter3A = arith.constant 0 : i32
      %scatter3A_324 = tpu.memref_slice %arg11[%add3A_317, %scatter3A] : memref<128x128xf32, #tpu.memory_space<vmem>> -> memref<1x128xf32, #tpu.memory_space<vmem>>
      %scatter3A_325 = tpu.memref_squeeze %scatter3A_324 : memref<1x128xf32, #tpu.memory_space<vmem>> -> memref<128xf32, #tpu.memory_space<vmem>>
      tpu.vector_store_idx %scatter3A_325[%add3A_323], %unpack3A : memref<128xf32, #tpu.memory_space<vmem>>[vector<16xi32>], vector<16xf32>,
      %add3A_326 = arith.constant 1 : i32
      %add3A_327 = vector.broadcast %add3A_326 : i32 to vector<16xi32>
      %add3A_328 = arith.addi %add3A_327, %mul3A_47 : vector<16xi32>
      %scatter3A_329 = arith.constant 0 : i32
      %scatter3A_330 = tpu.memref_slice %arg11[%add3A_317, %scatter3A_329] : memref<128x128xf32, #tpu.memory_space<vmem>> -> memref<1x128xf32, #tpu.memory_space<vmem>>
      %scatter3A_331 = tpu.memref_squeeze %scatter3A_330 : memref<1x128xf32, #tpu.memory_space<vmem>> -> memref<128xf32, #tpu.memory_space<vmem>>
      tpu.vector_store_idx %scatter3A_331[%add3A_328], %unpack3A_320 : memref<128xf32, #tpu.memory_space<vmem>>[vector<16xi32>], vector<16xf32>,
      %get3A_332 = arith.index_cast %add3A_317 : i32 to index
      %get3A_333 = arith.constant 32 : index
      %get3A_334 = tpu.vector_load %arg9[%get3A_332, %get3A_333] {strides = array<i32>} : memref<128x128xbf16, #tpu.memory_space<vmem>>, vector<32xbf16>,
      %unpack3A_335 = tpu.unpack_subelements %get3A_334, 0 {pack_format = #tpu.pack_format<interleaved>} : vector<32xbf16> -> vector<16xf32>
      %unpack3A_336 = tpu.unpack_subelements %get3A_334, 1 {pack_format = #tpu.pack_format<interleaved>} : vector<32xbf16> -> vector<16xf32>
      %add3A_337 = arith.constant 32 : i32
      %add3A_338 = vector.broadcast %add3A_337 : i32 to vector<16xi32>
      %add3A_339 = arith.addi %add3A_338, %mul3A_47 : vector<16xi32>
      %scatter3A_340 = arith.constant 0 : i32
      %scatter3A_341 = tpu.memref_slice %arg11[%add3A_317, %scatter3A_340] : memref<128x128xf32, #tpu.memory_space<vmem>> -> memref<1x128xf32, #tpu.memory_space<vmem>>
      %scatter3A_342 = tpu.memref_squeeze %scatter3A_341 : memref<1x128xf32, #tpu.memory_space<vmem>> -> memref<128xf32, #tpu.memory_space<vmem>>
      tpu.vector_store_idx %scatter3A_342[%add3A_339], %unpack3A_335 : memref<128xf32, #tpu.memory_space<vmem>>[vector<16xi32>], vector<16xf32>,
      %add3A_343 = arith.constant 33 : i32
      %add3A_344 = vector.broadcast %add3A_343 : i32 to vector<16xi32>
      %add3A_345 = arith.addi %add3A_344, %mul3A_47 : vector<16xi32>
      %scatter3A_346 = arith.constant 0 : i32
      %scatter3A_347 = tpu.memref_slice %arg11[%add3A_317, %scatter3A_346] : memref<128x128xf32, #tpu.memory_space<vmem>> -> memref<1x128xf32, #tpu.memory_space<vmem>>
      %scatter3A_348 = tpu.memref_squeeze %scatter3A_347 : memref<1x128xf32, #tpu.memory_space<vmem>> -> memref<128xf32, #tpu.memory_space<vmem>>
      tpu.vector_store_idx %scatter3A_348[%add3A_345], %unpack3A_336 : memref<128xf32, #tpu.memory_space<vmem>>[vector<16xi32>], vector<16xf32>,
      %get3A_349 = arith.index_cast %add3A_317 : i32 to index
      %get3A_350 = arith.constant 64 : index
      %get3A_351 = tpu.vector_load %arg9[%get3A_349, %get3A_350] {strides = array<i32>} : memref<128x128xbf16, #tpu.memory_space<vmem>>, vector<32xbf16>,
      %unpack3A_352 = tpu.unpack_subelements %get3A_351, 0 {pack_format = #tpu.pack_format<interleaved>} : vector<32xbf16> -> vector<16xf32>
      %unpack3A_353 = tpu.unpack_subelements %get3A_351, 1 {pack_format = #tpu.pack_format<interleaved>} : vector<32xbf16> -> vector<16xf32>
      %add3A_354 = arith.constant 64 : i32
      %add3A_355 = vector.broadcast %add3A_354 : i32 to vector<16xi32>
      %add3A_356 = arith.addi %add3A_355, %mul3A_47 : vector<16xi32>
      %scatter3A_357 = arith.constant 0 : i32
      %scatter3A_358 = tpu.memref_slice %arg11[%add3A_317, %scatter3A_357] : memref<128x128xf32, #tpu.memory_space<vmem>> -> memref<1x128xf32, #tpu.memory_space<vmem>>
      %scatter3A_359 = tpu.memref_squeeze %scatter3A_358 : memref<1x128xf32, #tpu.memory_space<vmem>> -> memref<128xf32, #tpu.memory_space<vmem>>
      tpu.vector_store_idx %scatter3A_359[%add3A_356], %unpack3A_352 : memref<128xf32, #tpu.memory_space<vmem>>[vector<16xi32>], vector<16xf32>,
      %add3A_360 = arith.constant 65 : i32
      %add3A_361 = vector.broadcast %add3A_360 : i32 to vector<16xi32>
      %add3A_362 = arith.addi %add3A_361, %mul3A_47 : vector<16xi32>
      %scatter3A_363 = arith.constant 0 : i32
      %scatter3A_364 = tpu.memref_slice %arg11[%add3A_317, %scatter3A_363] : memref<128x128xf32, #tpu.memory_space<vmem>> -> memref<1x128xf32, #tpu.memory_space<vmem>>
      %scatter3A_365 = tpu.memref_squeeze %scatter3A_364 : memref<1x128xf32, #tpu.memory_space<vmem>> -> memref<128xf32, #tpu.memory_space<vmem>>
      tpu.vector_store_idx %scatter3A_365[%add3A_362], %unpack3A_353 : memref<128xf32, #tpu.memory_space<vmem>>[vector<16xi32>], vector<16xf32>,
      %get3A_366 = arith.index_cast %add3A_317 : i32 to index
      %get3A_367 = arith.constant 96 : index
      %get3A_368 = tpu.vector_load %arg9[%get3A_366, %get3A_367] {strides = array<i32>} : memref<128x128xbf16, #tpu.memory_space<vmem>>, vector<32xbf16>,
      %unpack3A_369 = tpu.unpack_subelements %get3A_368, 0 {pack_format = #tpu.pack_format<interleaved>} : vector<32xbf16> -> vector<16xf32>
      %unpack3A_370 = tpu.unpack_subelements %get3A_368, 1 {pack_format = #tpu.pack_format<interleaved>} : vector<32xbf16> -> vector<16xf32>
      %add3A_371 = arith.constant 96 : i32
      %add3A_372 = vector.broadcast %add3A_371 : i32 to vector<16xi32>
      %add3A_373 = arith.addi %add3A_372, %mul3A_47 : vector<16xi32>
      %scatter3A_374 = arith.constant 0 : i32
      %scatter3A_375 = tpu.memref_slice %arg11[%add3A_317, %scatter3A_374] : memref<128x128xf32, #tpu.memory_space<vmem>> -> memref<1x128xf32, #tpu.memory_space<vmem>>
      %scatter3A_376 = tpu.memref_squeeze %scatter3A_375 : memref<1x128xf32, #tpu.memory_space<vmem>> -> memref<128xf32, #tpu.memory_space<vmem>>
      tpu.vector_store_idx %scatter3A_376[%add3A_373], %unpack3A_369 : memref<128xf32, #tpu.memory_space<vmem>>[vector<16xi32>], vector<16xf32>,
      %add3A_377 = arith.constant 97 : i32
      %add3A_378 = vector.broadcast %add3A_377 : i32 to vector<16xi32>
      %add3A_379 = arith.addi %add3A_378, %mul3A_47 : vector<16xi32>
      %scatter3A_380 = arith.constant 0 : i32
      %scatter3A_381 = tpu.memref_slice %arg11[%add3A_317, %scatter3A_380] : memref<128x128xf32, #tpu.memory_space<vmem>> -> memref<1x128xf32, #tpu.memory_space<vmem>>
      %scatter3A_382 = tpu.memref_squeeze %scatter3A_381 : memref<1x128xf32, #tpu.memory_space<vmem>> -> memref<128xf32, #tpu.memory_space<vmem>>
      tpu.vector_store_idx %scatter3A_382[%add3A_379], %unpack3A_370 : memref<128xf32, #tpu.memory_space<vmem>>[vector<16xi32>], vector<16xf32>,
    }
    %scan3A_264 = arith.constant 128 : i32
    %mul3A_265 = arith.constant 640 : i32
    %mul3A_266 = arith.muli %arg1, %mul3A_265 : i32
    %add3A_267 = arith.constant 512 : i32
    %add3A_268 = arith.addi %mul3A_266, %add3A_267 : i32
    %dma_start3A_269 = arith.constant 0 : i32
    %dma_start3A_270 = arith.constant 0 : i32
    %dma_start3A_271 = tpu.memref_slice %arg5[%arg0, %dma_start3A_269, %dma_start3A_270] : memref<2x10240x128xf32, #tpu.memory_space<hbm>> -> memref<1x10240x128xf32, #tpu.memory_space<hbm>>
    %dma_start3A_272 = tpu.memref_squeeze %dma_start3A_271 : memref<1x10240x128xf32, #tpu.memory_space<hbm>> -> memref<10240x128xf32, #tpu.memory_space<hbm>>
    %dma_start3A_273 = arith.constant 0 : i32
    %dma_start3A_274 = tpu.memref_slice %dma_start3A_272[%add3A_268, %dma_start3A_273] : memref<10240x128xf32, #tpu.memory_space<hbm>> -> memref<128x128xf32, #tpu.memory_space<hbm>>
    %dma_start3A_275 = arith.constant 0 : i32
    %dma_start3A_276 = arith.constant 0 : i32
    %dma_start3A_277 = tpu.memref_slice %arg5[%arg0, %dma_start3A_275, %dma_start3A_276] : memref<2x10240x128xf32, #tpu.memory_space<hbm>> -> memref<1x10240x128xf32, #tpu.memory_space<hbm>>
    %dma_start3A_278 = tpu.memref_squeeze %dma_start3A_277 : memref<1x10240x128xf32, #tpu.memory_space<hbm>> -> memref<10240x128xf32, #tpu.memory_space<hbm>>
    %dma_start3A_279 = arith.constant 0 : i32
    %dma_start3A_280 = tpu.memref_slice %dma_start3A_278[%add3A_268, %dma_start3A_279] : memref<10240x128xf32, #tpu.memory_space<hbm>> -> memref<128x128xf32, #tpu.memory_space<hbm>>
    tpu.enqueue_dma source(%arg11 : memref<128x128xf32, #tpu.memory_space<vmem>>) target(%dma_start3A_280 : memref<128x128xf32, #tpu.memory_space<hbm>>) target_semaphore(%arg15 : memref<!tpu.dma_semaphore, #tpu.memory_space<semaphore_mem>>)
    %mul3A_281 = arith.constant 640 : i32
    %mul3A_282 = arith.muli %arg1, %mul3A_281 : i32
    %add3A_283 = arith.constant 384 : i32
    %add3A_284 = arith.addi %mul3A_282, %add3A_283 : i32
    %dma_wait3A_285 = arith.constant 0 : i32
    %dma_wait3A_286 = arith.constant 0 : i32
    %dma_wait3A_287 = tpu.memref_slice %arg5[%arg0, %dma_wait3A_285, %dma_wait3A_286] : memref<2x10240x128xf32, #tpu.memory_space<hbm>> -> memref<1x10240x128xf32, #tpu.memory_space<hbm>>
    %dma_wait3A_288 = tpu.memref_squeeze %dma_wait3A_287 : memref<1x10240x128xf32, #tpu.memory_space<hbm>> -> memref<10240x128xf32, #tpu.memory_space<hbm>>
    %dma_wait3A_289 = arith.constant 0 : i32
    %dma_wait3A_290 = tpu.memref_slice %dma_wait3A_288[%add3A_284, %dma_wait3A_289] : memref<10240x128xf32, #tpu.memory_space<hbm>> -> memref<128x128xf32, #tpu.memory_space<hbm>>
    %dma_wait3A_291 = arith.constant 0 : i32
    %dma_wait3A_292 = arith.constant 0 : i32
    %dma_wait3A_293 = tpu.memref_slice %arg5[%arg0, %dma_wait3A_291, %dma_wait3A_292] : memref<2x10240x128xf32, #tpu.memory_space<hbm>> -> memref<1x10240x128xf32, #tpu.memory_space<hbm>>
    %dma_wait3A_294 = tpu.memref_squeeze %dma_wait3A_293 : memref<1x10240x128xf32, #tpu.memory_space<hbm>> -> memref<10240x128xf32, #tpu.memory_space<hbm>>
    %dma_wait3A_295 = arith.constant 0 : i32
    %dma_wait3A_296 = tpu.memref_slice %dma_wait3A_294[%add3A_284, %dma_wait3A_295] : memref<10240x128xf32, #tpu.memory_space<hbm>> -> memref<128x128xf32, #tpu.memory_space<hbm>>
    tpu.wait_dma2 semaphore(%arg15 : memref<!tpu.dma_semaphore, #tpu.memory_space<semaphore_mem>>) src(%arg11 : memref<128x128xf32, #tpu.memory_space<vmem>>) dst(%dma_wait3A_296 : memref<128x128xf32, #tpu.memory_space<hbm>>)
    %mul3A_297 = arith.constant 640 : i32
    %mul3A_298 = arith.muli %arg1, %mul3A_297 : i32
    %add3A_299 = arith.constant 512 : i32
    %add3A_300 = arith.addi %mul3A_298, %add3A_299 : i32
    %dma_wait3A_301 = arith.constant 0 : i32
    %dma_wait3A_302 = arith.constant 0 : i32
    %dma_wait3A_303 = tpu.memref_slice %arg5[%arg0, %dma_wait3A_301, %dma_wait3A_302] : memref<2x10240x128xf32, #tpu.memory_space<hbm>> -> memref<1x10240x128xf32, #tpu.memory_space<hbm>>
    %dma_wait3A_304 = tpu.memref_squeeze %dma_wait3A_303 : memref<1x10240x128xf32, #tpu.memory_space<hbm>> -> memref<10240x128xf32, #tpu.memory_space<hbm>>
    %dma_wait3A_305 = arith.constant 0 : i32
    %dma_wait3A_306 = tpu.memref_slice %dma_wait3A_304[%add3A_300, %dma_wait3A_305] : memref<10240x128xf32, #tpu.memory_space<hbm>> -> memref<128x128xf32, #tpu.memory_space<hbm>>
    %dma_wait3A_307 = arith.constant 0 : i32
    %dma_wait3A_308 = arith.constant 0 : i32
    %dma_wait3A_309 = tpu.memref_slice %arg5[%arg0, %dma_wait3A_307, %dma_wait3A_308] : memref<2x10240x128xf32, #tpu.memory_space<hbm>> -> memref<1x10240x128xf32, #tpu.memory_space<hbm>>
    %dma_wait3A_310 = tpu.memref_squeeze %dma_wait3A_309 : memref<1x10240x128xf32, #tpu.memory_space<hbm>> -> memref<10240x128xf32, #tpu.memory_space<hbm>>
    %dma_wait3A_311 = arith.constant 0 : i32
    %dma_wait3A_312 = tpu.memref_slice %dma_wait3A_310[%add3A_300, %dma_wait3A_311] : memref<10240x128xf32, #tpu.memory_space<hbm>> -> memref<128x128xf32, #tpu.memory_space<hbm>>
    tpu.wait_dma2 semaphore(%arg16 : memref<!tpu.dma_semaphore, #tpu.memory_space<semaphore_mem>>) src(%arg12 : memref<128x128xf32, #tpu.memory_space<vmem>>) dst(%dma_wait3A_312 : memref<128x128xf32, #tpu.memory_space<hbm>>)
    return
  }
}

#map = affine_map<(d0, d1) -> (0, 0)>
#map1 = affine_map<(d0, d1) -> (0, 0, 0)>
#map2 = affine_map<(d0, d1) -> (0)>
module attributes {stable_mosaic.version = 14 : i64} {
  func.func @sc_agg_cnt(%arg0: i32, %arg1: i32, %arg2: memref<10000x128xbf16, #tpu.memory_space<hbm>>, %arg3: memref<32x80x128xi32, #tpu.memory_space<hbm>>, %arg4: memref<32x80x128xi32, #tpu.memory_space<hbm>>, %arg5: memref<2x10240x128xf32, #tpu.memory_space<hbm>>, %arg6: memref<20480xf32, #tpu.memory_space<hbm>>, %arg7: memref<10240x128xbf16, #tpu.memory_space<vmem_shared>>, %arg8: memref<80x128xi32, #tpu.memory_space<vmem>>, %arg9: memref<80x128xi32, #tpu.memory_space<vmem>>, %arg10: memref<128x128xbf16, #tpu.memory_space<vmem>>, %arg11: memref<128x128xbf16, #tpu.memory_space<vmem>>, %arg12: memref<128x128xf32, #tpu.memory_space<vmem>>, %arg13: memref<128x128xf32, #tpu.memory_space<vmem>>, %arg14: memref<!tpu.dma_semaphore, #tpu.memory_space<semaphore_mem>>, %arg15: memref<!tpu.dma_semaphore, #tpu.memory_space<semaphore_mem>>, %arg16: memref<!tpu.dma_semaphore, #tpu.memory_space<semaphore_mem>>, %arg17: memref<!tpu.dma_semaphore, #tpu.memory_space<semaphore_mem>>, %arg18: memref<!tpu.dma_semaphore, #tpu.memory_space<semaphore_mem>>, %arg19: memref<!tpu.dma_semaphore, #tpu.memory_space<semaphore_mem>>, %arg20: memref<!tpu.dma_semaphore, #tpu.memory_space<semaphore_mem>>, %arg21: memref<!tpu.dma_semaphore, #tpu.memory_space<semaphore_mem>>, %arg22: memref<10240xf32, #tpu.memory_space<vmem_shared>>, %arg23: memref<128xf32, #tpu.memory_space<vmem>>, %arg24: memref<640xf32, #tpu.memory_space<vmem>>, %arg25: memref<!tpu.dma_semaphore, #tpu.memory_space<semaphore_mem>>, %arg26: memref<!tpu.dma_semaphore, #tpu.memory_space<semaphore_mem>>) attributes {dimension_semantics = [#tpu.dimension_semantics<core_parallel>, #tpu.dimension_semantics<subcore_parallel>], iteration_bounds = array<i64: 2, 16>, scalar_prefetch = 0 : i64, scratch_operands = 20 : i64, tpu.core_type = #tpu.core_type<sc_vector_subcore>, window_params = [{transform_indices = #map}, {transform_indices = #map1}, {transform_indices = #map1}, {transform_indices = #map1}, {transform_indices = #map2}]} {
    %mul3A = arith.constant 16 : i32
    %mul3A_0 = arith.muli %arg0, %mul3A : i32
    %add3A = arith.addi %mul3A_0, %arg1 : i32
    %broadcast_in_dim3A = arith.constant 0.000000e+00 : f32
    %broadcast_in_dim3A_1 = vector.broadcast %broadcast_in_dim3A : f32 to vector<16xf32>
    %broadcast_in_dim3A_2 = arith.constant 0.000000e+00 : bf16
    %broadcast_in_dim3A_3 = vector.broadcast %broadcast_in_dim3A_2 : bf16 to vector<32xbf16>
    %scan3A = arith.constant 0 : i32
    %scan3A_4 = arith.constant 128 : i32
    %scan3A_5 = arith.addi %scan3A, %scan3A_4 : i32
    %scan3A_6 = arith.constant 1 : i32
    scf.for %scan3A_344 = %scan3A to %scan3A_5 step %scan3A_6  : i32 {
      %mul3A_345 = arith.constant 1 : i32
      %mul3A_346 = arith.muli %scan3A_344, %mul3A_345 : i32
      %add3A_347 = arith.constant 0 : i32
      %add3A_348 = arith.addi %add3A_347, %mul3A_346 : i32
      %swap3A_349 = arith.index_cast %add3A_348 : i32 to index
      %swap3A_350 = arith.constant 0 : index
      %swap3A_351 = tpu.vector_load %arg10[%swap3A_349, %swap3A_350] {strides = array<i32>} : memref<128x128xbf16, #tpu.memory_space<vmem>>, vector<32xbf16>,
      tpu.vector_store %arg10[%swap3A_349, %swap3A_350], %broadcast_in_dim3A_3 {strides = array<i32>} : memref<128x128xbf16, #tpu.memory_space<vmem>>, vector<32xbf16>,
      %swap3A_352 = arith.index_cast %add3A_348 : i32 to index
      %swap3A_353 = arith.constant 32 : index
      %swap3A_354 = tpu.vector_load %arg10[%swap3A_352, %swap3A_353] {strides = array<i32>} : memref<128x128xbf16, #tpu.memory_space<vmem>>, vector<32xbf16>,
      tpu.vector_store %arg10[%swap3A_352, %swap3A_353], %broadcast_in_dim3A_3 {strides = array<i32>} : memref<128x128xbf16, #tpu.memory_space<vmem>>, vector<32xbf16>,
      %swap3A_355 = arith.index_cast %add3A_348 : i32 to index
      %swap3A_356 = arith.constant 64 : index
      %swap3A_357 = tpu.vector_load %arg10[%swap3A_355, %swap3A_356] {strides = array<i32>} : memref<128x128xbf16, #tpu.memory_space<vmem>>, vector<32xbf16>,
      tpu.vector_store %arg10[%swap3A_355, %swap3A_356], %broadcast_in_dim3A_3 {strides = array<i32>} : memref<128x128xbf16, #tpu.memory_space<vmem>>, vector<32xbf16>,
      %swap3A_358 = arith.index_cast %add3A_348 : i32 to index
      %swap3A_359 = arith.constant 96 : index
      %swap3A_360 = tpu.vector_load %arg10[%swap3A_358, %swap3A_359] {strides = array<i32>} : memref<128x128xbf16, #tpu.memory_space<vmem>>, vector<32xbf16>,
      tpu.vector_store %arg10[%swap3A_358, %swap3A_359], %broadcast_in_dim3A_3 {strides = array<i32>} : memref<128x128xbf16, #tpu.memory_space<vmem>>, vector<32xbf16>,
    }
    %scan3A_7 = arith.constant 128 : i32
    %scan3A_8 = arith.constant 0 : i32
    %scan3A_9 = arith.constant 5 : i32
    %scan3A_10 = arith.addi %scan3A_8, %scan3A_9 : i32
    %scan3A_11 = arith.constant 1 : i32
    scf.for %scan3A_344 = %scan3A_8 to %scan3A_10 step %scan3A_11  : i32 {
      %mul3A_345 = arith.constant 1 : i32
      %mul3A_346 = arith.muli %scan3A_344, %mul3A_345 : i32
      %add3A_347 = arith.constant 0 : i32
      %add3A_348 = arith.addi %add3A_347, %mul3A_346 : i32
      %mul3A_349 = arith.constant 640 : i32
      %mul3A_350 = arith.muli %arg1, %mul3A_349 : i32
      %mul3A_351 = arith.constant 128 : i32
      %mul3A_352 = arith.muli %add3A_348, %mul3A_351 : i32
      %add3A_353 = arith.addi %mul3A_350, %mul3A_352 : i32
      "tpu.region"() ({
        %run_scoped3A = tpu.sem_alloc : memref<!tpu.dma_semaphore, #tpu.memory_space<semaphore_mem>>
        %dma_start3A_354 = arith.constant 0 : i32
        %dma_start3A_355 = tpu.memref_slice %arg7[%add3A_353, %dma_start3A_354] : memref<10240x128xbf16, #tpu.memory_space<vmem_shared>> -> memref<128x128xbf16, #tpu.memory_space<vmem_shared>>
        %dma_start3A_356 = arith.constant 0 : i32
        %dma_start3A_357 = tpu.memref_slice %arg7[%add3A_353, %dma_start3A_356] : memref<10240x128xbf16, #tpu.memory_space<vmem_shared>> -> memref<128x128xbf16, #tpu.memory_space<vmem_shared>>
        tpu.enqueue_dma source(%arg10 : memref<128x128xbf16, #tpu.memory_space<vmem>>) target(%dma_start3A_357 : memref<128x128xbf16, #tpu.memory_space<vmem_shared>>) target_semaphore(%run_scoped3A : memref<!tpu.dma_semaphore, #tpu.memory_space<semaphore_mem>>)
        %dma_wait3A_358 = arith.constant 0 : i32
        %dma_wait3A_359 = tpu.memref_slice %arg7[%add3A_353, %dma_wait3A_358] : memref<10240x128xbf16, #tpu.memory_space<vmem_shared>> -> memref<128x128xbf16, #tpu.memory_space<vmem_shared>>
        %dma_wait3A_360 = arith.constant 0 : i32
        %dma_wait3A_361 = tpu.memref_slice %arg7[%add3A_353, %dma_wait3A_360] : memref<10240x128xbf16, #tpu.memory_space<vmem_shared>> -> memref<128x128xbf16, #tpu.memory_space<vmem_shared>>
        tpu.wait_dma2 semaphore(%run_scoped3A : memref<!tpu.dma_semaphore, #tpu.memory_space<semaphore_mem>>) src(%arg10 : memref<128x128xbf16, #tpu.memory_space<vmem>>) dst(%dma_wait3A_361 : memref<128x128xbf16, #tpu.memory_space<vmem_shared>>)
        tpu.yield
      }) : () -> ()
    }
    %scan3A_12 = arith.constant 5 : i32
    "tpu.region"() ({
      %run_scoped3A = tpu.sem_alloc : memref<!tpu.dma_semaphore, #tpu.memory_space<semaphore_mem>>
      %dma_start3A_344 = arith.constant 0 : i32
      %dma_start3A_345 = arith.constant 0 : i32
      %dma_start3A_346 = tpu.memref_slice %arg3[%add3A, %dma_start3A_344, %dma_start3A_345] : memref<32x80x128xi32, #tpu.memory_space<hbm>> -> memref<1x80x128xi32, #tpu.memory_space<hbm>>
      %dma_start3A_347 = tpu.memref_squeeze %dma_start3A_346 : memref<1x80x128xi32, #tpu.memory_space<hbm>> -> memref<80x128xi32, #tpu.memory_space<hbm>>
      %dma_start3A_348 = arith.constant 0 : i32
      %dma_start3A_349 = arith.constant 0 : i32
      %dma_start3A_350 = tpu.memref_slice %arg3[%add3A, %dma_start3A_348, %dma_start3A_349] : memref<32x80x128xi32, #tpu.memory_space<hbm>> -> memref<1x80x128xi32, #tpu.memory_space<hbm>>
      %dma_start3A_351 = tpu.memref_squeeze %dma_start3A_350 : memref<1x80x128xi32, #tpu.memory_space<hbm>> -> memref<80x128xi32, #tpu.memory_space<hbm>>
      tpu.enqueue_dma source(%dma_start3A_351 : memref<80x128xi32, #tpu.memory_space<hbm>>) target(%arg8 : memref<80x128xi32, #tpu.memory_space<vmem>>) target_semaphore(%run_scoped3A : memref<!tpu.dma_semaphore, #tpu.memory_space<semaphore_mem>>)
      %dma_wait3A_352 = arith.constant 0 : i32
      %dma_wait3A_353 = arith.constant 0 : i32
      %dma_wait3A_354 = tpu.memref_slice %arg3[%add3A, %dma_wait3A_352, %dma_wait3A_353] : memref<32x80x128xi32, #tpu.memory_space<hbm>> -> memref<1x80x128xi32, #tpu.memory_space<hbm>>
      %dma_wait3A_355 = tpu.memref_squeeze %dma_wait3A_354 : memref<1x80x128xi32, #tpu.memory_space<hbm>> -> memref<80x128xi32, #tpu.memory_space<hbm>>
      %dma_wait3A_356 = arith.constant 0 : i32
      %dma_wait3A_357 = arith.constant 0 : i32
      %dma_wait3A_358 = tpu.memref_slice %arg3[%add3A, %dma_wait3A_356, %dma_wait3A_357] : memref<32x80x128xi32, #tpu.memory_space<hbm>> -> memref<1x80x128xi32, #tpu.memory_space<hbm>>
      %dma_wait3A_359 = tpu.memref_squeeze %dma_wait3A_358 : memref<1x80x128xi32, #tpu.memory_space<hbm>> -> memref<80x128xi32, #tpu.memory_space<hbm>>
      tpu.wait_dma2 semaphore(%run_scoped3A : memref<!tpu.dma_semaphore, #tpu.memory_space<semaphore_mem>>) src(%dma_wait3A_359 : memref<80x128xi32, #tpu.memory_space<hbm>>) dst(%arg8 : memref<80x128xi32, #tpu.memory_space<vmem>>)
      tpu.yield
    }) : () -> ()
    "tpu.region"() ({
      %run_scoped3A = tpu.sem_alloc : memref<!tpu.dma_semaphore, #tpu.memory_space<semaphore_mem>>
      %dma_start3A_344 = arith.constant 0 : i32
      %dma_start3A_345 = arith.constant 0 : i32
      %dma_start3A_346 = tpu.memref_slice %arg4[%add3A, %dma_start3A_344, %dma_start3A_345] : memref<32x80x128xi32, #tpu.memory_space<hbm>> -> memref<1x80x128xi32, #tpu.memory_space<hbm>>
      %dma_start3A_347 = tpu.memref_squeeze %dma_start3A_346 : memref<1x80x128xi32, #tpu.memory_space<hbm>> -> memref<80x128xi32, #tpu.memory_space<hbm>>
      %dma_start3A_348 = arith.constant 0 : i32
      %dma_start3A_349 = arith.constant 0 : i32
      %dma_start3A_350 = tpu.memref_slice %arg4[%add3A, %dma_start3A_348, %dma_start3A_349] : memref<32x80x128xi32, #tpu.memory_space<hbm>> -> memref<1x80x128xi32, #tpu.memory_space<hbm>>
      %dma_start3A_351 = tpu.memref_squeeze %dma_start3A_350 : memref<1x80x128xi32, #tpu.memory_space<hbm>> -> memref<80x128xi32, #tpu.memory_space<hbm>>
      tpu.enqueue_dma source(%dma_start3A_351 : memref<80x128xi32, #tpu.memory_space<hbm>>) target(%arg9 : memref<80x128xi32, #tpu.memory_space<vmem>>) target_semaphore(%run_scoped3A : memref<!tpu.dma_semaphore, #tpu.memory_space<semaphore_mem>>)
      %dma_wait3A_352 = arith.constant 0 : i32
      %dma_wait3A_353 = arith.constant 0 : i32
      %dma_wait3A_354 = tpu.memref_slice %arg4[%add3A, %dma_wait3A_352, %dma_wait3A_353] : memref<32x80x128xi32, #tpu.memory_space<hbm>> -> memref<1x80x128xi32, #tpu.memory_space<hbm>>
      %dma_wait3A_355 = tpu.memref_squeeze %dma_wait3A_354 : memref<1x80x128xi32, #tpu.memory_space<hbm>> -> memref<80x128xi32, #tpu.memory_space<hbm>>
      %dma_wait3A_356 = arith.constant 0 : i32
      %dma_wait3A_357 = arith.constant 0 : i32
      %dma_wait3A_358 = tpu.memref_slice %arg4[%add3A, %dma_wait3A_356, %dma_wait3A_357] : memref<32x80x128xi32, #tpu.memory_space<hbm>> -> memref<1x80x128xi32, #tpu.memory_space<hbm>>
      %dma_wait3A_359 = tpu.memref_squeeze %dma_wait3A_358 : memref<1x80x128xi32, #tpu.memory_space<hbm>> -> memref<80x128xi32, #tpu.memory_space<hbm>>
      tpu.wait_dma2 semaphore(%run_scoped3A : memref<!tpu.dma_semaphore, #tpu.memory_space<semaphore_mem>>) src(%dma_wait3A_359 : memref<80x128xi32, #tpu.memory_space<hbm>>) dst(%arg9 : memref<80x128xi32, #tpu.memory_space<vmem>>)
      tpu.yield
    }) : () -> ()
    %scan3A_13 = arith.constant 0 : i32
    %scan3A_14 = arith.constant 40 : i32
    %scan3A_15 = arith.addi %scan3A_13, %scan3A_14 : i32
    %scan3A_16 = arith.constant 1 : i32
    scf.for %scan3A_344 = %scan3A_13 to %scan3A_15 step %scan3A_16  : i32 {
      %mul3A_345 = arith.constant 1 : i32
      %mul3A_346 = arith.muli %scan3A_344, %mul3A_345 : i32
      %add3A_347 = arith.constant 0 : i32
      %add3A_348 = arith.addi %add3A_347, %mul3A_346 : i32
      %mul3A_349 = arith.constant 16 : i32
      %mul3A_350 = arith.muli %mul3A_349, %add3A_348 : i32
      %swap3A_351 = arith.index_cast %mul3A_350 : i32 to index
      %swap3A_352 = tpu.vector_load %arg24[%swap3A_351] {strides = array<i32>} : memref<640xf32, #tpu.memory_space<vmem>>, vector<16xf32>,
      tpu.vector_store %arg24[%swap3A_351], %broadcast_in_dim3A_1 {strides = array<i32>} : memref<640xf32, #tpu.memory_space<vmem>>, vector<16xf32>,
    }
    %scan3A_17 = arith.constant 40 : i32
    %mul3A_18 = arith.constant 640 : i32
    %mul3A_19 = arith.muli %arg1, %mul3A_18 : i32
    "tpu.region"() ({
      %run_scoped3A = tpu.sem_alloc : memref<!tpu.dma_semaphore, #tpu.memory_space<semaphore_mem>>
      %dma_start3A_344 = tpu.memref_slice %arg22[%mul3A_19] : memref<10240xf32, #tpu.memory_space<vmem_shared>> -> memref<640xf32, #tpu.memory_space<vmem_shared>>
      %dma_start3A_345 = tpu.memref_slice %arg22[%mul3A_19] : memref<10240xf32, #tpu.memory_space<vmem_shared>> -> memref<640xf32, #tpu.memory_space<vmem_shared>>
      tpu.enqueue_dma source(%arg24 : memref<640xf32, #tpu.memory_space<vmem>>) target(%dma_start3A_345 : memref<640xf32, #tpu.memory_space<vmem_shared>>) target_semaphore(%run_scoped3A : memref<!tpu.dma_semaphore, #tpu.memory_space<semaphore_mem>>)
      %dma_wait3A_346 = tpu.memref_slice %arg22[%mul3A_19] : memref<10240xf32, #tpu.memory_space<vmem_shared>> -> memref<640xf32, #tpu.memory_space<vmem_shared>>
      %dma_wait3A_347 = tpu.memref_slice %arg22[%mul3A_19] : memref<10240xf32, #tpu.memory_space<vmem_shared>> -> memref<640xf32, #tpu.memory_space<vmem_shared>>
      tpu.wait_dma2 semaphore(%run_scoped3A : memref<!tpu.dma_semaphore, #tpu.memory_space<semaphore_mem>>) src(%arg24 : memref<640xf32, #tpu.memory_space<vmem>>) dst(%dma_wait3A_347 : memref<640xf32, #tpu.memory_space<vmem_shared>>)
      tpu.yield
    }) : () -> ()
    %broadcast_in_dim3A_20 = arith.constant 1.000000e+00 : f32
    %broadcast_in_dim3A_21 = vector.broadcast %broadcast_in_dim3A_20 : f32 to vector<16xf32>
    %swap3A = arith.constant 0 : index
    %swap3A_22 = tpu.vector_load %arg23[%swap3A] {strides = array<i32>} : memref<128xf32, #tpu.memory_space<vmem>>, vector<16xf32>,
    tpu.vector_store %arg23[%swap3A], %broadcast_in_dim3A_21 {strides = array<i32>} : memref<128xf32, #tpu.memory_space<vmem>>, vector<16xf32>,
    %swap3A_23 = arith.constant 16 : index
    %swap3A_24 = tpu.vector_load %arg23[%swap3A_23] {strides = array<i32>} : memref<128xf32, #tpu.memory_space<vmem>>, vector<16xf32>,
    tpu.vector_store %arg23[%swap3A_23], %broadcast_in_dim3A_21 {strides = array<i32>} : memref<128xf32, #tpu.memory_space<vmem>>, vector<16xf32>,
    %swap3A_25 = arith.constant 32 : index
    %swap3A_26 = tpu.vector_load %arg23[%swap3A_25] {strides = array<i32>} : memref<128xf32, #tpu.memory_space<vmem>>, vector<16xf32>,
    tpu.vector_store %arg23[%swap3A_25], %broadcast_in_dim3A_21 {strides = array<i32>} : memref<128xf32, #tpu.memory_space<vmem>>, vector<16xf32>,
    %swap3A_27 = arith.constant 48 : index
    %swap3A_28 = tpu.vector_load %arg23[%swap3A_27] {strides = array<i32>} : memref<128xf32, #tpu.memory_space<vmem>>, vector<16xf32>,
    tpu.vector_store %arg23[%swap3A_27], %broadcast_in_dim3A_21 {strides = array<i32>} : memref<128xf32, #tpu.memory_space<vmem>>, vector<16xf32>,
    %swap3A_29 = arith.constant 64 : index
    %swap3A_30 = tpu.vector_load %arg23[%swap3A_29] {strides = array<i32>} : memref<128xf32, #tpu.memory_space<vmem>>, vector<16xf32>,
    tpu.vector_store %arg23[%swap3A_29], %broadcast_in_dim3A_21 {strides = array<i32>} : memref<128xf32, #tpu.memory_space<vmem>>, vector<16xf32>,
    %swap3A_31 = arith.constant 80 : index
    %swap3A_32 = tpu.vector_load %arg23[%swap3A_31] {strides = array<i32>} : memref<128xf32, #tpu.memory_space<vmem>>, vector<16xf32>,
    tpu.vector_store %arg23[%swap3A_31], %broadcast_in_dim3A_21 {strides = array<i32>} : memref<128xf32, #tpu.memory_space<vmem>>, vector<16xf32>,
    %swap3A_33 = arith.constant 96 : index
    %swap3A_34 = tpu.vector_load %arg23[%swap3A_33] {strides = array<i32>} : memref<128xf32, #tpu.memory_space<vmem>>, vector<16xf32>,
    tpu.vector_store %arg23[%swap3A_33], %broadcast_in_dim3A_21 {strides = array<i32>} : memref<128xf32, #tpu.memory_space<vmem>>, vector<16xf32>,
    %swap3A_35 = arith.constant 112 : index
    %swap3A_36 = tpu.vector_load %arg23[%swap3A_35] {strides = array<i32>} : memref<128xf32, #tpu.memory_space<vmem>>, vector<16xf32>,
    tpu.vector_store %arg23[%swap3A_35], %broadcast_in_dim3A_21 {strides = array<i32>} : memref<128xf32, #tpu.memory_space<vmem>>, vector<16xf32>,
    %barrier3A = arith.constant 0 : index
    tpu.barrier barrier_id(%barrier3A)
    %dma_start3A = arith.constant 0 : i32
    %dma_start3A_37 = arith.constant 0 : i32
    %dma_start3A_38 = tpu.memref_slice %arg8[%dma_start3A, %dma_start3A_37] : memref<80x128xi32, #tpu.memory_space<vmem>> -> memref<1x128xi32, #tpu.memory_space<vmem>>
    %dma_start3A_39 = tpu.memref_squeeze %dma_start3A_38 : memref<1x128xi32, #tpu.memory_space<vmem>> -> memref<128xi32, #tpu.memory_space<vmem>>
    %dma_start3A_40 = arith.constant 0 : i32
    %dma_start3A_41 = arith.constant 0 : i32
    %dma_start3A_42 = tpu.memref_slice %arg2[%dma_start3A_40, %dma_start3A_41] : memref<10000x128xbf16, #tpu.memory_space<hbm>> -> memref<10000x128xbf16, #tpu.memory_space<hbm>>
    tpu.enqueue_indirect_dma source(%dma_start3A_42 : memref<10000x128xbf16, #tpu.memory_space<hbm>>) target(%arg10 : memref<128x128xbf16, #tpu.memory_space<vmem>>) offsets(%dma_start3A_39 : memref<128xi32, #tpu.memory_space<vmem>>) semaphore(%arg18 : memref<!tpu.dma_semaphore, #tpu.memory_space<semaphore_mem>>)
    %dma_start3A_43 = arith.constant 1 : i32
    %dma_start3A_44 = arith.constant 0 : i32
    %dma_start3A_45 = tpu.memref_slice %arg8[%dma_start3A_43, %dma_start3A_44] : memref<80x128xi32, #tpu.memory_space<vmem>> -> memref<1x128xi32, #tpu.memory_space<vmem>>
    %dma_start3A_46 = tpu.memref_squeeze %dma_start3A_45 : memref<1x128xi32, #tpu.memory_space<vmem>> -> memref<128xi32, #tpu.memory_space<vmem>>
    %dma_start3A_47 = arith.constant 0 : i32
    %dma_start3A_48 = arith.constant 0 : i32
    %dma_start3A_49 = tpu.memref_slice %arg2[%dma_start3A_47, %dma_start3A_48] : memref<10000x128xbf16, #tpu.memory_space<hbm>> -> memref<10000x128xbf16, #tpu.memory_space<hbm>>
    tpu.enqueue_indirect_dma source(%dma_start3A_49 : memref<10000x128xbf16, #tpu.memory_space<hbm>>) target(%arg11 : memref<128x128xbf16, #tpu.memory_space<vmem>>) offsets(%dma_start3A_46 : memref<128xi32, #tpu.memory_space<vmem>>) semaphore(%arg19 : memref<!tpu.dma_semaphore, #tpu.memory_space<semaphore_mem>>)
    %scan3A_50 = arith.constant 0 : i32
    %scan3A_51 = arith.constant 40 : i32
    %scan3A_52 = arith.addi %scan3A_50, %scan3A_51 : i32
    %scan3A_53 = arith.constant 1 : i32
    scf.for %scan3A_344 = %scan3A_50 to %scan3A_52 step %scan3A_53  : i32 {
      %mul3A_345 = arith.constant 2 : i32
      %mul3A_346 = arith.muli %scan3A_344, %mul3A_345 : i32
      %add3A_347 = arith.constant 0 : i32
      %add3A_348 = arith.addi %add3A_347, %mul3A_346 : i32
      %dma_wait3A_349 = arith.constant 0 : i32
      %dma_wait3A_350 = tpu.memref_slice %arg8[%add3A_348, %dma_wait3A_349] : memref<80x128xi32, #tpu.memory_space<vmem>> -> memref<1x128xi32, #tpu.memory_space<vmem>>
      %dma_wait3A_351 = tpu.memref_squeeze %dma_wait3A_350 : memref<1x128xi32, #tpu.memory_space<vmem>> -> memref<128xi32, #tpu.memory_space<vmem>>
      %dma_wait3A_352 = arith.constant 0 : i32
      %dma_wait3A_353 = arith.constant 0 : i32
      %dma_wait3A_354 = tpu.memref_slice %arg2[%dma_wait3A_352, %dma_wait3A_353] : memref<10000x128xbf16, #tpu.memory_space<hbm>> -> memref<10000x128xbf16, #tpu.memory_space<hbm>>
      tpu.wait_indirect_dma semaphore(%arg18 : memref<!tpu.dma_semaphore, #tpu.memory_space<semaphore_mem>>) src(%dma_wait3A_354 : memref<10000x128xbf16, #tpu.memory_space<hbm>>) dst(%arg10 : memref<128x128xbf16, #tpu.memory_space<vmem>>)
      "tpu.region"() ({
        %run_scoped3A = tpu.sem_alloc : memref<!tpu.dma_semaphore, #tpu.memory_space<semaphore_mem>>
        %dma_start3A_404 = arith.constant 0 : i32
        %dma_start3A_405 = tpu.memref_slice %arg9[%add3A_348, %dma_start3A_404] : memref<80x128xi32, #tpu.memory_space<vmem>> -> memref<1x128xi32, #tpu.memory_space<vmem>>
        %dma_start3A_406 = tpu.memref_squeeze %dma_start3A_405 : memref<1x128xi32, #tpu.memory_space<vmem>> -> memref<128xi32, #tpu.memory_space<vmem>>
        %dma_start3A_407 = arith.constant 0 : i32
        %dma_start3A_408 = arith.constant 0 : i32
        %dma_start3A_409 = tpu.memref_slice %arg7[%dma_start3A_407, %dma_start3A_408] : memref<10240x128xbf16, #tpu.memory_space<vmem_shared>> -> memref<10240x128xbf16, #tpu.memory_space<vmem_shared>>
        tpu.enqueue_indirect_dma source(%arg10 : memref<128x128xbf16, #tpu.memory_space<vmem>>) target(%dma_start3A_409 : memref<10240x128xbf16, #tpu.memory_space<vmem_shared>>) offsets(%dma_start3A_406 : memref<128xi32, #tpu.memory_space<vmem>>) semaphore(%run_scoped3A : memref<!tpu.dma_semaphore, #tpu.memory_space<semaphore_mem>>) {add = true}
        %dma_wait3A_410 = arith.constant 0 : i32
        %dma_wait3A_411 = tpu.memref_slice %arg9[%add3A_348, %dma_wait3A_410] : memref<80x128xi32, #tpu.memory_space<vmem>> -> memref<1x128xi32, #tpu.memory_space<vmem>>
        %dma_wait3A_412 = tpu.memref_squeeze %dma_wait3A_411 : memref<1x128xi32, #tpu.memory_space<vmem>> -> memref<128xi32, #tpu.memory_space<vmem>>
        %dma_wait3A_413 = arith.constant 0 : i32
        %dma_wait3A_414 = arith.constant 0 : i32
        %dma_wait3A_415 = tpu.memref_slice %arg7[%dma_wait3A_413, %dma_wait3A_414] : memref<10240x128xbf16, #tpu.memory_space<vmem_shared>> -> memref<10240x128xbf16, #tpu.memory_space<vmem_shared>>
        tpu.wait_indirect_dma semaphore(%run_scoped3A : memref<!tpu.dma_semaphore, #tpu.memory_space<semaphore_mem>>) src(%arg10 : memref<128x128xbf16, #tpu.memory_space<vmem>>) dst(%dma_wait3A_415 : memref<10240x128xbf16, #tpu.memory_space<vmem_shared>>)
        tpu.yield
      }) : () -> ()
      "tpu.region"() ({
        %run_scoped3A = tpu.sem_alloc : memref<!tpu.dma_semaphore, #tpu.memory_space<semaphore_mem>>
        %dma_start3A_404 = arith.constant 0 : i32
        %dma_start3A_405 = tpu.memref_slice %arg9[%add3A_348, %dma_start3A_404] : memref<80x128xi32, #tpu.memory_space<vmem>> -> memref<1x128xi32, #tpu.memory_space<vmem>>
        %dma_start3A_406 = tpu.memref_squeeze %dma_start3A_405 : memref<1x128xi32, #tpu.memory_space<vmem>> -> memref<128xi32, #tpu.memory_space<vmem>>
        %dma_start3A_407 = arith.constant 0 : i32
        %dma_start3A_408 = tpu.memref_slice %arg22[%dma_start3A_407] : memref<10240xf32, #tpu.memory_space<vmem_shared>> -> memref<10240xf32, #tpu.memory_space<vmem_shared>>
        tpu.enqueue_indirect_dma source(%arg23 : memref<128xf32, #tpu.memory_space<vmem>>) target(%dma_start3A_408 : memref<10240xf32, #tpu.memory_space<vmem_shared>>) offsets(%dma_start3A_406 : memref<128xi32, #tpu.memory_space<vmem>>) semaphore(%run_scoped3A : memref<!tpu.dma_semaphore, #tpu.memory_space<semaphore_mem>>) {add = true}
        %dma_wait3A_409 = arith.constant 0 : i32
        %dma_wait3A_410 = tpu.memref_slice %arg9[%add3A_348, %dma_wait3A_409] : memref<80x128xi32, #tpu.memory_space<vmem>> -> memref<1x128xi32, #tpu.memory_space<vmem>>
        %dma_wait3A_411 = tpu.memref_squeeze %dma_wait3A_410 : memref<1x128xi32, #tpu.memory_space<vmem>> -> memref<128xi32, #tpu.memory_space<vmem>>
        %dma_wait3A_412 = arith.constant 0 : i32
        %dma_wait3A_413 = tpu.memref_slice %arg22[%dma_wait3A_412] : memref<10240xf32, #tpu.memory_space<vmem_shared>> -> memref<10240xf32, #tpu.memory_space<vmem_shared>>
        tpu.wait_indirect_dma semaphore(%run_scoped3A : memref<!tpu.dma_semaphore, #tpu.memory_space<semaphore_mem>>) src(%arg23 : memref<128xf32, #tpu.memory_space<vmem>>) dst(%dma_wait3A_413 : memref<10240xf32, #tpu.memory_space<vmem_shared>>)
        tpu.yield
      }) : () -> ()
      %add3A_355 = arith.constant 2 : i32
      %add3A_356 = arith.addi %add3A_348, %add3A_355 : i32
      %jit3A = arith.constant 80 : i32
      %eq3A = arith.constant 0 : i32
      %eq3A_357 = arith.cmpi eq, %jit3A, %eq3A : i32
      %jit3A_358 = arith.constant 1 : i32
      %select_n3A = arith.select %eq3A_357, %jit3A_358, %jit3A : i32
      %rem3A = arith.remsi %add3A_356, %select_n3A : i32
      %ne3A = arith.constant 0 : i32
      %ne3A_359 = arith.cmpi ne, %rem3A, %ne3A : i32
      %lt3A = arith.constant 0 : i32
      %lt3A_360 = arith.cmpi slt, %rem3A, %lt3A : i32
      %lt3A_361 = arith.constant 0 : i32
      %lt3A_362 = arith.cmpi slt, %select_n3A, %lt3A_361 : i32
      %ne3A_363 = arith.xori %lt3A_360, %lt3A_362 : i1
      %and3A = arith.andi %ne3A_363, %ne3A_359 : i1
      %add3A_364 = arith.addi %rem3A, %select_n3A : i32
      %select_n3A_365 = arith.select %and3A, %add3A_364, %rem3A : i32
      %dma_start3A_366 = arith.constant 0 : i32
      %dma_start3A_367 = tpu.memref_slice %arg8[%select_n3A_365, %dma_start3A_366] : memref<80x128xi32, #tpu.memory_space<vmem>> -> memref<1x128xi32, #tpu.memory_space<vmem>>
      %dma_start3A_368 = tpu.memref_squeeze %dma_start3A_367 : memref<1x128xi32, #tpu.memory_space<vmem>> -> memref<128xi32, #tpu.memory_space<vmem>>
      %dma_start3A_369 = arith.constant 0 : i32
      %dma_start3A_370 = arith.constant 0 : i32
      %dma_start3A_371 = tpu.memref_slice %arg2[%dma_start3A_369, %dma_start3A_370] : memref<10000x128xbf16, #tpu.memory_space<hbm>> -> memref<10000x128xbf16, #tpu.memory_space<hbm>>
      tpu.enqueue_indirect_dma source(%dma_start3A_371 : memref<10000x128xbf16, #tpu.memory_space<hbm>>) target(%arg10 : memref<128x128xbf16, #tpu.memory_space<vmem>>) offsets(%dma_start3A_368 : memref<128xi32, #tpu.memory_space<vmem>>) semaphore(%arg18 : memref<!tpu.dma_semaphore, #tpu.memory_space<semaphore_mem>>)
      %add3A_372 = arith.constant 1 : i32
      %add3A_373 = arith.addi %add3A_348, %add3A_372 : i32
      %dma_wait3A_374 = arith.constant 0 : i32
      %dma_wait3A_375 = tpu.memref_slice %arg8[%add3A_373, %dma_wait3A_374] : memref<80x128xi32, #tpu.memory_space<vmem>> -> memref<1x128xi32, #tpu.memory_space<vmem>>
      %dma_wait3A_376 = tpu.memref_squeeze %dma_wait3A_375 : memref<1x128xi32, #tpu.memory_space<vmem>> -> memref<128xi32, #tpu.memory_space<vmem>>
      %dma_wait3A_377 = arith.constant 0 : i32
      %dma_wait3A_378 = arith.constant 0 : i32
      %dma_wait3A_379 = tpu.memref_slice %arg2[%dma_wait3A_377, %dma_wait3A_378] : memref<10000x128xbf16, #tpu.memory_space<hbm>> -> memref<10000x128xbf16, #tpu.memory_space<hbm>>
      tpu.wait_indirect_dma semaphore(%arg19 : memref<!tpu.dma_semaphore, #tpu.memory_space<semaphore_mem>>) src(%dma_wait3A_379 : memref<10000x128xbf16, #tpu.memory_space<hbm>>) dst(%arg11 : memref<128x128xbf16, #tpu.memory_space<vmem>>)
      "tpu.region"() ({
        %run_scoped3A = tpu.sem_alloc : memref<!tpu.dma_semaphore, #tpu.memory_space<semaphore_mem>>
        %dma_start3A_404 = arith.constant 0 : i32
        %dma_start3A_405 = tpu.memref_slice %arg9[%add3A_373, %dma_start3A_404] : memref<80x128xi32, #tpu.memory_space<vmem>> -> memref<1x128xi32, #tpu.memory_space<vmem>>
        %dma_start3A_406 = tpu.memref_squeeze %dma_start3A_405 : memref<1x128xi32, #tpu.memory_space<vmem>> -> memref<128xi32, #tpu.memory_space<vmem>>
        %dma_start3A_407 = arith.constant 0 : i32
        %dma_start3A_408 = arith.constant 0 : i32
        %dma_start3A_409 = tpu.memref_slice %arg7[%dma_start3A_407, %dma_start3A_408] : memref<10240x128xbf16, #tpu.memory_space<vmem_shared>> -> memref<10240x128xbf16, #tpu.memory_space<vmem_shared>>
        tpu.enqueue_indirect_dma source(%arg11 : memref<128x128xbf16, #tpu.memory_space<vmem>>) target(%dma_start3A_409 : memref<10240x128xbf16, #tpu.memory_space<vmem_shared>>) offsets(%dma_start3A_406 : memref<128xi32, #tpu.memory_space<vmem>>) semaphore(%run_scoped3A : memref<!tpu.dma_semaphore, #tpu.memory_space<semaphore_mem>>) {add = true}
        %dma_wait3A_410 = arith.constant 0 : i32
        %dma_wait3A_411 = tpu.memref_slice %arg9[%add3A_373, %dma_wait3A_410] : memref<80x128xi32, #tpu.memory_space<vmem>> -> memref<1x128xi32, #tpu.memory_space<vmem>>
        %dma_wait3A_412 = tpu.memref_squeeze %dma_wait3A_411 : memref<1x128xi32, #tpu.memory_space<vmem>> -> memref<128xi32, #tpu.memory_space<vmem>>
        %dma_wait3A_413 = arith.constant 0 : i32
        %dma_wait3A_414 = arith.constant 0 : i32
        %dma_wait3A_415 = tpu.memref_slice %arg7[%dma_wait3A_413, %dma_wait3A_414] : memref<10240x128xbf16, #tpu.memory_space<vmem_shared>> -> memref<10240x128xbf16, #tpu.memory_space<vmem_shared>>
        tpu.wait_indirect_dma semaphore(%run_scoped3A : memref<!tpu.dma_semaphore, #tpu.memory_space<semaphore_mem>>) src(%arg11 : memref<128x128xbf16, #tpu.memory_space<vmem>>) dst(%dma_wait3A_415 : memref<10240x128xbf16, #tpu.memory_space<vmem_shared>>)
        tpu.yield
      }) : () -> ()
      "tpu.region"() ({
        %run_scoped3A = tpu.sem_alloc : memref<!tpu.dma_semaphore, #tpu.memory_space<semaphore_mem>>
        %dma_start3A_404 = arith.constant 0 : i32
        %dma_start3A_405 = tpu.memref_slice %arg9[%add3A_373, %dma_start3A_404] : memref<80x128xi32, #tpu.memory_space<vmem>> -> memref<1x128xi32, #tpu.memory_space<vmem>>
        %dma_start3A_406 = tpu.memref_squeeze %dma_start3A_405 : memref<1x128xi32, #tpu.memory_space<vmem>> -> memref<128xi32, #tpu.memory_space<vmem>>
        %dma_start3A_407 = arith.constant 0 : i32
        %dma_start3A_408 = tpu.memref_slice %arg22[%dma_start3A_407] : memref<10240xf32, #tpu.memory_space<vmem_shared>> -> memref<10240xf32, #tpu.memory_space<vmem_shared>>
        tpu.enqueue_indirect_dma source(%arg23 : memref<128xf32, #tpu.memory_space<vmem>>) target(%dma_start3A_408 : memref<10240xf32, #tpu.memory_space<vmem_shared>>) offsets(%dma_start3A_406 : memref<128xi32, #tpu.memory_space<vmem>>) semaphore(%run_scoped3A : memref<!tpu.dma_semaphore, #tpu.memory_space<semaphore_mem>>) {add = true}
        %dma_wait3A_409 = arith.constant 0 : i32
        %dma_wait3A_410 = tpu.memref_slice %arg9[%add3A_373, %dma_wait3A_409] : memref<80x128xi32, #tpu.memory_space<vmem>> -> memref<1x128xi32, #tpu.memory_space<vmem>>
        %dma_wait3A_411 = tpu.memref_squeeze %dma_wait3A_410 : memref<1x128xi32, #tpu.memory_space<vmem>> -> memref<128xi32, #tpu.memory_space<vmem>>
        %dma_wait3A_412 = arith.constant 0 : i32
        %dma_wait3A_413 = tpu.memref_slice %arg22[%dma_wait3A_412] : memref<10240xf32, #tpu.memory_space<vmem_shared>> -> memref<10240xf32, #tpu.memory_space<vmem_shared>>
        tpu.wait_indirect_dma semaphore(%run_scoped3A : memref<!tpu.dma_semaphore, #tpu.memory_space<semaphore_mem>>) src(%arg23 : memref<128xf32, #tpu.memory_space<vmem>>) dst(%dma_wait3A_413 : memref<10240xf32, #tpu.memory_space<vmem_shared>>)
        tpu.yield
      }) : () -> ()
      %add3A_380 = arith.constant 2 : i32
      %add3A_381 = arith.addi %add3A_373, %add3A_380 : i32
      %jit3A_382 = arith.constant 80 : i32
      %eq3A_383 = arith.constant 0 : i32
      %eq3A_384 = arith.cmpi eq, %jit3A_382, %eq3A_383 : i32
      %jit3A_385 = arith.constant 1 : i32
      %select_n3A_386 = arith.select %eq3A_384, %jit3A_385, %jit3A_382 : i32
      %rem3A_387 = arith.remsi %add3A_381, %select_n3A_386 : i32
      %ne3A_388 = arith.constant 0 : i32
      %ne3A_389 = arith.cmpi ne, %rem3A_387, %ne3A_388 : i32
      %lt3A_390 = arith.constant 0 : i32
      %lt3A_391 = arith.cmpi slt, %rem3A_387, %lt3A_390 : i32
      %lt3A_392 = arith.constant 0 : i32
      %lt3A_393 = arith.cmpi slt, %select_n3A_386, %lt3A_392 : i32
      %ne3A_394 = arith.xori %lt3A_391, %lt3A_393 : i1
      %and3A_395 = arith.andi %ne3A_394, %ne3A_389 : i1
      %add3A_396 = arith.addi %rem3A_387, %select_n3A_386 : i32
      %select_n3A_397 = arith.select %and3A_395, %add3A_396, %rem3A_387 : i32
      %dma_start3A_398 = arith.constant 0 : i32
      %dma_start3A_399 = tpu.memref_slice %arg8[%select_n3A_397, %dma_start3A_398] : memref<80x128xi32, #tpu.memory_space<vmem>> -> memref<1x128xi32, #tpu.memory_space<vmem>>
      %dma_start3A_400 = tpu.memref_squeeze %dma_start3A_399 : memref<1x128xi32, #tpu.memory_space<vmem>> -> memref<128xi32, #tpu.memory_space<vmem>>
      %dma_start3A_401 = arith.constant 0 : i32
      %dma_start3A_402 = arith.constant 0 : i32
      %dma_start3A_403 = tpu.memref_slice %arg2[%dma_start3A_401, %dma_start3A_402] : memref<10000x128xbf16, #tpu.memory_space<hbm>> -> memref<10000x128xbf16, #tpu.memory_space<hbm>>
      tpu.enqueue_indirect_dma source(%dma_start3A_403 : memref<10000x128xbf16, #tpu.memory_space<hbm>>) target(%arg11 : memref<128x128xbf16, #tpu.memory_space<vmem>>) offsets(%dma_start3A_400 : memref<128xi32, #tpu.memory_space<vmem>>) semaphore(%arg19 : memref<!tpu.dma_semaphore, #tpu.memory_space<semaphore_mem>>)
    }
    %scan3A_54 = arith.constant 40 : i32
    %dma_wait3A = arith.constant 0 : i32
    %dma_wait3A_55 = arith.constant 0 : i32
    %dma_wait3A_56 = tpu.memref_slice %arg8[%dma_wait3A, %dma_wait3A_55] : memref<80x128xi32, #tpu.memory_space<vmem>> -> memref<1x128xi32, #tpu.memory_space<vmem>>
    %dma_wait3A_57 = tpu.memref_squeeze %dma_wait3A_56 : memref<1x128xi32, #tpu.memory_space<vmem>> -> memref<128xi32, #tpu.memory_space<vmem>>
    %dma_wait3A_58 = arith.constant 0 : i32
    %dma_wait3A_59 = arith.constant 0 : i32
    %dma_wait3A_60 = tpu.memref_slice %arg2[%dma_wait3A_58, %dma_wait3A_59] : memref<10000x128xbf16, #tpu.memory_space<hbm>> -> memref<10000x128xbf16, #tpu.memory_space<hbm>>
    tpu.wait_indirect_dma semaphore(%arg18 : memref<!tpu.dma_semaphore, #tpu.memory_space<semaphore_mem>>) src(%dma_wait3A_60 : memref<10000x128xbf16, #tpu.memory_space<hbm>>) dst(%arg10 : memref<128x128xbf16, #tpu.memory_space<vmem>>)
    %dma_wait3A_61 = arith.constant 1 : i32
    %dma_wait3A_62 = arith.constant 0 : i32
    %dma_wait3A_63 = tpu.memref_slice %arg8[%dma_wait3A_61, %dma_wait3A_62] : memref<80x128xi32, #tpu.memory_space<vmem>> -> memref<1x128xi32, #tpu.memory_space<vmem>>
    %dma_wait3A_64 = tpu.memref_squeeze %dma_wait3A_63 : memref<1x128xi32, #tpu.memory_space<vmem>> -> memref<128xi32, #tpu.memory_space<vmem>>
    %dma_wait3A_65 = arith.constant 0 : i32
    %dma_wait3A_66 = arith.constant 0 : i32
    %dma_wait3A_67 = tpu.memref_slice %arg2[%dma_wait3A_65, %dma_wait3A_66] : memref<10000x128xbf16, #tpu.memory_space<hbm>> -> memref<10000x128xbf16, #tpu.memory_space<hbm>>
    tpu.wait_indirect_dma semaphore(%arg19 : memref<!tpu.dma_semaphore, #tpu.memory_space<semaphore_mem>>) src(%dma_wait3A_67 : memref<10000x128xbf16, #tpu.memory_space<hbm>>) dst(%arg11 : memref<128x128xbf16, #tpu.memory_space<vmem>>)
    %barrier3A_68 = arith.constant 0 : index
    tpu.barrier barrier_id(%barrier3A_68)
    %iota3A = tpu.iota {dimensions = array<i32: 0>} : vector<16xi32>
    %mul3A_69 = arith.constant 2 : i32
    %mul3A_70 = vector.broadcast %mul3A_69 : i32 to vector<16xi32>
    %mul3A_71 = arith.muli %mul3A_70, %iota3A : vector<16xi32>
    %mul3A_72 = arith.constant 640 : i32
    %mul3A_73 = arith.muli %arg1, %mul3A_72 : i32
    %add3A_74 = arith.constant 0 : i32
    %add3A_75 = arith.addi %mul3A_73, %add3A_74 : i32
    %dma_start3A_76 = arith.constant 0 : i32
    %dma_start3A_77 = tpu.memref_slice %arg7[%add3A_75, %dma_start3A_76] : memref<10240x128xbf16, #tpu.memory_space<vmem_shared>> -> memref<128x128xbf16, #tpu.memory_space<vmem_shared>>
    %dma_start3A_78 = arith.constant 0 : i32
    %dma_start3A_79 = tpu.memref_slice %arg7[%add3A_75, %dma_start3A_78] : memref<10240x128xbf16, #tpu.memory_space<vmem_shared>> -> memref<128x128xbf16, #tpu.memory_space<vmem_shared>>
    tpu.enqueue_dma source(%dma_start3A_79 : memref<128x128xbf16, #tpu.memory_space<vmem_shared>>) target(%arg10 : memref<128x128xbf16, #tpu.memory_space<vmem>>) target_semaphore(%arg14 : memref<!tpu.dma_semaphore, #tpu.memory_space<semaphore_mem>>)
    %mul3A_80 = arith.constant 640 : i32
    %mul3A_81 = arith.muli %arg1, %mul3A_80 : i32
    %add3A_82 = arith.constant 0 : i32
    %add3A_83 = arith.addi %mul3A_81, %add3A_82 : i32
    %dma_wait3A_84 = arith.constant 0 : i32
    %dma_wait3A_85 = tpu.memref_slice %arg7[%add3A_83, %dma_wait3A_84] : memref<10240x128xbf16, #tpu.memory_space<vmem_shared>> -> memref<128x128xbf16, #tpu.memory_space<vmem_shared>>
    %dma_wait3A_86 = arith.constant 0 : i32
    %dma_wait3A_87 = tpu.memref_slice %arg7[%add3A_83, %dma_wait3A_86] : memref<10240x128xbf16, #tpu.memory_space<vmem_shared>> -> memref<128x128xbf16, #tpu.memory_space<vmem_shared>>
    tpu.wait_dma2 semaphore(%arg14 : memref<!tpu.dma_semaphore, #tpu.memory_space<semaphore_mem>>) src(%dma_wait3A_87 : memref<128x128xbf16, #tpu.memory_space<vmem_shared>>) dst(%arg10 : memref<128x128xbf16, #tpu.memory_space<vmem>>)
    %mul3A_88 = arith.constant 640 : i32
    %mul3A_89 = arith.muli %arg1, %mul3A_88 : i32
    %add3A_90 = arith.constant 128 : i32
    %add3A_91 = arith.addi %mul3A_89, %add3A_90 : i32
    %dma_start3A_92 = arith.constant 0 : i32
    %dma_start3A_93 = tpu.memref_slice %arg7[%add3A_91, %dma_start3A_92] : memref<10240x128xbf16, #tpu.memory_space<vmem_shared>> -> memref<128x128xbf16, #tpu.memory_space<vmem_shared>>
    %dma_start3A_94 = arith.constant 0 : i32
    %dma_start3A_95 = tpu.memref_slice %arg7[%add3A_91, %dma_start3A_94] : memref<10240x128xbf16, #tpu.memory_space<vmem_shared>> -> memref<128x128xbf16, #tpu.memory_space<vmem_shared>>
    tpu.enqueue_dma source(%dma_start3A_95 : memref<128x128xbf16, #tpu.memory_space<vmem_shared>>) target(%arg11 : memref<128x128xbf16, #tpu.memory_space<vmem>>) target_semaphore(%arg15 : memref<!tpu.dma_semaphore, #tpu.memory_space<semaphore_mem>>)
    %scan3A_96 = arith.constant 0 : i32
    %scan3A_97 = arith.constant 128 : i32
    %scan3A_98 = arith.addi %scan3A_96, %scan3A_97 : i32
    %scan3A_99 = arith.constant 1 : i32
    scf.for %scan3A_344 = %scan3A_96 to %scan3A_98 step %scan3A_99  : i32 {
      %mul3A_345 = arith.constant 1 : i32
      %mul3A_346 = arith.muli %scan3A_344, %mul3A_345 : i32
      %add3A_347 = arith.constant 0 : i32
      %add3A_348 = arith.addi %add3A_347, %mul3A_346 : i32
      %get3A = arith.index_cast %add3A_348 : i32 to index
      %get3A_349 = arith.constant 0 : index
      %get3A_350 = tpu.vector_load %arg10[%get3A, %get3A_349] {strides = array<i32>} : memref<128x128xbf16, #tpu.memory_space<vmem>>, vector<32xbf16>,
      %unpack3A = tpu.unpack_subelements %get3A_350, 0 {pack_format = #tpu.pack_format<interleaved>} : vector<32xbf16> -> vector<16xf32>
      %unpack3A_351 = tpu.unpack_subelements %get3A_350, 1 {pack_format = #tpu.pack_format<interleaved>} : vector<32xbf16> -> vector<16xf32>
      %add3A_352 = arith.constant 0 : i32
      %add3A_353 = vector.broadcast %add3A_352 : i32 to vector<16xi32>
      %add3A_354 = arith.addi %add3A_353, %mul3A_71 : vector<16xi32>
      %scatter3A = arith.constant 0 : i32
      %scatter3A_355 = tpu.memref_slice %arg12[%add3A_348, %scatter3A] : memref<128x128xf32, #tpu.memory_space<vmem>> -> memref<1x128xf32, #tpu.memory_space<vmem>>
      %scatter3A_356 = tpu.memref_squeeze %scatter3A_355 : memref<1x128xf32, #tpu.memory_space<vmem>> -> memref<128xf32, #tpu.memory_space<vmem>>
      tpu.vector_store_idx %scatter3A_356[%add3A_354], %unpack3A : memref<128xf32, #tpu.memory_space<vmem>>[vector<16xi32>], vector<16xf32>,
      %add3A_357 = arith.constant 1 : i32
      %add3A_358 = vector.broadcast %add3A_357 : i32 to vector<16xi32>
      %add3A_359 = arith.addi %add3A_358, %mul3A_71 : vector<16xi32>
      %scatter3A_360 = arith.constant 0 : i32
      %scatter3A_361 = tpu.memref_slice %arg12[%add3A_348, %scatter3A_360] : memref<128x128xf32, #tpu.memory_space<vmem>> -> memref<1x128xf32, #tpu.memory_space<vmem>>
      %scatter3A_362 = tpu.memref_squeeze %scatter3A_361 : memref<1x128xf32, #tpu.memory_space<vmem>> -> memref<128xf32, #tpu.memory_space<vmem>>
      tpu.vector_store_idx %scatter3A_362[%add3A_359], %unpack3A_351 : memref<128xf32, #tpu.memory_space<vmem>>[vector<16xi32>], vector<16xf32>,
      %get3A_363 = arith.index_cast %add3A_348 : i32 to index
      %get3A_364 = arith.constant 32 : index
      %get3A_365 = tpu.vector_load %arg10[%get3A_363, %get3A_364] {strides = array<i32>} : memref<128x128xbf16, #tpu.memory_space<vmem>>, vector<32xbf16>,
      %unpack3A_366 = tpu.unpack_subelements %get3A_365, 0 {pack_format = #tpu.pack_format<interleaved>} : vector<32xbf16> -> vector<16xf32>
      %unpack3A_367 = tpu.unpack_subelements %get3A_365, 1 {pack_format = #tpu.pack_format<interleaved>} : vector<32xbf16> -> vector<16xf32>
      %add3A_368 = arith.constant 32 : i32
      %add3A_369 = vector.broadcast %add3A_368 : i32 to vector<16xi32>
      %add3A_370 = arith.addi %add3A_369, %mul3A_71 : vector<16xi32>
      %scatter3A_371 = arith.constant 0 : i32
      %scatter3A_372 = tpu.memref_slice %arg12[%add3A_348, %scatter3A_371] : memref<128x128xf32, #tpu.memory_space<vmem>> -> memref<1x128xf32, #tpu.memory_space<vmem>>
      %scatter3A_373 = tpu.memref_squeeze %scatter3A_372 : memref<1x128xf32, #tpu.memory_space<vmem>> -> memref<128xf32, #tpu.memory_space<vmem>>
      tpu.vector_store_idx %scatter3A_373[%add3A_370], %unpack3A_366 : memref<128xf32, #tpu.memory_space<vmem>>[vector<16xi32>], vector<16xf32>,
      %add3A_374 = arith.constant 33 : i32
      %add3A_375 = vector.broadcast %add3A_374 : i32 to vector<16xi32>
      %add3A_376 = arith.addi %add3A_375, %mul3A_71 : vector<16xi32>
      %scatter3A_377 = arith.constant 0 : i32
      %scatter3A_378 = tpu.memref_slice %arg12[%add3A_348, %scatter3A_377] : memref<128x128xf32, #tpu.memory_space<vmem>> -> memref<1x128xf32, #tpu.memory_space<vmem>>
      %scatter3A_379 = tpu.memref_squeeze %scatter3A_378 : memref<1x128xf32, #tpu.memory_space<vmem>> -> memref<128xf32, #tpu.memory_space<vmem>>
      tpu.vector_store_idx %scatter3A_379[%add3A_376], %unpack3A_367 : memref<128xf32, #tpu.memory_space<vmem>>[vector<16xi32>], vector<16xf32>,
      %get3A_380 = arith.index_cast %add3A_348 : i32 to index
      %get3A_381 = arith.constant 64 : index
      %get3A_382 = tpu.vector_load %arg10[%get3A_380, %get3A_381] {strides = array<i32>} : memref<128x128xbf16, #tpu.memory_space<vmem>>, vector<32xbf16>,
      %unpack3A_383 = tpu.unpack_subelements %get3A_382, 0 {pack_format = #tpu.pack_format<interleaved>} : vector<32xbf16> -> vector<16xf32>
      %unpack3A_384 = tpu.unpack_subelements %get3A_382, 1 {pack_format = #tpu.pack_format<interleaved>} : vector<32xbf16> -> vector<16xf32>
      %add3A_385 = arith.constant 64 : i32
      %add3A_386 = vector.broadcast %add3A_385 : i32 to vector<16xi32>
      %add3A_387 = arith.addi %add3A_386, %mul3A_71 : vector<16xi32>
      %scatter3A_388 = arith.constant 0 : i32
      %scatter3A_389 = tpu.memref_slice %arg12[%add3A_348, %scatter3A_388] : memref<128x128xf32, #tpu.memory_space<vmem>> -> memref<1x128xf32, #tpu.memory_space<vmem>>
      %scatter3A_390 = tpu.memref_squeeze %scatter3A_389 : memref<1x128xf32, #tpu.memory_space<vmem>> -> memref<128xf32, #tpu.memory_space<vmem>>
      tpu.vector_store_idx %scatter3A_390[%add3A_387], %unpack3A_383 : memref<128xf32, #tpu.memory_space<vmem>>[vector<16xi32>], vector<16xf32>,
      %add3A_391 = arith.constant 65 : i32
      %add3A_392 = vector.broadcast %add3A_391 : i32 to vector<16xi32>
      %add3A_393 = arith.addi %add3A_392, %mul3A_71 : vector<16xi32>
      %scatter3A_394 = arith.constant 0 : i32
      %scatter3A_395 = tpu.memref_slice %arg12[%add3A_348, %scatter3A_394] : memref<128x128xf32, #tpu.memory_space<vmem>> -> memref<1x128xf32, #tpu.memory_space<vmem>>
      %scatter3A_396 = tpu.memref_squeeze %scatter3A_395 : memref<1x128xf32, #tpu.memory_space<vmem>> -> memref<128xf32, #tpu.memory_space<vmem>>
      tpu.vector_store_idx %scatter3A_396[%add3A_393], %unpack3A_384 : memref<128xf32, #tpu.memory_space<vmem>>[vector<16xi32>], vector<16xf32>,
      %get3A_397 = arith.index_cast %add3A_348 : i32 to index
      %get3A_398 = arith.constant 96 : index
      %get3A_399 = tpu.vector_load %arg10[%get3A_397, %get3A_398] {strides = array<i32>} : memref<128x128xbf16, #tpu.memory_space<vmem>>, vector<32xbf16>,
      %unpack3A_400 = tpu.unpack_subelements %get3A_399, 0 {pack_format = #tpu.pack_format<interleaved>} : vector<32xbf16> -> vector<16xf32>
      %unpack3A_401 = tpu.unpack_subelements %get3A_399, 1 {pack_format = #tpu.pack_format<interleaved>} : vector<32xbf16> -> vector<16xf32>
      %add3A_402 = arith.constant 96 : i32
      %add3A_403 = vector.broadcast %add3A_402 : i32 to vector<16xi32>
      %add3A_404 = arith.addi %add3A_403, %mul3A_71 : vector<16xi32>
      %scatter3A_405 = arith.constant 0 : i32
      %scatter3A_406 = tpu.memref_slice %arg12[%add3A_348, %scatter3A_405] : memref<128x128xf32, #tpu.memory_space<vmem>> -> memref<1x128xf32, #tpu.memory_space<vmem>>
      %scatter3A_407 = tpu.memref_squeeze %scatter3A_406 : memref<1x128xf32, #tpu.memory_space<vmem>> -> memref<128xf32, #tpu.memory_space<vmem>>
      tpu.vector_store_idx %scatter3A_407[%add3A_404], %unpack3A_400 : memref<128xf32, #tpu.memory_space<vmem>>[vector<16xi32>], vector<16xf32>,
      %add3A_408 = arith.constant 97 : i32
      %add3A_409 = vector.broadcast %add3A_408 : i32 to vector<16xi32>
      %add3A_410 = arith.addi %add3A_409, %mul3A_71 : vector<16xi32>
      %scatter3A_411 = arith.constant 0 : i32
      %scatter3A_412 = tpu.memref_slice %arg12[%add3A_348, %scatter3A_411] : memref<128x128xf32, #tpu.memory_space<vmem>> -> memref<1x128xf32, #tpu.memory_space<vmem>>
      %scatter3A_413 = tpu.memref_squeeze %scatter3A_412 : memref<1x128xf32, #tpu.memory_space<vmem>> -> memref<128xf32, #tpu.memory_space<vmem>>
      tpu.vector_store_idx %scatter3A_413[%add3A_410], %unpack3A_401 : memref<128xf32, #tpu.memory_space<vmem>>[vector<16xi32>], vector<16xf32>,
    }
    %scan3A_100 = arith.constant 128 : i32
    %mul3A_101 = arith.constant 640 : i32
    %mul3A_102 = arith.muli %arg1, %mul3A_101 : i32
    %add3A_103 = arith.constant 0 : i32
    %add3A_104 = arith.addi %mul3A_102, %add3A_103 : i32
    %dma_start3A_105 = arith.constant 0 : i32
    %dma_start3A_106 = arith.constant 0 : i32
    %dma_start3A_107 = tpu.memref_slice %arg5[%arg0, %dma_start3A_105, %dma_start3A_106] : memref<2x10240x128xf32, #tpu.memory_space<hbm>> -> memref<1x10240x128xf32, #tpu.memory_space<hbm>>
    %dma_start3A_108 = tpu.memref_squeeze %dma_start3A_107 : memref<1x10240x128xf32, #tpu.memory_space<hbm>> -> memref<10240x128xf32, #tpu.memory_space<hbm>>
    %dma_start3A_109 = arith.constant 0 : i32
    %dma_start3A_110 = tpu.memref_slice %dma_start3A_108[%add3A_104, %dma_start3A_109] : memref<10240x128xf32, #tpu.memory_space<hbm>> -> memref<128x128xf32, #tpu.memory_space<hbm>>
    %dma_start3A_111 = arith.constant 0 : i32
    %dma_start3A_112 = arith.constant 0 : i32
    %dma_start3A_113 = tpu.memref_slice %arg5[%arg0, %dma_start3A_111, %dma_start3A_112] : memref<2x10240x128xf32, #tpu.memory_space<hbm>> -> memref<1x10240x128xf32, #tpu.memory_space<hbm>>
    %dma_start3A_114 = tpu.memref_squeeze %dma_start3A_113 : memref<1x10240x128xf32, #tpu.memory_space<hbm>> -> memref<10240x128xf32, #tpu.memory_space<hbm>>
    %dma_start3A_115 = arith.constant 0 : i32
    %dma_start3A_116 = tpu.memref_slice %dma_start3A_114[%add3A_104, %dma_start3A_115] : memref<10240x128xf32, #tpu.memory_space<hbm>> -> memref<128x128xf32, #tpu.memory_space<hbm>>
    tpu.enqueue_dma source(%arg12 : memref<128x128xf32, #tpu.memory_space<vmem>>) target(%dma_start3A_116 : memref<128x128xf32, #tpu.memory_space<hbm>>) target_semaphore(%arg16 : memref<!tpu.dma_semaphore, #tpu.memory_space<semaphore_mem>>)
    %mul3A_117 = arith.constant 640 : i32
    %mul3A_118 = arith.muli %arg1, %mul3A_117 : i32
    %add3A_119 = arith.constant 128 : i32
    %add3A_120 = arith.addi %mul3A_118, %add3A_119 : i32
    %dma_wait3A_121 = arith.constant 0 : i32
    %dma_wait3A_122 = tpu.memref_slice %arg7[%add3A_120, %dma_wait3A_121] : memref<10240x128xbf16, #tpu.memory_space<vmem_shared>> -> memref<128x128xbf16, #tpu.memory_space<vmem_shared>>
    %dma_wait3A_123 = arith.constant 0 : i32
    %dma_wait3A_124 = tpu.memref_slice %arg7[%add3A_120, %dma_wait3A_123] : memref<10240x128xbf16, #tpu.memory_space<vmem_shared>> -> memref<128x128xbf16, #tpu.memory_space<vmem_shared>>
    tpu.wait_dma2 semaphore(%arg15 : memref<!tpu.dma_semaphore, #tpu.memory_space<semaphore_mem>>) src(%dma_wait3A_124 : memref<128x128xbf16, #tpu.memory_space<vmem_shared>>) dst(%arg11 : memref<128x128xbf16, #tpu.memory_space<vmem>>)
    %mul3A_125 = arith.constant 640 : i32
    %mul3A_126 = arith.muli %arg1, %mul3A_125 : i32
    %add3A_127 = arith.constant 256 : i32
    %add3A_128 = arith.addi %mul3A_126, %add3A_127 : i32
    %dma_start3A_129 = arith.constant 0 : i32
    %dma_start3A_130 = tpu.memref_slice %arg7[%add3A_128, %dma_start3A_129] : memref<10240x128xbf16, #tpu.memory_space<vmem_shared>> -> memref<128x128xbf16, #tpu.memory_space<vmem_shared>>
    %dma_start3A_131 = arith.constant 0 : i32
    %dma_start3A_132 = tpu.memref_slice %arg7[%add3A_128, %dma_start3A_131] : memref<10240x128xbf16, #tpu.memory_space<vmem_shared>> -> memref<128x128xbf16, #tpu.memory_space<vmem_shared>>
    tpu.enqueue_dma source(%dma_start3A_132 : memref<128x128xbf16, #tpu.memory_space<vmem_shared>>) target(%arg10 : memref<128x128xbf16, #tpu.memory_space<vmem>>) target_semaphore(%arg14 : memref<!tpu.dma_semaphore, #tpu.memory_space<semaphore_mem>>)
    %scan3A_133 = arith.constant 0 : i32
    %scan3A_134 = arith.constant 128 : i32
    %scan3A_135 = arith.addi %scan3A_133, %scan3A_134 : i32
    %scan3A_136 = arith.constant 1 : i32
    scf.for %scan3A_344 = %scan3A_133 to %scan3A_135 step %scan3A_136  : i32 {
      %mul3A_345 = arith.constant 1 : i32
      %mul3A_346 = arith.muli %scan3A_344, %mul3A_345 : i32
      %add3A_347 = arith.constant 0 : i32
      %add3A_348 = arith.addi %add3A_347, %mul3A_346 : i32
      %get3A = arith.index_cast %add3A_348 : i32 to index
      %get3A_349 = arith.constant 0 : index
      %get3A_350 = tpu.vector_load %arg11[%get3A, %get3A_349] {strides = array<i32>} : memref<128x128xbf16, #tpu.memory_space<vmem>>, vector<32xbf16>,
      %unpack3A = tpu.unpack_subelements %get3A_350, 0 {pack_format = #tpu.pack_format<interleaved>} : vector<32xbf16> -> vector<16xf32>
      %unpack3A_351 = tpu.unpack_subelements %get3A_350, 1 {pack_format = #tpu.pack_format<interleaved>} : vector<32xbf16> -> vector<16xf32>
      %add3A_352 = arith.constant 0 : i32
      %add3A_353 = vector.broadcast %add3A_352 : i32 to vector<16xi32>
      %add3A_354 = arith.addi %add3A_353, %mul3A_71 : vector<16xi32>
      %scatter3A = arith.constant 0 : i32
      %scatter3A_355 = tpu.memref_slice %arg13[%add3A_348, %scatter3A] : memref<128x128xf32, #tpu.memory_space<vmem>> -> memref<1x128xf32, #tpu.memory_space<vmem>>
      %scatter3A_356 = tpu.memref_squeeze %scatter3A_355 : memref<1x128xf32, #tpu.memory_space<vmem>> -> memref<128xf32, #tpu.memory_space<vmem>>
      tpu.vector_store_idx %scatter3A_356[%add3A_354], %unpack3A : memref<128xf32, #tpu.memory_space<vmem>>[vector<16xi32>], vector<16xf32>,
      %add3A_357 = arith.constant 1 : i32
      %add3A_358 = vector.broadcast %add3A_357 : i32 to vector<16xi32>
      %add3A_359 = arith.addi %add3A_358, %mul3A_71 : vector<16xi32>
      %scatter3A_360 = arith.constant 0 : i32
      %scatter3A_361 = tpu.memref_slice %arg13[%add3A_348, %scatter3A_360] : memref<128x128xf32, #tpu.memory_space<vmem>> -> memref<1x128xf32, #tpu.memory_space<vmem>>
      %scatter3A_362 = tpu.memref_squeeze %scatter3A_361 : memref<1x128xf32, #tpu.memory_space<vmem>> -> memref<128xf32, #tpu.memory_space<vmem>>
      tpu.vector_store_idx %scatter3A_362[%add3A_359], %unpack3A_351 : memref<128xf32, #tpu.memory_space<vmem>>[vector<16xi32>], vector<16xf32>,
      %get3A_363 = arith.index_cast %add3A_348 : i32 to index
      %get3A_364 = arith.constant 32 : index
      %get3A_365 = tpu.vector_load %arg11[%get3A_363, %get3A_364] {strides = array<i32>} : memref<128x128xbf16, #tpu.memory_space<vmem>>, vector<32xbf16>,
      %unpack3A_366 = tpu.unpack_subelements %get3A_365, 0 {pack_format = #tpu.pack_format<interleaved>} : vector<32xbf16> -> vector<16xf32>
      %unpack3A_367 = tpu.unpack_subelements %get3A_365, 1 {pack_format = #tpu.pack_format<interleaved>} : vector<32xbf16> -> vector<16xf32>
      %add3A_368 = arith.constant 32 : i32
      %add3A_369 = vector.broadcast %add3A_368 : i32 to vector<16xi32>
      %add3A_370 = arith.addi %add3A_369, %mul3A_71 : vector<16xi32>
      %scatter3A_371 = arith.constant 0 : i32
      %scatter3A_372 = tpu.memref_slice %arg13[%add3A_348, %scatter3A_371] : memref<128x128xf32, #tpu.memory_space<vmem>> -> memref<1x128xf32, #tpu.memory_space<vmem>>
      %scatter3A_373 = tpu.memref_squeeze %scatter3A_372 : memref<1x128xf32, #tpu.memory_space<vmem>> -> memref<128xf32, #tpu.memory_space<vmem>>
      tpu.vector_store_idx %scatter3A_373[%add3A_370], %unpack3A_366 : memref<128xf32, #tpu.memory_space<vmem>>[vector<16xi32>], vector<16xf32>,
      %add3A_374 = arith.constant 33 : i32
      %add3A_375 = vector.broadcast %add3A_374 : i32 to vector<16xi32>
      %add3A_376 = arith.addi %add3A_375, %mul3A_71 : vector<16xi32>
      %scatter3A_377 = arith.constant 0 : i32
      %scatter3A_378 = tpu.memref_slice %arg13[%add3A_348, %scatter3A_377] : memref<128x128xf32, #tpu.memory_space<vmem>> -> memref<1x128xf32, #tpu.memory_space<vmem>>
      %scatter3A_379 = tpu.memref_squeeze %scatter3A_378 : memref<1x128xf32, #tpu.memory_space<vmem>> -> memref<128xf32, #tpu.memory_space<vmem>>
      tpu.vector_store_idx %scatter3A_379[%add3A_376], %unpack3A_367 : memref<128xf32, #tpu.memory_space<vmem>>[vector<16xi32>], vector<16xf32>,
      %get3A_380 = arith.index_cast %add3A_348 : i32 to index
      %get3A_381 = arith.constant 64 : index
      %get3A_382 = tpu.vector_load %arg11[%get3A_380, %get3A_381] {strides = array<i32>} : memref<128x128xbf16, #tpu.memory_space<vmem>>, vector<32xbf16>,
      %unpack3A_383 = tpu.unpack_subelements %get3A_382, 0 {pack_format = #tpu.pack_format<interleaved>} : vector<32xbf16> -> vector<16xf32>
      %unpack3A_384 = tpu.unpack_subelements %get3A_382, 1 {pack_format = #tpu.pack_format<interleaved>} : vector<32xbf16> -> vector<16xf32>
      %add3A_385 = arith.constant 64 : i32
      %add3A_386 = vector.broadcast %add3A_385 : i32 to vector<16xi32>
      %add3A_387 = arith.addi %add3A_386, %mul3A_71 : vector<16xi32>
      %scatter3A_388 = arith.constant 0 : i32
      %scatter3A_389 = tpu.memref_slice %arg13[%add3A_348, %scatter3A_388] : memref<128x128xf32, #tpu.memory_space<vmem>> -> memref<1x128xf32, #tpu.memory_space<vmem>>
      %scatter3A_390 = tpu.memref_squeeze %scatter3A_389 : memref<1x128xf32, #tpu.memory_space<vmem>> -> memref<128xf32, #tpu.memory_space<vmem>>
      tpu.vector_store_idx %scatter3A_390[%add3A_387], %unpack3A_383 : memref<128xf32, #tpu.memory_space<vmem>>[vector<16xi32>], vector<16xf32>,
      %add3A_391 = arith.constant 65 : i32
      %add3A_392 = vector.broadcast %add3A_391 : i32 to vector<16xi32>
      %add3A_393 = arith.addi %add3A_392, %mul3A_71 : vector<16xi32>
      %scatter3A_394 = arith.constant 0 : i32
      %scatter3A_395 = tpu.memref_slice %arg13[%add3A_348, %scatter3A_394] : memref<128x128xf32, #tpu.memory_space<vmem>> -> memref<1x128xf32, #tpu.memory_space<vmem>>
      %scatter3A_396 = tpu.memref_squeeze %scatter3A_395 : memref<1x128xf32, #tpu.memory_space<vmem>> -> memref<128xf32, #tpu.memory_space<vmem>>
      tpu.vector_store_idx %scatter3A_396[%add3A_393], %unpack3A_384 : memref<128xf32, #tpu.memory_space<vmem>>[vector<16xi32>], vector<16xf32>,
      %get3A_397 = arith.index_cast %add3A_348 : i32 to index
      %get3A_398 = arith.constant 96 : index
      %get3A_399 = tpu.vector_load %arg11[%get3A_397, %get3A_398] {strides = array<i32>} : memref<128x128xbf16, #tpu.memory_space<vmem>>, vector<32xbf16>,
      %unpack3A_400 = tpu.unpack_subelements %get3A_399, 0 {pack_format = #tpu.pack_format<interleaved>} : vector<32xbf16> -> vector<16xf32>
      %unpack3A_401 = tpu.unpack_subelements %get3A_399, 1 {pack_format = #tpu.pack_format<interleaved>} : vector<32xbf16> -> vector<16xf32>
      %add3A_402 = arith.constant 96 : i32
      %add3A_403 = vector.broadcast %add3A_402 : i32 to vector<16xi32>
      %add3A_404 = arith.addi %add3A_403, %mul3A_71 : vector<16xi32>
      %scatter3A_405 = arith.constant 0 : i32
      %scatter3A_406 = tpu.memref_slice %arg13[%add3A_348, %scatter3A_405] : memref<128x128xf32, #tpu.memory_space<vmem>> -> memref<1x128xf32, #tpu.memory_space<vmem>>
      %scatter3A_407 = tpu.memref_squeeze %scatter3A_406 : memref<1x128xf32, #tpu.memory_space<vmem>> -> memref<128xf32, #tpu.memory_space<vmem>>
      tpu.vector_store_idx %scatter3A_407[%add3A_404], %unpack3A_400 : memref<128xf32, #tpu.memory_space<vmem>>[vector<16xi32>], vector<16xf32>,
      %add3A_408 = arith.constant 97 : i32
      %add3A_409 = vector.broadcast %add3A_408 : i32 to vector<16xi32>
      %add3A_410 = arith.addi %add3A_409, %mul3A_71 : vector<16xi32>
      %scatter3A_411 = arith.constant 0 : i32
      %scatter3A_412 = tpu.memref_slice %arg13[%add3A_348, %scatter3A_411] : memref<128x128xf32, #tpu.memory_space<vmem>> -> memref<1x128xf32, #tpu.memory_space<vmem>>
      %scatter3A_413 = tpu.memref_squeeze %scatter3A_412 : memref<1x128xf32, #tpu.memory_space<vmem>> -> memref<128xf32, #tpu.memory_space<vmem>>
      tpu.vector_store_idx %scatter3A_413[%add3A_410], %unpack3A_401 : memref<128xf32, #tpu.memory_space<vmem>>[vector<16xi32>], vector<16xf32>,
    }
    %scan3A_137 = arith.constant 128 : i32
    %mul3A_138 = arith.constant 640 : i32
    %mul3A_139 = arith.muli %arg1, %mul3A_138 : i32
    %add3A_140 = arith.constant 128 : i32
    %add3A_141 = arith.addi %mul3A_139, %add3A_140 : i32
    %dma_start3A_142 = arith.constant 0 : i32
    %dma_start3A_143 = arith.constant 0 : i32
    %dma_start3A_144 = tpu.memref_slice %arg5[%arg0, %dma_start3A_142, %dma_start3A_143] : memref<2x10240x128xf32, #tpu.memory_space<hbm>> -> memref<1x10240x128xf32, #tpu.memory_space<hbm>>
    %dma_start3A_145 = tpu.memref_squeeze %dma_start3A_144 : memref<1x10240x128xf32, #tpu.memory_space<hbm>> -> memref<10240x128xf32, #tpu.memory_space<hbm>>
    %dma_start3A_146 = arith.constant 0 : i32
    %dma_start3A_147 = tpu.memref_slice %dma_start3A_145[%add3A_141, %dma_start3A_146] : memref<10240x128xf32, #tpu.memory_space<hbm>> -> memref<128x128xf32, #tpu.memory_space<hbm>>
    %dma_start3A_148 = arith.constant 0 : i32
    %dma_start3A_149 = arith.constant 0 : i32
    %dma_start3A_150 = tpu.memref_slice %arg5[%arg0, %dma_start3A_148, %dma_start3A_149] : memref<2x10240x128xf32, #tpu.memory_space<hbm>> -> memref<1x10240x128xf32, #tpu.memory_space<hbm>>
    %dma_start3A_151 = tpu.memref_squeeze %dma_start3A_150 : memref<1x10240x128xf32, #tpu.memory_space<hbm>> -> memref<10240x128xf32, #tpu.memory_space<hbm>>
    %dma_start3A_152 = arith.constant 0 : i32
    %dma_start3A_153 = tpu.memref_slice %dma_start3A_151[%add3A_141, %dma_start3A_152] : memref<10240x128xf32, #tpu.memory_space<hbm>> -> memref<128x128xf32, #tpu.memory_space<hbm>>
    tpu.enqueue_dma source(%arg13 : memref<128x128xf32, #tpu.memory_space<vmem>>) target(%dma_start3A_153 : memref<128x128xf32, #tpu.memory_space<hbm>>) target_semaphore(%arg17 : memref<!tpu.dma_semaphore, #tpu.memory_space<semaphore_mem>>)
    %mul3A_154 = arith.constant 640 : i32
    %mul3A_155 = arith.muli %arg1, %mul3A_154 : i32
    %add3A_156 = arith.constant 256 : i32
    %add3A_157 = arith.addi %mul3A_155, %add3A_156 : i32
    %dma_wait3A_158 = arith.constant 0 : i32
    %dma_wait3A_159 = tpu.memref_slice %arg7[%add3A_157, %dma_wait3A_158] : memref<10240x128xbf16, #tpu.memory_space<vmem_shared>> -> memref<128x128xbf16, #tpu.memory_space<vmem_shared>>
    %dma_wait3A_160 = arith.constant 0 : i32
    %dma_wait3A_161 = tpu.memref_slice %arg7[%add3A_157, %dma_wait3A_160] : memref<10240x128xbf16, #tpu.memory_space<vmem_shared>> -> memref<128x128xbf16, #tpu.memory_space<vmem_shared>>
    tpu.wait_dma2 semaphore(%arg14 : memref<!tpu.dma_semaphore, #tpu.memory_space<semaphore_mem>>) src(%dma_wait3A_161 : memref<128x128xbf16, #tpu.memory_space<vmem_shared>>) dst(%arg10 : memref<128x128xbf16, #tpu.memory_space<vmem>>)
    %mul3A_162 = arith.constant 640 : i32
    %mul3A_163 = arith.muli %arg1, %mul3A_162 : i32
    %add3A_164 = arith.constant 384 : i32
    %add3A_165 = arith.addi %mul3A_163, %add3A_164 : i32
    %dma_start3A_166 = arith.constant 0 : i32
    %dma_start3A_167 = tpu.memref_slice %arg7[%add3A_165, %dma_start3A_166] : memref<10240x128xbf16, #tpu.memory_space<vmem_shared>> -> memref<128x128xbf16, #tpu.memory_space<vmem_shared>>
    %dma_start3A_168 = arith.constant 0 : i32
    %dma_start3A_169 = tpu.memref_slice %arg7[%add3A_165, %dma_start3A_168] : memref<10240x128xbf16, #tpu.memory_space<vmem_shared>> -> memref<128x128xbf16, #tpu.memory_space<vmem_shared>>
    tpu.enqueue_dma source(%dma_start3A_169 : memref<128x128xbf16, #tpu.memory_space<vmem_shared>>) target(%arg11 : memref<128x128xbf16, #tpu.memory_space<vmem>>) target_semaphore(%arg15 : memref<!tpu.dma_semaphore, #tpu.memory_space<semaphore_mem>>)
    %mul3A_170 = arith.constant 640 : i32
    %mul3A_171 = arith.muli %arg1, %mul3A_170 : i32
    %add3A_172 = arith.constant 0 : i32
    %add3A_173 = arith.addi %mul3A_171, %add3A_172 : i32
    %dma_wait3A_174 = arith.constant 0 : i32
    %dma_wait3A_175 = arith.constant 0 : i32
    %dma_wait3A_176 = tpu.memref_slice %arg5[%arg0, %dma_wait3A_174, %dma_wait3A_175] : memref<2x10240x128xf32, #tpu.memory_space<hbm>> -> memref<1x10240x128xf32, #tpu.memory_space<hbm>>
    %dma_wait3A_177 = tpu.memref_squeeze %dma_wait3A_176 : memref<1x10240x128xf32, #tpu.memory_space<hbm>> -> memref<10240x128xf32, #tpu.memory_space<hbm>>
    %dma_wait3A_178 = arith.constant 0 : i32
    %dma_wait3A_179 = tpu.memref_slice %dma_wait3A_177[%add3A_173, %dma_wait3A_178] : memref<10240x128xf32, #tpu.memory_space<hbm>> -> memref<128x128xf32, #tpu.memory_space<hbm>>
    %dma_wait3A_180 = arith.constant 0 : i32
    %dma_wait3A_181 = arith.constant 0 : i32
    %dma_wait3A_182 = tpu.memref_slice %arg5[%arg0, %dma_wait3A_180, %dma_wait3A_181] : memref<2x10240x128xf32, #tpu.memory_space<hbm>> -> memref<1x10240x128xf32, #tpu.memory_space<hbm>>
    %dma_wait3A_183 = tpu.memref_squeeze %dma_wait3A_182 : memref<1x10240x128xf32, #tpu.memory_space<hbm>> -> memref<10240x128xf32, #tpu.memory_space<hbm>>
    %dma_wait3A_184 = arith.constant 0 : i32
    %dma_wait3A_185 = tpu.memref_slice %dma_wait3A_183[%add3A_173, %dma_wait3A_184] : memref<10240x128xf32, #tpu.memory_space<hbm>> -> memref<128x128xf32, #tpu.memory_space<hbm>>
    tpu.wait_dma2 semaphore(%arg16 : memref<!tpu.dma_semaphore, #tpu.memory_space<semaphore_mem>>) src(%arg12 : memref<128x128xf32, #tpu.memory_space<vmem>>) dst(%dma_wait3A_185 : memref<128x128xf32, #tpu.memory_space<hbm>>)
    %scan3A_186 = arith.constant 0 : i32
    %scan3A_187 = arith.constant 128 : i32
    %scan3A_188 = arith.addi %scan3A_186, %scan3A_187 : i32
    %scan3A_189 = arith.constant 1 : i32
    scf.for %scan3A_344 = %scan3A_186 to %scan3A_188 step %scan3A_189  : i32 {
      %mul3A_345 = arith.constant 1 : i32
      %mul3A_346 = arith.muli %scan3A_344, %mul3A_345 : i32
      %add3A_347 = arith.constant 0 : i32
      %add3A_348 = arith.addi %add3A_347, %mul3A_346 : i32
      %get3A = arith.index_cast %add3A_348 : i32 to index
      %get3A_349 = arith.constant 0 : index
      %get3A_350 = tpu.vector_load %arg10[%get3A, %get3A_349] {strides = array<i32>} : memref<128x128xbf16, #tpu.memory_space<vmem>>, vector<32xbf16>,
      %unpack3A = tpu.unpack_subelements %get3A_350, 0 {pack_format = #tpu.pack_format<interleaved>} : vector<32xbf16> -> vector<16xf32>
      %unpack3A_351 = tpu.unpack_subelements %get3A_350, 1 {pack_format = #tpu.pack_format<interleaved>} : vector<32xbf16> -> vector<16xf32>
      %add3A_352 = arith.constant 0 : i32
      %add3A_353 = vector.broadcast %add3A_352 : i32 to vector<16xi32>
      %add3A_354 = arith.addi %add3A_353, %mul3A_71 : vector<16xi32>
      %scatter3A = arith.constant 0 : i32
      %scatter3A_355 = tpu.memref_slice %arg12[%add3A_348, %scatter3A] : memref<128x128xf32, #tpu.memory_space<vmem>> -> memref<1x128xf32, #tpu.memory_space<vmem>>
      %scatter3A_356 = tpu.memref_squeeze %scatter3A_355 : memref<1x128xf32, #tpu.memory_space<vmem>> -> memref<128xf32, #tpu.memory_space<vmem>>
      tpu.vector_store_idx %scatter3A_356[%add3A_354], %unpack3A : memref<128xf32, #tpu.memory_space<vmem>>[vector<16xi32>], vector<16xf32>,
      %add3A_357 = arith.constant 1 : i32
      %add3A_358 = vector.broadcast %add3A_357 : i32 to vector<16xi32>
      %add3A_359 = arith.addi %add3A_358, %mul3A_71 : vector<16xi32>
      %scatter3A_360 = arith.constant 0 : i32
      %scatter3A_361 = tpu.memref_slice %arg12[%add3A_348, %scatter3A_360] : memref<128x128xf32, #tpu.memory_space<vmem>> -> memref<1x128xf32, #tpu.memory_space<vmem>>
      %scatter3A_362 = tpu.memref_squeeze %scatter3A_361 : memref<1x128xf32, #tpu.memory_space<vmem>> -> memref<128xf32, #tpu.memory_space<vmem>>
      tpu.vector_store_idx %scatter3A_362[%add3A_359], %unpack3A_351 : memref<128xf32, #tpu.memory_space<vmem>>[vector<16xi32>], vector<16xf32>,
      %get3A_363 = arith.index_cast %add3A_348 : i32 to index
      %get3A_364 = arith.constant 32 : index
      %get3A_365 = tpu.vector_load %arg10[%get3A_363, %get3A_364] {strides = array<i32>} : memref<128x128xbf16, #tpu.memory_space<vmem>>, vector<32xbf16>,
      %unpack3A_366 = tpu.unpack_subelements %get3A_365, 0 {pack_format = #tpu.pack_format<interleaved>} : vector<32xbf16> -> vector<16xf32>
      %unpack3A_367 = tpu.unpack_subelements %get3A_365, 1 {pack_format = #tpu.pack_format<interleaved>} : vector<32xbf16> -> vector<16xf32>
      %add3A_368 = arith.constant 32 : i32
      %add3A_369 = vector.broadcast %add3A_368 : i32 to vector<16xi32>
      %add3A_370 = arith.addi %add3A_369, %mul3A_71 : vector<16xi32>
      %scatter3A_371 = arith.constant 0 : i32
      %scatter3A_372 = tpu.memref_slice %arg12[%add3A_348, %scatter3A_371] : memref<128x128xf32, #tpu.memory_space<vmem>> -> memref<1x128xf32, #tpu.memory_space<vmem>>
      %scatter3A_373 = tpu.memref_squeeze %scatter3A_372 : memref<1x128xf32, #tpu.memory_space<vmem>> -> memref<128xf32, #tpu.memory_space<vmem>>
      tpu.vector_store_idx %scatter3A_373[%add3A_370], %unpack3A_366 : memref<128xf32, #tpu.memory_space<vmem>>[vector<16xi32>], vector<16xf32>,
      %add3A_374 = arith.constant 33 : i32
      %add3A_375 = vector.broadcast %add3A_374 : i32 to vector<16xi32>
      %add3A_376 = arith.addi %add3A_375, %mul3A_71 : vector<16xi32>
      %scatter3A_377 = arith.constant 0 : i32
      %scatter3A_378 = tpu.memref_slice %arg12[%add3A_348, %scatter3A_377] : memref<128x128xf32, #tpu.memory_space<vmem>> -> memref<1x128xf32, #tpu.memory_space<vmem>>
      %scatter3A_379 = tpu.memref_squeeze %scatter3A_378 : memref<1x128xf32, #tpu.memory_space<vmem>> -> memref<128xf32, #tpu.memory_space<vmem>>
      tpu.vector_store_idx %scatter3A_379[%add3A_376], %unpack3A_367 : memref<128xf32, #tpu.memory_space<vmem>>[vector<16xi32>], vector<16xf32>,
      %get3A_380 = arith.index_cast %add3A_348 : i32 to index
      %get3A_381 = arith.constant 64 : index
      %get3A_382 = tpu.vector_load %arg10[%get3A_380, %get3A_381] {strides = array<i32>} : memref<128x128xbf16, #tpu.memory_space<vmem>>, vector<32xbf16>,
      %unpack3A_383 = tpu.unpack_subelements %get3A_382, 0 {pack_format = #tpu.pack_format<interleaved>} : vector<32xbf16> -> vector<16xf32>
      %unpack3A_384 = tpu.unpack_subelements %get3A_382, 1 {pack_format = #tpu.pack_format<interleaved>} : vector<32xbf16> -> vector<16xf32>
      %add3A_385 = arith.constant 64 : i32
      %add3A_386 = vector.broadcast %add3A_385 : i32 to vector<16xi32>
      %add3A_387 = arith.addi %add3A_386, %mul3A_71 : vector<16xi32>
      %scatter3A_388 = arith.constant 0 : i32
      %scatter3A_389 = tpu.memref_slice %arg12[%add3A_348, %scatter3A_388] : memref<128x128xf32, #tpu.memory_space<vmem>> -> memref<1x128xf32, #tpu.memory_space<vmem>>
      %scatter3A_390 = tpu.memref_squeeze %scatter3A_389 : memref<1x128xf32, #tpu.memory_space<vmem>> -> memref<128xf32, #tpu.memory_space<vmem>>
      tpu.vector_store_idx %scatter3A_390[%add3A_387], %unpack3A_383 : memref<128xf32, #tpu.memory_space<vmem>>[vector<16xi32>], vector<16xf32>,
      %add3A_391 = arith.constant 65 : i32
      %add3A_392 = vector.broadcast %add3A_391 : i32 to vector<16xi32>
      %add3A_393 = arith.addi %add3A_392, %mul3A_71 : vector<16xi32>
      %scatter3A_394 = arith.constant 0 : i32
      %scatter3A_395 = tpu.memref_slice %arg12[%add3A_348, %scatter3A_394] : memref<128x128xf32, #tpu.memory_space<vmem>> -> memref<1x128xf32, #tpu.memory_space<vmem>>
      %scatter3A_396 = tpu.memref_squeeze %scatter3A_395 : memref<1x128xf32, #tpu.memory_space<vmem>> -> memref<128xf32, #tpu.memory_space<vmem>>
      tpu.vector_store_idx %scatter3A_396[%add3A_393], %unpack3A_384 : memref<128xf32, #tpu.memory_space<vmem>>[vector<16xi32>], vector<16xf32>,
      %get3A_397 = arith.index_cast %add3A_348 : i32 to index
      %get3A_398 = arith.constant 96 : index
      %get3A_399 = tpu.vector_load %arg10[%get3A_397, %get3A_398] {strides = array<i32>} : memref<128x128xbf16, #tpu.memory_space<vmem>>, vector<32xbf16>,
      %unpack3A_400 = tpu.unpack_subelements %get3A_399, 0 {pack_format = #tpu.pack_format<interleaved>} : vector<32xbf16> -> vector<16xf32>
      %unpack3A_401 = tpu.unpack_subelements %get3A_399, 1 {pack_format = #tpu.pack_format<interleaved>} : vector<32xbf16> -> vector<16xf32>
      %add3A_402 = arith.constant 96 : i32
      %add3A_403 = vector.broadcast %add3A_402 : i32 to vector<16xi32>
      %add3A_404 = arith.addi %add3A_403, %mul3A_71 : vector<16xi32>
      %scatter3A_405 = arith.constant 0 : i32
      %scatter3A_406 = tpu.memref_slice %arg12[%add3A_348, %scatter3A_405] : memref<128x128xf32, #tpu.memory_space<vmem>> -> memref<1x128xf32, #tpu.memory_space<vmem>>
      %scatter3A_407 = tpu.memref_squeeze %scatter3A_406 : memref<1x128xf32, #tpu.memory_space<vmem>> -> memref<128xf32, #tpu.memory_space<vmem>>
      tpu.vector_store_idx %scatter3A_407[%add3A_404], %unpack3A_400 : memref<128xf32, #tpu.memory_space<vmem>>[vector<16xi32>], vector<16xf32>,
      %add3A_408 = arith.constant 97 : i32
      %add3A_409 = vector.broadcast %add3A_408 : i32 to vector<16xi32>
      %add3A_410 = arith.addi %add3A_409, %mul3A_71 : vector<16xi32>
      %scatter3A_411 = arith.constant 0 : i32
      %scatter3A_412 = tpu.memref_slice %arg12[%add3A_348, %scatter3A_411] : memref<128x128xf32, #tpu.memory_space<vmem>> -> memref<1x128xf32, #tpu.memory_space<vmem>>
      %scatter3A_413 = tpu.memref_squeeze %scatter3A_412 : memref<1x128xf32, #tpu.memory_space<vmem>> -> memref<128xf32, #tpu.memory_space<vmem>>
      tpu.vector_store_idx %scatter3A_413[%add3A_410], %unpack3A_401 : memref<128xf32, #tpu.memory_space<vmem>>[vector<16xi32>], vector<16xf32>,
    }
    %scan3A_190 = arith.constant 128 : i32
    %mul3A_191 = arith.constant 640 : i32
    %mul3A_192 = arith.muli %arg1, %mul3A_191 : i32
    %add3A_193 = arith.constant 256 : i32
    %add3A_194 = arith.addi %mul3A_192, %add3A_193 : i32
    %dma_start3A_195 = arith.constant 0 : i32
    %dma_start3A_196 = arith.constant 0 : i32
    %dma_start3A_197 = tpu.memref_slice %arg5[%arg0, %dma_start3A_195, %dma_start3A_196] : memref<2x10240x128xf32, #tpu.memory_space<hbm>> -> memref<1x10240x128xf32, #tpu.memory_space<hbm>>
    %dma_start3A_198 = tpu.memref_squeeze %dma_start3A_197 : memref<1x10240x128xf32, #tpu.memory_space<hbm>> -> memref<10240x128xf32, #tpu.memory_space<hbm>>
    %dma_start3A_199 = arith.constant 0 : i32
    %dma_start3A_200 = tpu.memref_slice %dma_start3A_198[%add3A_194, %dma_start3A_199] : memref<10240x128xf32, #tpu.memory_space<hbm>> -> memref<128x128xf32, #tpu.memory_space<hbm>>
    %dma_start3A_201 = arith.constant 0 : i32
    %dma_start3A_202 = arith.constant 0 : i32
    %dma_start3A_203 = tpu.memref_slice %arg5[%arg0, %dma_start3A_201, %dma_start3A_202] : memref<2x10240x128xf32, #tpu.memory_space<hbm>> -> memref<1x10240x128xf32, #tpu.memory_space<hbm>>
    %dma_start3A_204 = tpu.memref_squeeze %dma_start3A_203 : memref<1x10240x128xf32, #tpu.memory_space<hbm>> -> memref<10240x128xf32, #tpu.memory_space<hbm>>
    %dma_start3A_205 = arith.constant 0 : i32
    %dma_start3A_206 = tpu.memref_slice %dma_start3A_204[%add3A_194, %dma_start3A_205] : memref<10240x128xf32, #tpu.memory_space<hbm>> -> memref<128x128xf32, #tpu.memory_space<hbm>>
    tpu.enqueue_dma source(%arg12 : memref<128x128xf32, #tpu.memory_space<vmem>>) target(%dma_start3A_206 : memref<128x128xf32, #tpu.memory_space<hbm>>) target_semaphore(%arg16 : memref<!tpu.dma_semaphore, #tpu.memory_space<semaphore_mem>>)
    %mul3A_207 = arith.constant 640 : i32
    %mul3A_208 = arith.muli %arg1, %mul3A_207 : i32
    %add3A_209 = arith.constant 384 : i32
    %add3A_210 = arith.addi %mul3A_208, %add3A_209 : i32
    %dma_wait3A_211 = arith.constant 0 : i32
    %dma_wait3A_212 = tpu.memref_slice %arg7[%add3A_210, %dma_wait3A_211] : memref<10240x128xbf16, #tpu.memory_space<vmem_shared>> -> memref<128x128xbf16, #tpu.memory_space<vmem_shared>>
    %dma_wait3A_213 = arith.constant 0 : i32
    %dma_wait3A_214 = tpu.memref_slice %arg7[%add3A_210, %dma_wait3A_213] : memref<10240x128xbf16, #tpu.memory_space<vmem_shared>> -> memref<128x128xbf16, #tpu.memory_space<vmem_shared>>
    tpu.wait_dma2 semaphore(%arg15 : memref<!tpu.dma_semaphore, #tpu.memory_space<semaphore_mem>>) src(%dma_wait3A_214 : memref<128x128xbf16, #tpu.memory_space<vmem_shared>>) dst(%arg11 : memref<128x128xbf16, #tpu.memory_space<vmem>>)
    %mul3A_215 = arith.constant 640 : i32
    %mul3A_216 = arith.muli %arg1, %mul3A_215 : i32
    %add3A_217 = arith.constant 512 : i32
    %add3A_218 = arith.addi %mul3A_216, %add3A_217 : i32
    %dma_start3A_219 = arith.constant 0 : i32
    %dma_start3A_220 = tpu.memref_slice %arg7[%add3A_218, %dma_start3A_219] : memref<10240x128xbf16, #tpu.memory_space<vmem_shared>> -> memref<128x128xbf16, #tpu.memory_space<vmem_shared>>
    %dma_start3A_221 = arith.constant 0 : i32
    %dma_start3A_222 = tpu.memref_slice %arg7[%add3A_218, %dma_start3A_221] : memref<10240x128xbf16, #tpu.memory_space<vmem_shared>> -> memref<128x128xbf16, #tpu.memory_space<vmem_shared>>
    tpu.enqueue_dma source(%dma_start3A_222 : memref<128x128xbf16, #tpu.memory_space<vmem_shared>>) target(%arg10 : memref<128x128xbf16, #tpu.memory_space<vmem>>) target_semaphore(%arg14 : memref<!tpu.dma_semaphore, #tpu.memory_space<semaphore_mem>>)
    %mul3A_223 = arith.constant 640 : i32
    %mul3A_224 = arith.muli %arg1, %mul3A_223 : i32
    %add3A_225 = arith.constant 128 : i32
    %add3A_226 = arith.addi %mul3A_224, %add3A_225 : i32
    %dma_wait3A_227 = arith.constant 0 : i32
    %dma_wait3A_228 = arith.constant 0 : i32
    %dma_wait3A_229 = tpu.memref_slice %arg5[%arg0, %dma_wait3A_227, %dma_wait3A_228] : memref<2x10240x128xf32, #tpu.memory_space<hbm>> -> memref<1x10240x128xf32, #tpu.memory_space<hbm>>
    %dma_wait3A_230 = tpu.memref_squeeze %dma_wait3A_229 : memref<1x10240x128xf32, #tpu.memory_space<hbm>> -> memref<10240x128xf32, #tpu.memory_space<hbm>>
    %dma_wait3A_231 = arith.constant 0 : i32
    %dma_wait3A_232 = tpu.memref_slice %dma_wait3A_230[%add3A_226, %dma_wait3A_231] : memref<10240x128xf32, #tpu.memory_space<hbm>> -> memref<128x128xf32, #tpu.memory_space<hbm>>
    %dma_wait3A_233 = arith.constant 0 : i32
    %dma_wait3A_234 = arith.constant 0 : i32
    %dma_wait3A_235 = tpu.memref_slice %arg5[%arg0, %dma_wait3A_233, %dma_wait3A_234] : memref<2x10240x128xf32, #tpu.memory_space<hbm>> -> memref<1x10240x128xf32, #tpu.memory_space<hbm>>
    %dma_wait3A_236 = tpu.memref_squeeze %dma_wait3A_235 : memref<1x10240x128xf32, #tpu.memory_space<hbm>> -> memref<10240x128xf32, #tpu.memory_space<hbm>>
    %dma_wait3A_237 = arith.constant 0 : i32
    %dma_wait3A_238 = tpu.memref_slice %dma_wait3A_236[%add3A_226, %dma_wait3A_237] : memref<10240x128xf32, #tpu.memory_space<hbm>> -> memref<128x128xf32, #tpu.memory_space<hbm>>
    tpu.wait_dma2 semaphore(%arg17 : memref<!tpu.dma_semaphore, #tpu.memory_space<semaphore_mem>>) src(%arg13 : memref<128x128xf32, #tpu.memory_space<vmem>>) dst(%dma_wait3A_238 : memref<128x128xf32, #tpu.memory_space<hbm>>)
    %scan3A_239 = arith.constant 0 : i32
    %scan3A_240 = arith.constant 128 : i32
    %scan3A_241 = arith.addi %scan3A_239, %scan3A_240 : i32
    %scan3A_242 = arith.constant 1 : i32
    scf.for %scan3A_344 = %scan3A_239 to %scan3A_241 step %scan3A_242  : i32 {
      %mul3A_345 = arith.constant 1 : i32
      %mul3A_346 = arith.muli %scan3A_344, %mul3A_345 : i32
      %add3A_347 = arith.constant 0 : i32
      %add3A_348 = arith.addi %add3A_347, %mul3A_346 : i32
      %get3A = arith.index_cast %add3A_348 : i32 to index
      %get3A_349 = arith.constant 0 : index
      %get3A_350 = tpu.vector_load %arg11[%get3A, %get3A_349] {strides = array<i32>} : memref<128x128xbf16, #tpu.memory_space<vmem>>, vector<32xbf16>,
      %unpack3A = tpu.unpack_subelements %get3A_350, 0 {pack_format = #tpu.pack_format<interleaved>} : vector<32xbf16> -> vector<16xf32>
      %unpack3A_351 = tpu.unpack_subelements %get3A_350, 1 {pack_format = #tpu.pack_format<interleaved>} : vector<32xbf16> -> vector<16xf32>
      %add3A_352 = arith.constant 0 : i32
      %add3A_353 = vector.broadcast %add3A_352 : i32 to vector<16xi32>
      %add3A_354 = arith.addi %add3A_353, %mul3A_71 : vector<16xi32>
      %scatter3A = arith.constant 0 : i32
      %scatter3A_355 = tpu.memref_slice %arg13[%add3A_348, %scatter3A] : memref<128x128xf32, #tpu.memory_space<vmem>> -> memref<1x128xf32, #tpu.memory_space<vmem>>
      %scatter3A_356 = tpu.memref_squeeze %scatter3A_355 : memref<1x128xf32, #tpu.memory_space<vmem>> -> memref<128xf32, #tpu.memory_space<vmem>>
      tpu.vector_store_idx %scatter3A_356[%add3A_354], %unpack3A : memref<128xf32, #tpu.memory_space<vmem>>[vector<16xi32>], vector<16xf32>,
      %add3A_357 = arith.constant 1 : i32
      %add3A_358 = vector.broadcast %add3A_357 : i32 to vector<16xi32>
      %add3A_359 = arith.addi %add3A_358, %mul3A_71 : vector<16xi32>
      %scatter3A_360 = arith.constant 0 : i32
      %scatter3A_361 = tpu.memref_slice %arg13[%add3A_348, %scatter3A_360] : memref<128x128xf32, #tpu.memory_space<vmem>> -> memref<1x128xf32, #tpu.memory_space<vmem>>
      %scatter3A_362 = tpu.memref_squeeze %scatter3A_361 : memref<1x128xf32, #tpu.memory_space<vmem>> -> memref<128xf32, #tpu.memory_space<vmem>>
      tpu.vector_store_idx %scatter3A_362[%add3A_359], %unpack3A_351 : memref<128xf32, #tpu.memory_space<vmem>>[vector<16xi32>], vector<16xf32>,
      %get3A_363 = arith.index_cast %add3A_348 : i32 to index
      %get3A_364 = arith.constant 32 : index
      %get3A_365 = tpu.vector_load %arg11[%get3A_363, %get3A_364] {strides = array<i32>} : memref<128x128xbf16, #tpu.memory_space<vmem>>, vector<32xbf16>,
      %unpack3A_366 = tpu.unpack_subelements %get3A_365, 0 {pack_format = #tpu.pack_format<interleaved>} : vector<32xbf16> -> vector<16xf32>
      %unpack3A_367 = tpu.unpack_subelements %get3A_365, 1 {pack_format = #tpu.pack_format<interleaved>} : vector<32xbf16> -> vector<16xf32>
      %add3A_368 = arith.constant 32 : i32
      %add3A_369 = vector.broadcast %add3A_368 : i32 to vector<16xi32>
      %add3A_370 = arith.addi %add3A_369, %mul3A_71 : vector<16xi32>
      %scatter3A_371 = arith.constant 0 : i32
      %scatter3A_372 = tpu.memref_slice %arg13[%add3A_348, %scatter3A_371] : memref<128x128xf32, #tpu.memory_space<vmem>> -> memref<1x128xf32, #tpu.memory_space<vmem>>
      %scatter3A_373 = tpu.memref_squeeze %scatter3A_372 : memref<1x128xf32, #tpu.memory_space<vmem>> -> memref<128xf32, #tpu.memory_space<vmem>>
      tpu.vector_store_idx %scatter3A_373[%add3A_370], %unpack3A_366 : memref<128xf32, #tpu.memory_space<vmem>>[vector<16xi32>], vector<16xf32>,
      %add3A_374 = arith.constant 33 : i32
      %add3A_375 = vector.broadcast %add3A_374 : i32 to vector<16xi32>
      %add3A_376 = arith.addi %add3A_375, %mul3A_71 : vector<16xi32>
      %scatter3A_377 = arith.constant 0 : i32
      %scatter3A_378 = tpu.memref_slice %arg13[%add3A_348, %scatter3A_377] : memref<128x128xf32, #tpu.memory_space<vmem>> -> memref<1x128xf32, #tpu.memory_space<vmem>>
      %scatter3A_379 = tpu.memref_squeeze %scatter3A_378 : memref<1x128xf32, #tpu.memory_space<vmem>> -> memref<128xf32, #tpu.memory_space<vmem>>
      tpu.vector_store_idx %scatter3A_379[%add3A_376], %unpack3A_367 : memref<128xf32, #tpu.memory_space<vmem>>[vector<16xi32>], vector<16xf32>,
      %get3A_380 = arith.index_cast %add3A_348 : i32 to index
      %get3A_381 = arith.constant 64 : index
      %get3A_382 = tpu.vector_load %arg11[%get3A_380, %get3A_381] {strides = array<i32>} : memref<128x128xbf16, #tpu.memory_space<vmem>>, vector<32xbf16>,
      %unpack3A_383 = tpu.unpack_subelements %get3A_382, 0 {pack_format = #tpu.pack_format<interleaved>} : vector<32xbf16> -> vector<16xf32>
      %unpack3A_384 = tpu.unpack_subelements %get3A_382, 1 {pack_format = #tpu.pack_format<interleaved>} : vector<32xbf16> -> vector<16xf32>
      %add3A_385 = arith.constant 64 : i32
      %add3A_386 = vector.broadcast %add3A_385 : i32 to vector<16xi32>
      %add3A_387 = arith.addi %add3A_386, %mul3A_71 : vector<16xi32>
      %scatter3A_388 = arith.constant 0 : i32
      %scatter3A_389 = tpu.memref_slice %arg13[%add3A_348, %scatter3A_388] : memref<128x128xf32, #tpu.memory_space<vmem>> -> memref<1x128xf32, #tpu.memory_space<vmem>>
      %scatter3A_390 = tpu.memref_squeeze %scatter3A_389 : memref<1x128xf32, #tpu.memory_space<vmem>> -> memref<128xf32, #tpu.memory_space<vmem>>
      tpu.vector_store_idx %scatter3A_390[%add3A_387], %unpack3A_383 : memref<128xf32, #tpu.memory_space<vmem>>[vector<16xi32>], vector<16xf32>,
      %add3A_391 = arith.constant 65 : i32
      %add3A_392 = vector.broadcast %add3A_391 : i32 to vector<16xi32>
      %add3A_393 = arith.addi %add3A_392, %mul3A_71 : vector<16xi32>
      %scatter3A_394 = arith.constant 0 : i32
      %scatter3A_395 = tpu.memref_slice %arg13[%add3A_348, %scatter3A_394] : memref<128x128xf32, #tpu.memory_space<vmem>> -> memref<1x128xf32, #tpu.memory_space<vmem>>
      %scatter3A_396 = tpu.memref_squeeze %scatter3A_395 : memref<1x128xf32, #tpu.memory_space<vmem>> -> memref<128xf32, #tpu.memory_space<vmem>>
      tpu.vector_store_idx %scatter3A_396[%add3A_393], %unpack3A_384 : memref<128xf32, #tpu.memory_space<vmem>>[vector<16xi32>], vector<16xf32>,
      %get3A_397 = arith.index_cast %add3A_348 : i32 to index
      %get3A_398 = arith.constant 96 : index
      %get3A_399 = tpu.vector_load %arg11[%get3A_397, %get3A_398] {strides = array<i32>} : memref<128x128xbf16, #tpu.memory_space<vmem>>, vector<32xbf16>,
      %unpack3A_400 = tpu.unpack_subelements %get3A_399, 0 {pack_format = #tpu.pack_format<interleaved>} : vector<32xbf16> -> vector<16xf32>
      %unpack3A_401 = tpu.unpack_subelements %get3A_399, 1 {pack_format = #tpu.pack_format<interleaved>} : vector<32xbf16> -> vector<16xf32>
      %add3A_402 = arith.constant 96 : i32
      %add3A_403 = vector.broadcast %add3A_402 : i32 to vector<16xi32>
      %add3A_404 = arith.addi %add3A_403, %mul3A_71 : vector<16xi32>
      %scatter3A_405 = arith.constant 0 : i32
      %scatter3A_406 = tpu.memref_slice %arg13[%add3A_348, %scatter3A_405] : memref<128x128xf32, #tpu.memory_space<vmem>> -> memref<1x128xf32, #tpu.memory_space<vmem>>
      %scatter3A_407 = tpu.memref_squeeze %scatter3A_406 : memref<1x128xf32, #tpu.memory_space<vmem>> -> memref<128xf32, #tpu.memory_space<vmem>>
      tpu.vector_store_idx %scatter3A_407[%add3A_404], %unpack3A_400 : memref<128xf32, #tpu.memory_space<vmem>>[vector<16xi32>], vector<16xf32>,
      %add3A_408 = arith.constant 97 : i32
      %add3A_409 = vector.broadcast %add3A_408 : i32 to vector<16xi32>
      %add3A_410 = arith.addi %add3A_409, %mul3A_71 : vector<16xi32>
      %scatter3A_411 = arith.constant 0 : i32
      %scatter3A_412 = tpu.memref_slice %arg13[%add3A_348, %scatter3A_411] : memref<128x128xf32, #tpu.memory_space<vmem>> -> memref<1x128xf32, #tpu.memory_space<vmem>>
      %scatter3A_413 = tpu.memref_squeeze %scatter3A_412 : memref<1x128xf32, #tpu.memory_space<vmem>> -> memref<128xf32, #tpu.memory_space<vmem>>
      tpu.vector_store_idx %scatter3A_413[%add3A_410], %unpack3A_401 : memref<128xf32, #tpu.memory_space<vmem>>[vector<16xi32>], vector<16xf32>,
    }
    %scan3A_243 = arith.constant 128 : i32
    %mul3A_244 = arith.constant 640 : i32
    %mul3A_245 = arith.muli %arg1, %mul3A_244 : i32
    %add3A_246 = arith.constant 384 : i32
    %add3A_247 = arith.addi %mul3A_245, %add3A_246 : i32
    %dma_start3A_248 = arith.constant 0 : i32
    %dma_start3A_249 = arith.constant 0 : i32
    %dma_start3A_250 = tpu.memref_slice %arg5[%arg0, %dma_start3A_248, %dma_start3A_249] : memref<2x10240x128xf32, #tpu.memory_space<hbm>> -> memref<1x10240x128xf32, #tpu.memory_space<hbm>>
    %dma_start3A_251 = tpu.memref_squeeze %dma_start3A_250 : memref<1x10240x128xf32, #tpu.memory_space<hbm>> -> memref<10240x128xf32, #tpu.memory_space<hbm>>
    %dma_start3A_252 = arith.constant 0 : i32
    %dma_start3A_253 = tpu.memref_slice %dma_start3A_251[%add3A_247, %dma_start3A_252] : memref<10240x128xf32, #tpu.memory_space<hbm>> -> memref<128x128xf32, #tpu.memory_space<hbm>>
    %dma_start3A_254 = arith.constant 0 : i32
    %dma_start3A_255 = arith.constant 0 : i32
    %dma_start3A_256 = tpu.memref_slice %arg5[%arg0, %dma_start3A_254, %dma_start3A_255] : memref<2x10240x128xf32, #tpu.memory_space<hbm>> -> memref<1x10240x128xf32, #tpu.memory_space<hbm>>
    %dma_start3A_257 = tpu.memref_squeeze %dma_start3A_256 : memref<1x10240x128xf32, #tpu.memory_space<hbm>> -> memref<10240x128xf32, #tpu.memory_space<hbm>>
    %dma_start3A_258 = arith.constant 0 : i32
    %dma_start3A_259 = tpu.memref_slice %dma_start3A_257[%add3A_247, %dma_start3A_258] : memref<10240x128xf32, #tpu.memory_space<hbm>> -> memref<128x128xf32, #tpu.memory_space<hbm>>
    tpu.enqueue_dma source(%arg13 : memref<128x128xf32, #tpu.memory_space<vmem>>) target(%dma_start3A_259 : memref<128x128xf32, #tpu.memory_space<hbm>>) target_semaphore(%arg17 : memref<!tpu.dma_semaphore, #tpu.memory_space<semaphore_mem>>)
    %mul3A_260 = arith.constant 640 : i32
    %mul3A_261 = arith.muli %arg1, %mul3A_260 : i32
    %add3A_262 = arith.constant 512 : i32
    %add3A_263 = arith.addi %mul3A_261, %add3A_262 : i32
    %dma_wait3A_264 = arith.constant 0 : i32
    %dma_wait3A_265 = tpu.memref_slice %arg7[%add3A_263, %dma_wait3A_264] : memref<10240x128xbf16, #tpu.memory_space<vmem_shared>> -> memref<128x128xbf16, #tpu.memory_space<vmem_shared>>
    %dma_wait3A_266 = arith.constant 0 : i32
    %dma_wait3A_267 = tpu.memref_slice %arg7[%add3A_263, %dma_wait3A_266] : memref<10240x128xbf16, #tpu.memory_space<vmem_shared>> -> memref<128x128xbf16, #tpu.memory_space<vmem_shared>>
    tpu.wait_dma2 semaphore(%arg14 : memref<!tpu.dma_semaphore, #tpu.memory_space<semaphore_mem>>) src(%dma_wait3A_267 : memref<128x128xbf16, #tpu.memory_space<vmem_shared>>) dst(%arg10 : memref<128x128xbf16, #tpu.memory_space<vmem>>)
    %mul3A_268 = arith.constant 640 : i32
    %mul3A_269 = arith.muli %arg1, %mul3A_268 : i32
    %add3A_270 = arith.constant 256 : i32
    %add3A_271 = arith.addi %mul3A_269, %add3A_270 : i32
    %dma_wait3A_272 = arith.constant 0 : i32
    %dma_wait3A_273 = arith.constant 0 : i32
    %dma_wait3A_274 = tpu.memref_slice %arg5[%arg0, %dma_wait3A_272, %dma_wait3A_273] : memref<2x10240x128xf32, #tpu.memory_space<hbm>> -> memref<1x10240x128xf32, #tpu.memory_space<hbm>>
    %dma_wait3A_275 = tpu.memref_squeeze %dma_wait3A_274 : memref<1x10240x128xf32, #tpu.memory_space<hbm>> -> memref<10240x128xf32, #tpu.memory_space<hbm>>
    %dma_wait3A_276 = arith.constant 0 : i32
    %dma_wait3A_277 = tpu.memref_slice %dma_wait3A_275[%add3A_271, %dma_wait3A_276] : memref<10240x128xf32, #tpu.memory_space<hbm>> -> memref<128x128xf32, #tpu.memory_space<hbm>>
    %dma_wait3A_278 = arith.constant 0 : i32
    %dma_wait3A_279 = arith.constant 0 : i32
    %dma_wait3A_280 = tpu.memref_slice %arg5[%arg0, %dma_wait3A_278, %dma_wait3A_279] : memref<2x10240x128xf32, #tpu.memory_space<hbm>> -> memref<1x10240x128xf32, #tpu.memory_space<hbm>>
    %dma_wait3A_281 = tpu.memref_squeeze %dma_wait3A_280 : memref<1x10240x128xf32, #tpu.memory_space<hbm>> -> memref<10240x128xf32, #tpu.memory_space<hbm>>
    %dma_wait3A_282 = arith.constant 0 : i32
    %dma_wait3A_283 = tpu.memref_slice %dma_wait3A_281[%add3A_271, %dma_wait3A_282] : memref<10240x128xf32, #tpu.memory_space<hbm>> -> memref<128x128xf32, #tpu.memory_space<hbm>>
    tpu.wait_dma2 semaphore(%arg16 : memref<!tpu.dma_semaphore, #tpu.memory_space<semaphore_mem>>) src(%arg12 : memref<128x128xf32, #tpu.memory_space<vmem>>) dst(%dma_wait3A_283 : memref<128x128xf32, #tpu.memory_space<hbm>>)
    %scan3A_284 = arith.constant 0 : i32
    %scan3A_285 = arith.constant 128 : i32
    %scan3A_286 = arith.addi %scan3A_284, %scan3A_285 : i32
    %scan3A_287 = arith.constant 1 : i32
    scf.for %scan3A_344 = %scan3A_284 to %scan3A_286 step %scan3A_287  : i32 {
      %mul3A_345 = arith.constant 1 : i32
      %mul3A_346 = arith.muli %scan3A_344, %mul3A_345 : i32
      %add3A_347 = arith.constant 0 : i32
      %add3A_348 = arith.addi %add3A_347, %mul3A_346 : i32
      %get3A = arith.index_cast %add3A_348 : i32 to index
      %get3A_349 = arith.constant 0 : index
      %get3A_350 = tpu.vector_load %arg10[%get3A, %get3A_349] {strides = array<i32>} : memref<128x128xbf16, #tpu.memory_space<vmem>>, vector<32xbf16>,
      %unpack3A = tpu.unpack_subelements %get3A_350, 0 {pack_format = #tpu.pack_format<interleaved>} : vector<32xbf16> -> vector<16xf32>
      %unpack3A_351 = tpu.unpack_subelements %get3A_350, 1 {pack_format = #tpu.pack_format<interleaved>} : vector<32xbf16> -> vector<16xf32>
      %add3A_352 = arith.constant 0 : i32
      %add3A_353 = vector.broadcast %add3A_352 : i32 to vector<16xi32>
      %add3A_354 = arith.addi %add3A_353, %mul3A_71 : vector<16xi32>
      %scatter3A = arith.constant 0 : i32
      %scatter3A_355 = tpu.memref_slice %arg12[%add3A_348, %scatter3A] : memref<128x128xf32, #tpu.memory_space<vmem>> -> memref<1x128xf32, #tpu.memory_space<vmem>>
      %scatter3A_356 = tpu.memref_squeeze %scatter3A_355 : memref<1x128xf32, #tpu.memory_space<vmem>> -> memref<128xf32, #tpu.memory_space<vmem>>
      tpu.vector_store_idx %scatter3A_356[%add3A_354], %unpack3A : memref<128xf32, #tpu.memory_space<vmem>>[vector<16xi32>], vector<16xf32>,
      %add3A_357 = arith.constant 1 : i32
      %add3A_358 = vector.broadcast %add3A_357 : i32 to vector<16xi32>
      %add3A_359 = arith.addi %add3A_358, %mul3A_71 : vector<16xi32>
      %scatter3A_360 = arith.constant 0 : i32
      %scatter3A_361 = tpu.memref_slice %arg12[%add3A_348, %scatter3A_360] : memref<128x128xf32, #tpu.memory_space<vmem>> -> memref<1x128xf32, #tpu.memory_space<vmem>>
      %scatter3A_362 = tpu.memref_squeeze %scatter3A_361 : memref<1x128xf32, #tpu.memory_space<vmem>> -> memref<128xf32, #tpu.memory_space<vmem>>
      tpu.vector_store_idx %scatter3A_362[%add3A_359], %unpack3A_351 : memref<128xf32, #tpu.memory_space<vmem>>[vector<16xi32>], vector<16xf32>,
      %get3A_363 = arith.index_cast %add3A_348 : i32 to index
      %get3A_364 = arith.constant 32 : index
      %get3A_365 = tpu.vector_load %arg10[%get3A_363, %get3A_364] {strides = array<i32>} : memref<128x128xbf16, #tpu.memory_space<vmem>>, vector<32xbf16>,
      %unpack3A_366 = tpu.unpack_subelements %get3A_365, 0 {pack_format = #tpu.pack_format<interleaved>} : vector<32xbf16> -> vector<16xf32>
      %unpack3A_367 = tpu.unpack_subelements %get3A_365, 1 {pack_format = #tpu.pack_format<interleaved>} : vector<32xbf16> -> vector<16xf32>
      %add3A_368 = arith.constant 32 : i32
      %add3A_369 = vector.broadcast %add3A_368 : i32 to vector<16xi32>
      %add3A_370 = arith.addi %add3A_369, %mul3A_71 : vector<16xi32>
      %scatter3A_371 = arith.constant 0 : i32
      %scatter3A_372 = tpu.memref_slice %arg12[%add3A_348, %scatter3A_371] : memref<128x128xf32, #tpu.memory_space<vmem>> -> memref<1x128xf32, #tpu.memory_space<vmem>>
      %scatter3A_373 = tpu.memref_squeeze %scatter3A_372 : memref<1x128xf32, #tpu.memory_space<vmem>> -> memref<128xf32, #tpu.memory_space<vmem>>
      tpu.vector_store_idx %scatter3A_373[%add3A_370], %unpack3A_366 : memref<128xf32, #tpu.memory_space<vmem>>[vector<16xi32>], vector<16xf32>,
      %add3A_374 = arith.constant 33 : i32
      %add3A_375 = vector.broadcast %add3A_374 : i32 to vector<16xi32>
      %add3A_376 = arith.addi %add3A_375, %mul3A_71 : vector<16xi32>
      %scatter3A_377 = arith.constant 0 : i32
      %scatter3A_378 = tpu.memref_slice %arg12[%add3A_348, %scatter3A_377] : memref<128x128xf32, #tpu.memory_space<vmem>> -> memref<1x128xf32, #tpu.memory_space<vmem>>
      %scatter3A_379 = tpu.memref_squeeze %scatter3A_378 : memref<1x128xf32, #tpu.memory_space<vmem>> -> memref<128xf32, #tpu.memory_space<vmem>>
      tpu.vector_store_idx %scatter3A_379[%add3A_376], %unpack3A_367 : memref<128xf32, #tpu.memory_space<vmem>>[vector<16xi32>], vector<16xf32>,
      %get3A_380 = arith.index_cast %add3A_348 : i32 to index
      %get3A_381 = arith.constant 64 : index
      %get3A_382 = tpu.vector_load %arg10[%get3A_380, %get3A_381] {strides = array<i32>} : memref<128x128xbf16, #tpu.memory_space<vmem>>, vector<32xbf16>,
      %unpack3A_383 = tpu.unpack_subelements %get3A_382, 0 {pack_format = #tpu.pack_format<interleaved>} : vector<32xbf16> -> vector<16xf32>
      %unpack3A_384 = tpu.unpack_subelements %get3A_382, 1 {pack_format = #tpu.pack_format<interleaved>} : vector<32xbf16> -> vector<16xf32>
      %add3A_385 = arith.constant 64 : i32
      %add3A_386 = vector.broadcast %add3A_385 : i32 to vector<16xi32>
      %add3A_387 = arith.addi %add3A_386, %mul3A_71 : vector<16xi32>
      %scatter3A_388 = arith.constant 0 : i32
      %scatter3A_389 = tpu.memref_slice %arg12[%add3A_348, %scatter3A_388] : memref<128x128xf32, #tpu.memory_space<vmem>> -> memref<1x128xf32, #tpu.memory_space<vmem>>
      %scatter3A_390 = tpu.memref_squeeze %scatter3A_389 : memref<1x128xf32, #tpu.memory_space<vmem>> -> memref<128xf32, #tpu.memory_space<vmem>>
      tpu.vector_store_idx %scatter3A_390[%add3A_387], %unpack3A_383 : memref<128xf32, #tpu.memory_space<vmem>>[vector<16xi32>], vector<16xf32>,
      %add3A_391 = arith.constant 65 : i32
      %add3A_392 = vector.broadcast %add3A_391 : i32 to vector<16xi32>
      %add3A_393 = arith.addi %add3A_392, %mul3A_71 : vector<16xi32>
      %scatter3A_394 = arith.constant 0 : i32
      %scatter3A_395 = tpu.memref_slice %arg12[%add3A_348, %scatter3A_394] : memref<128x128xf32, #tpu.memory_space<vmem>> -> memref<1x128xf32, #tpu.memory_space<vmem>>
      %scatter3A_396 = tpu.memref_squeeze %scatter3A_395 : memref<1x128xf32, #tpu.memory_space<vmem>> -> memref<128xf32, #tpu.memory_space<vmem>>
      tpu.vector_store_idx %scatter3A_396[%add3A_393], %unpack3A_384 : memref<128xf32, #tpu.memory_space<vmem>>[vector<16xi32>], vector<16xf32>,
      %get3A_397 = arith.index_cast %add3A_348 : i32 to index
      %get3A_398 = arith.constant 96 : index
      %get3A_399 = tpu.vector_load %arg10[%get3A_397, %get3A_398] {strides = array<i32>} : memref<128x128xbf16, #tpu.memory_space<vmem>>, vector<32xbf16>,
      %unpack3A_400 = tpu.unpack_subelements %get3A_399, 0 {pack_format = #tpu.pack_format<interleaved>} : vector<32xbf16> -> vector<16xf32>
      %unpack3A_401 = tpu.unpack_subelements %get3A_399, 1 {pack_format = #tpu.pack_format<interleaved>} : vector<32xbf16> -> vector<16xf32>
      %add3A_402 = arith.constant 96 : i32
      %add3A_403 = vector.broadcast %add3A_402 : i32 to vector<16xi32>
      %add3A_404 = arith.addi %add3A_403, %mul3A_71 : vector<16xi32>
      %scatter3A_405 = arith.constant 0 : i32
      %scatter3A_406 = tpu.memref_slice %arg12[%add3A_348, %scatter3A_405] : memref<128x128xf32, #tpu.memory_space<vmem>> -> memref<1x128xf32, #tpu.memory_space<vmem>>
      %scatter3A_407 = tpu.memref_squeeze %scatter3A_406 : memref<1x128xf32, #tpu.memory_space<vmem>> -> memref<128xf32, #tpu.memory_space<vmem>>
      tpu.vector_store_idx %scatter3A_407[%add3A_404], %unpack3A_400 : memref<128xf32, #tpu.memory_space<vmem>>[vector<16xi32>], vector<16xf32>,
      %add3A_408 = arith.constant 97 : i32
      %add3A_409 = vector.broadcast %add3A_408 : i32 to vector<16xi32>
      %add3A_410 = arith.addi %add3A_409, %mul3A_71 : vector<16xi32>
      %scatter3A_411 = arith.constant 0 : i32
      %scatter3A_412 = tpu.memref_slice %arg12[%add3A_348, %scatter3A_411] : memref<128x128xf32, #tpu.memory_space<vmem>> -> memref<1x128xf32, #tpu.memory_space<vmem>>
      %scatter3A_413 = tpu.memref_squeeze %scatter3A_412 : memref<1x128xf32, #tpu.memory_space<vmem>> -> memref<128xf32, #tpu.memory_space<vmem>>
      tpu.vector_store_idx %scatter3A_413[%add3A_410], %unpack3A_401 : memref<128xf32, #tpu.memory_space<vmem>>[vector<16xi32>], vector<16xf32>,
    }
    %scan3A_288 = arith.constant 128 : i32
    %mul3A_289 = arith.constant 640 : i32
    %mul3A_290 = arith.muli %arg1, %mul3A_289 : i32
    %add3A_291 = arith.constant 512 : i32
    %add3A_292 = arith.addi %mul3A_290, %add3A_291 : i32
    %dma_start3A_293 = arith.constant 0 : i32
    %dma_start3A_294 = arith.constant 0 : i32
    %dma_start3A_295 = tpu.memref_slice %arg5[%arg0, %dma_start3A_293, %dma_start3A_294] : memref<2x10240x128xf32, #tpu.memory_space<hbm>> -> memref<1x10240x128xf32, #tpu.memory_space<hbm>>
    %dma_start3A_296 = tpu.memref_squeeze %dma_start3A_295 : memref<1x10240x128xf32, #tpu.memory_space<hbm>> -> memref<10240x128xf32, #tpu.memory_space<hbm>>
    %dma_start3A_297 = arith.constant 0 : i32
    %dma_start3A_298 = tpu.memref_slice %dma_start3A_296[%add3A_292, %dma_start3A_297] : memref<10240x128xf32, #tpu.memory_space<hbm>> -> memref<128x128xf32, #tpu.memory_space<hbm>>
    %dma_start3A_299 = arith.constant 0 : i32
    %dma_start3A_300 = arith.constant 0 : i32
    %dma_start3A_301 = tpu.memref_slice %arg5[%arg0, %dma_start3A_299, %dma_start3A_300] : memref<2x10240x128xf32, #tpu.memory_space<hbm>> -> memref<1x10240x128xf32, #tpu.memory_space<hbm>>
    %dma_start3A_302 = tpu.memref_squeeze %dma_start3A_301 : memref<1x10240x128xf32, #tpu.memory_space<hbm>> -> memref<10240x128xf32, #tpu.memory_space<hbm>>
    %dma_start3A_303 = arith.constant 0 : i32
    %dma_start3A_304 = tpu.memref_slice %dma_start3A_302[%add3A_292, %dma_start3A_303] : memref<10240x128xf32, #tpu.memory_space<hbm>> -> memref<128x128xf32, #tpu.memory_space<hbm>>
    tpu.enqueue_dma source(%arg12 : memref<128x128xf32, #tpu.memory_space<vmem>>) target(%dma_start3A_304 : memref<128x128xf32, #tpu.memory_space<hbm>>) target_semaphore(%arg16 : memref<!tpu.dma_semaphore, #tpu.memory_space<semaphore_mem>>)
    %mul3A_305 = arith.constant 640 : i32
    %mul3A_306 = arith.muli %arg1, %mul3A_305 : i32
    %add3A_307 = arith.constant 384 : i32
    %add3A_308 = arith.addi %mul3A_306, %add3A_307 : i32
    %dma_wait3A_309 = arith.constant 0 : i32
    %dma_wait3A_310 = arith.constant 0 : i32
    %dma_wait3A_311 = tpu.memref_slice %arg5[%arg0, %dma_wait3A_309, %dma_wait3A_310] : memref<2x10240x128xf32, #tpu.memory_space<hbm>> -> memref<1x10240x128xf32, #tpu.memory_space<hbm>>
    %dma_wait3A_312 = tpu.memref_squeeze %dma_wait3A_311 : memref<1x10240x128xf32, #tpu.memory_space<hbm>> -> memref<10240x128xf32, #tpu.memory_space<hbm>>
    %dma_wait3A_313 = arith.constant 0 : i32
    %dma_wait3A_314 = tpu.memref_slice %dma_wait3A_312[%add3A_308, %dma_wait3A_313] : memref<10240x128xf32, #tpu.memory_space<hbm>> -> memref<128x128xf32, #tpu.memory_space<hbm>>
    %dma_wait3A_315 = arith.constant 0 : i32
    %dma_wait3A_316 = arith.constant 0 : i32
    %dma_wait3A_317 = tpu.memref_slice %arg5[%arg0, %dma_wait3A_315, %dma_wait3A_316] : memref<2x10240x128xf32, #tpu.memory_space<hbm>> -> memref<1x10240x128xf32, #tpu.memory_space<hbm>>
    %dma_wait3A_318 = tpu.memref_squeeze %dma_wait3A_317 : memref<1x10240x128xf32, #tpu.memory_space<hbm>> -> memref<10240x128xf32, #tpu.memory_space<hbm>>
    %dma_wait3A_319 = arith.constant 0 : i32
    %dma_wait3A_320 = tpu.memref_slice %dma_wait3A_318[%add3A_308, %dma_wait3A_319] : memref<10240x128xf32, #tpu.memory_space<hbm>> -> memref<128x128xf32, #tpu.memory_space<hbm>>
    tpu.wait_dma2 semaphore(%arg16 : memref<!tpu.dma_semaphore, #tpu.memory_space<semaphore_mem>>) src(%arg12 : memref<128x128xf32, #tpu.memory_space<vmem>>) dst(%dma_wait3A_320 : memref<128x128xf32, #tpu.memory_space<hbm>>)
    %mul3A_321 = arith.constant 640 : i32
    %mul3A_322 = arith.muli %arg1, %mul3A_321 : i32
    %add3A_323 = arith.constant 512 : i32
    %add3A_324 = arith.addi %mul3A_322, %add3A_323 : i32
    %dma_wait3A_325 = arith.constant 0 : i32
    %dma_wait3A_326 = arith.constant 0 : i32
    %dma_wait3A_327 = tpu.memref_slice %arg5[%arg0, %dma_wait3A_325, %dma_wait3A_326] : memref<2x10240x128xf32, #tpu.memory_space<hbm>> -> memref<1x10240x128xf32, #tpu.memory_space<hbm>>
    %dma_wait3A_328 = tpu.memref_squeeze %dma_wait3A_327 : memref<1x10240x128xf32, #tpu.memory_space<hbm>> -> memref<10240x128xf32, #tpu.memory_space<hbm>>
    %dma_wait3A_329 = arith.constant 0 : i32
    %dma_wait3A_330 = tpu.memref_slice %dma_wait3A_328[%add3A_324, %dma_wait3A_329] : memref<10240x128xf32, #tpu.memory_space<hbm>> -> memref<128x128xf32, #tpu.memory_space<hbm>>
    %dma_wait3A_331 = arith.constant 0 : i32
    %dma_wait3A_332 = arith.constant 0 : i32
    %dma_wait3A_333 = tpu.memref_slice %arg5[%arg0, %dma_wait3A_331, %dma_wait3A_332] : memref<2x10240x128xf32, #tpu.memory_space<hbm>> -> memref<1x10240x128xf32, #tpu.memory_space<hbm>>
    %dma_wait3A_334 = tpu.memref_squeeze %dma_wait3A_333 : memref<1x10240x128xf32, #tpu.memory_space<hbm>> -> memref<10240x128xf32, #tpu.memory_space<hbm>>
    %dma_wait3A_335 = arith.constant 0 : i32
    %dma_wait3A_336 = tpu.memref_slice %dma_wait3A_334[%add3A_324, %dma_wait3A_335] : memref<10240x128xf32, #tpu.memory_space<hbm>> -> memref<128x128xf32, #tpu.memory_space<hbm>>
    tpu.wait_dma2 semaphore(%arg17 : memref<!tpu.dma_semaphore, #tpu.memory_space<semaphore_mem>>) src(%arg13 : memref<128x128xf32, #tpu.memory_space<vmem>>) dst(%dma_wait3A_336 : memref<128x128xf32, #tpu.memory_space<hbm>>)
    %mul3A_337 = arith.constant 640 : i32
    %mul3A_338 = arith.muli %arg1, %mul3A_337 : i32
    "tpu.region"() ({
      %run_scoped3A = tpu.sem_alloc : memref<!tpu.dma_semaphore, #tpu.memory_space<semaphore_mem>>
      %dma_start3A_344 = tpu.memref_slice %arg22[%mul3A_338] : memref<10240xf32, #tpu.memory_space<vmem_shared>> -> memref<640xf32, #tpu.memory_space<vmem_shared>>
      %dma_start3A_345 = tpu.memref_slice %arg22[%mul3A_338] : memref<10240xf32, #tpu.memory_space<vmem_shared>> -> memref<640xf32, #tpu.memory_space<vmem_shared>>
      tpu.enqueue_dma source(%dma_start3A_345 : memref<640xf32, #tpu.memory_space<vmem_shared>>) target(%arg24 : memref<640xf32, #tpu.memory_space<vmem>>) target_semaphore(%run_scoped3A : memref<!tpu.dma_semaphore, #tpu.memory_space<semaphore_mem>>)
      %dma_wait3A_346 = tpu.memref_slice %arg22[%mul3A_338] : memref<10240xf32, #tpu.memory_space<vmem_shared>> -> memref<640xf32, #tpu.memory_space<vmem_shared>>
      %dma_wait3A_347 = tpu.memref_slice %arg22[%mul3A_338] : memref<10240xf32, #tpu.memory_space<vmem_shared>> -> memref<640xf32, #tpu.memory_space<vmem_shared>>
      tpu.wait_dma2 semaphore(%run_scoped3A : memref<!tpu.dma_semaphore, #tpu.memory_space<semaphore_mem>>) src(%dma_wait3A_347 : memref<640xf32, #tpu.memory_space<vmem_shared>>) dst(%arg24 : memref<640xf32, #tpu.memory_space<vmem>>)
      tpu.yield
    }) : () -> ()
    %mul3A_339 = arith.constant 10240 : i32
    %mul3A_340 = arith.muli %arg0, %mul3A_339 : i32
    %mul3A_341 = arith.constant 640 : i32
    %mul3A_342 = arith.muli %arg1, %mul3A_341 : i32
    %add3A_343 = arith.addi %mul3A_340, %mul3A_342 : i32
    "tpu.region"() ({
      %run_scoped3A = tpu.sem_alloc : memref<!tpu.dma_semaphore, #tpu.memory_space<semaphore_mem>>
      %dma_start3A_344 = tpu.memref_slice %arg6[%add3A_343] : memref<20480xf32, #tpu.memory_space<hbm>> -> memref<640xf32, #tpu.memory_space<hbm>>
      %dma_start3A_345 = tpu.memref_slice %arg6[%add3A_343] : memref<20480xf32, #tpu.memory_space<hbm>> -> memref<640xf32, #tpu.memory_space<hbm>>
      tpu.enqueue_dma source(%arg24 : memref<640xf32, #tpu.memory_space<vmem>>) target(%dma_start3A_345 : memref<640xf32, #tpu.memory_space<hbm>>) target_semaphore(%run_scoped3A : memref<!tpu.dma_semaphore, #tpu.memory_space<semaphore_mem>>)
      %dma_wait3A_346 = tpu.memref_slice %arg6[%add3A_343] : memref<20480xf32, #tpu.memory_space<hbm>> -> memref<640xf32, #tpu.memory_space<hbm>>
      %dma_wait3A_347 = tpu.memref_slice %arg6[%add3A_343] : memref<20480xf32, #tpu.memory_space<hbm>> -> memref<640xf32, #tpu.memory_space<hbm>>
      tpu.wait_dma2 semaphore(%run_scoped3A : memref<!tpu.dma_semaphore, #tpu.memory_space<semaphore_mem>>) src(%arg24 : memref<640xf32, #tpu.memory_space<vmem>>) dst(%dma_wait3A_347 : memref<640xf32, #tpu.memory_space<hbm>>)
      tpu.yield
    }) : () -> ()
    return
  }
}

module attributes {stable_mosaic.version = 14 : i64} {
  func.func @_edge_prep_body(%arg0: i32, %arg1: memref<2x163840xi32, #tpu.memory_space<vmem>>, %arg2: memref<16x80x128xi32, #tpu.memory_space<vmem>>, %arg3: memref<16x80x128xi32, #tpu.memory_space<vmem>>) attributes {dimension_semantics = [#tpu.dimension_semantics<arbitrary>], iteration_bounds = array<i64: 2>, scalar_prefetch = 0 : i64, scratch_operands = 0 : i64, tpu.core_type = #tpu.core_type<tc>, window_params = [{transform_indices = @transform_0, window_bounds = array<i64: 2, 163840>}, {transform_indices = @transform_1, window_bounds = array<i64: 16, 80, 128>}, {transform_indices = @transform_2, window_bounds = array<i64: 16, 80, 128>}]} {
    %mul3A = arith.constant 163840 : i32
    %mul3A_0 = arith.muli %arg0, %mul3A : i32
    %iota3A = tpu.iota {dimensions = array<i32: 0>} : vector<16x80x128xi32>
    %mul3A_1 = arith.constant 10240 : i32
    %mul3A_2 = vector.broadcast %mul3A_1 : i32 to vector<16x80x128xi32>
    %mul3A_3 = arith.muli %iota3A, %mul3A_2 : vector<16x80x128xi32>
    %iota3A_4 = tpu.iota {dimensions = array<i32: 1>} : vector<16x80x128xi32>
    %mul3A_5 = arith.constant 128 : i32
    %mul3A_6 = vector.broadcast %mul3A_5 : i32 to vector<16x80x128xi32>
    %mul3A_7 = arith.muli %iota3A_4, %mul3A_6 : vector<16x80x128xi32>
    %add3A = arith.addi %mul3A_3, %mul3A_7 : vector<16x80x128xi32>
    %iota3A_8 = tpu.iota {dimensions = array<i32: 2>} : vector<16x80x128xi32>
    %add3A_9 = arith.addi %add3A, %iota3A_8 : vector<16x80x128xi32>
    %add3A_10 = vector.broadcast %mul3A_0 : i32 to vector<16x80x128xi32>
    %add3A_11 = arith.addi %add3A_10, %add3A_9 : vector<16x80x128xi32>
    %lt3A = arith.constant 320000 : i32
    %lt3A_12 = vector.broadcast %lt3A : i32 to vector<16x80x128xi32>
    %lt3A_13 = arith.cmpi slt, %add3A_11, %lt3A_12 : vector<16x80x128xi32>
    %get3A = arith.constant 0 : index
    %get3A_14 = arith.constant 0 : index
    %get3A_15 = vector.load %arg1[%get3A, %get3A_14] : memref<2x163840xi32, #tpu.memory_space<vmem>>, vector<1x163840xi32>
    %get3A_16 = vector.shape_cast %get3A_15 : vector<1x163840xi32> to vector<163840xi32>
    %reshape3A = vector.shape_cast %get3A_16 : vector<163840xi32> to vector<16x80x128xi32>
    %get3A_17 = arith.constant 1 : index
    %get3A_18 = arith.constant 0 : index
    %get3A_19 = vector.load %arg1[%get3A_17, %get3A_18] : memref<2x163840xi32, #tpu.memory_space<vmem>>, vector<1x163840xi32>
    %get3A_20 = vector.shape_cast %get3A_19 : vector<1x163840xi32> to vector<163840xi32>
    %reshape3A_21 = vector.shape_cast %get3A_20 : vector<163840xi32> to vector<16x80x128xi32>
    %jit3A = arith.constant 10000 : i32
    %eq3A = arith.constant 0 : i32
    %eq3A_22 = arith.cmpi eq, %jit3A, %eq3A : i32
    %jit3A_23 = arith.constant 1 : i32
    %select_n3A = arith.select %eq3A_22, %jit3A_23, %jit3A : i32
    %rem3A = vector.broadcast %select_n3A : i32 to vector<16x80x128xi32>
    %rem3A_24 = arith.remsi %add3A_11, %rem3A : vector<16x80x128xi32>
    %ne3A = arith.constant 0 : i32
    %ne3A_25 = vector.broadcast %ne3A : i32 to vector<16x80x128xi32>
    %ne3A_26 = arith.cmpi ne, %rem3A_24, %ne3A_25 : vector<16x80x128xi32>
    %lt3A_27 = arith.constant 0 : i32
    %lt3A_28 = vector.broadcast %lt3A_27 : i32 to vector<16x80x128xi32>
    %lt3A_29 = arith.cmpi slt, %rem3A_24, %lt3A_28 : vector<16x80x128xi32>
    %lt3A_30 = arith.constant 0 : i32
    %lt3A_31 = arith.cmpi slt, %select_n3A, %lt3A_30 : i32
    %ne3A_32 = vector.broadcast %lt3A_31 : i1 to vector<16x80x128xi1>
    %ne3A_33 = vector.broadcast %ne3A_32 : vector<16x80x128xi1> to vector<16x80x128xi1>
    %ne3A_34 = arith.xori %lt3A_29, %ne3A_33 : vector<16x80x128xi1>
    %and3A = arith.andi %ne3A_34, %ne3A_26 : vector<16x80x128xi1>
    %add3A_35 = vector.broadcast %select_n3A : i32 to vector<16x80x128xi32>
    %add3A_36 = arith.addi %rem3A_24, %add3A_35 : vector<16x80x128xi32>
    %select_n3A_37 = arith.select %and3A, %add3A_36, %rem3A_24 : vector<16x80x128xi1>, vector<16x80x128xi32>
    %select_n3A_38 = arith.select %lt3A_13, %reshape3A, %select_n3A_37 : vector<16x80x128xi1>, vector<16x80x128xi32>
    %swap3A = arith.constant 0 : index
    %swap3A_39 = arith.constant 0 : index
    %swap3A_40 = arith.constant 0 : index
    %swap3A_41 = vector.load %arg2[%swap3A, %swap3A_39, %swap3A_40] : memref<16x80x128xi32, #tpu.memory_space<vmem>>, vector<16x80x128xi32>
    tpu.vector_store %arg2[%swap3A, %swap3A_39, %swap3A_40], %select_n3A_38 {strides = array<i32>} : memref<16x80x128xi32, #tpu.memory_space<vmem>>, vector<16x80x128xi32>,
    %jit3A_42 = arith.constant 240 : i32
    %eq3A_43 = arith.constant 0 : i32
    %eq3A_44 = arith.cmpi eq, %jit3A_42, %eq3A_43 : i32
    %jit3A_45 = arith.constant 1 : i32
    %select_n3A_46 = arith.select %eq3A_44, %jit3A_45, %jit3A_42 : i32
    %rem3A_47 = vector.broadcast %select_n3A_46 : i32 to vector<16x80x128xi32>
    %rem3A_48 = arith.remsi %add3A_11, %rem3A_47 : vector<16x80x128xi32>
    %ne3A_49 = arith.constant 0 : i32
    %ne3A_50 = vector.broadcast %ne3A_49 : i32 to vector<16x80x128xi32>
    %ne3A_51 = arith.cmpi ne, %rem3A_48, %ne3A_50 : vector<16x80x128xi32>
    %lt3A_52 = arith.constant 0 : i32
    %lt3A_53 = vector.broadcast %lt3A_52 : i32 to vector<16x80x128xi32>
    %lt3A_54 = arith.cmpi slt, %rem3A_48, %lt3A_53 : vector<16x80x128xi32>
    %lt3A_55 = arith.constant 0 : i32
    %lt3A_56 = arith.cmpi slt, %select_n3A_46, %lt3A_55 : i32
    %ne3A_57 = vector.broadcast %lt3A_56 : i1 to vector<16x80x128xi1>
    %ne3A_58 = vector.broadcast %ne3A_57 : vector<16x80x128xi1> to vector<16x80x128xi1>
    %ne3A_59 = arith.xori %lt3A_54, %ne3A_58 : vector<16x80x128xi1>
    %and3A_60 = arith.andi %ne3A_59, %ne3A_51 : vector<16x80x128xi1>
    %add3A_61 = vector.broadcast %select_n3A_46 : i32 to vector<16x80x128xi32>
    %add3A_62 = arith.addi %rem3A_48, %add3A_61 : vector<16x80x128xi32>
    %select_n3A_63 = arith.select %and3A_60, %add3A_62, %rem3A_48 : vector<16x80x128xi1>, vector<16x80x128xi32>
    %add3A_64 = arith.constant 10000 : i32
    %add3A_65 = vector.broadcast %add3A_64 : i32 to vector<16x80x128xi32>
    %add3A_66 = arith.addi %add3A_65, %select_n3A_63 : vector<16x80x128xi32>
    %select_n3A_67 = arith.select %lt3A_13, %reshape3A_21, %add3A_66 : vector<16x80x128xi1>, vector<16x80x128xi32>
    %swap3A_68 = arith.constant 0 : index
    %swap3A_69 = arith.constant 0 : index
    %swap3A_70 = arith.constant 0 : index
    %swap3A_71 = vector.load %arg3[%swap3A_68, %swap3A_69, %swap3A_70] : memref<16x80x128xi32, #tpu.memory_space<vmem>>, vector<16x80x128xi32>
    tpu.vector_store %arg3[%swap3A_68, %swap3A_69, %swap3A_70], %select_n3A_67 {strides = array<i32>} : memref<16x80x128xi32, #tpu.memory_space<vmem>>, vector<16x80x128xi32>,
    return
  }
  func.func @transform_0(%arg0: i32) -> (i32, i32) {
    %c0_i32 = arith.constant 0 : i32
    %c0_i32_0 = arith.constant 0 : i32
    return %c0_i32, %arg0 : i32, i32
  }
  func.func @transform_1(%arg0: i32) -> (i32, i32, i32) {
    %c0_i32 = arith.constant 0 : i32
    %c0_i32_0 = arith.constant 0 : i32
    %c0_i32_1 = arith.constant 0 : i32
    return %arg0, %c0_i32, %c0_i32_0 : i32, i32, i32
  }
  func.func @transform_2(%arg0: i32) -> (i32, i32, i32) {
    %c0_i32 = arith.constant 0 : i32
    %c0_i32_0 = arith.constant 0 : i32
    %c0_i32_1 = arith.constant 0 : i32
    return %arg0, %c0_i32, %c0_i32_0 : i32, i32, i32
  }
}

module attributes {stable_mosaic.version = 14 : i64} {
  func.func @body(%arg0: i32, %arg1: memref<2x1024x128xf32, #tpu.memory_space<vmem>>, %arg2: memref<2x1024xf32, #tpu.memory_space<vmem>>, %arg3: memref<1024x128xbf16, #tpu.memory_space<vmem>>, %arg4: memref<128x128xf32, #tpu.memory_space<vmem>>, %arg5: memref<128x128xf32, #tpu.memory_space<vmem>>, %arg6: memref<1x128xf32, #tpu.memory_space<vmem>>, %arg7: memref<1024x128xbf16, #tpu.memory_space<vmem>>) attributes {dimension_semantics = [#tpu.dimension_semantics<arbitrary>], iteration_bounds = array<i64: 10>, scalar_prefetch = 0 : i64, scratch_operands = 0 : i64, tpu.core_type = #tpu.core_type<tc>, window_params = [{transform_indices = @transform_0, window_bounds = array<i64: 2, 1024, 128>}, {transform_indices = @transform_1, window_bounds = array<i64: 2, 1024>}, {transform_indices = @transform_2, window_bounds = array<i64: 1024, 128>}, {pipeline_mode = #tpu.pipeline_mode<synchronous>, transform_indices = @transform_3, window_bounds = array<i64: 128, 128>}, {pipeline_mode = #tpu.pipeline_mode<synchronous>, transform_indices = @transform_4, window_bounds = array<i64: 128, 128>}, {pipeline_mode = #tpu.pipeline_mode<synchronous>, transform_indices = @transform_5, window_bounds = array<i64: 1, 128>}, {transform_indices = @transform_6, window_bounds = array<i64: 1024, 128>}]} {
    %get3A = arith.constant 0 : index
    %get3A_0 = arith.constant 0 : index
    %get3A_1 = arith.constant 0 : index
    %get3A_2 = vector.load %arg1[%get3A, %get3A_0, %get3A_1] : memref<2x1024x128xf32, #tpu.memory_space<vmem>>, vector<1x1024x128xf32>
    %get3A_3 = vector.shape_cast %get3A_2 : vector<1x1024x128xf32> to vector<1024x128xf32>
    %get3A_4 = arith.constant 1 : index
    %get3A_5 = arith.constant 0 : index
    %get3A_6 = arith.constant 0 : index
    %get3A_7 = vector.load %arg1[%get3A_4, %get3A_5, %get3A_6] : memref<2x1024x128xf32, #tpu.memory_space<vmem>>, vector<1x1024x128xf32>
    %get3A_8 = vector.shape_cast %get3A_7 : vector<1x1024x128xf32> to vector<1024x128xf32>
    %add3A = arith.addf %get3A_3, %get3A_8 : vector<1024x128xf32>
    %get3A_9 = arith.constant 0 : index
    %get3A_10 = arith.constant 0 : index
    %get3A_11 = vector.load %arg2[%get3A_9, %get3A_10] : memref<2x1024xf32, #tpu.memory_space<vmem>>, vector<2x1024xf32>
    %reduce_sum3A = arith.constant dense<0.000000e+00> : vector<1024xf32>
    %reduce_sum3A_12 = vector.multi_reduction <add>, %get3A_11, %reduce_sum3A [0] : vector<2x1024xf32> to vector<1024xf32>
    %broadcast_in_dim3A = vector.shape_cast %reduce_sum3A_12 : vector<1024xf32> to vector<1024x1xf32>
    %max3A = arith.constant 1.000000e+00 : f32
    %max3A_13 = vector.broadcast %max3A : f32 to vector<1024x1xf32>
    %max3A_14 = arith.maximumf %broadcast_in_dim3A, %max3A_13 : vector<1024x1xf32>
    %div3A = arith.constant 1.000000e+00 : f32
    %div3A_15 = vector.broadcast %div3A : f32 to vector<1024x1xf32>
    %div3A_16 = arith.divf %div3A_15, %max3A_14 : vector<1024x1xf32>
    %mul3A = vector.broadcast %div3A_16 : vector<1024x1xf32> to vector<1024x128xf32>
    %mul3A_17 = arith.mulf %add3A, %mul3A : vector<1024x128xf32>
    %get3A_18 = arith.constant 0 : index
    %get3A_19 = arith.constant 0 : index
    %get3A_20 = vector.load %arg4[%get3A_18, %get3A_19] : memref<128x128xf32, #tpu.memory_space<vmem>>, vector<128x128xf32>
    %dot_general3A = arith.constant dense<0.000000e+00> : vector<1024x128xf32>
    %dot_general3A_21 = tpu.matmul %mul3A_17, %get3A_20, %dot_general3A {dimension_numbers = #tpu.dot_dimension_numbers<[1], [1], [0], [0], [0, 0, 1, 0], [], []>, transpose_lhs_hint = false} : vector<1024x128xf32>, vector<128x128xf32>, vector<1024x128xf32> -> vector<1024x128xf32>
    %get3A_22 = arith.constant 0 : index
    %get3A_23 = arith.constant 0 : index
    %get3A_24 = vector.load %arg3[%get3A_22, %get3A_23] : memref<1024x128xbf16, #tpu.memory_space<vmem>>, vector<1024x128xbf16>
    %convert_element_type3A = arith.extf %get3A_24 : vector<1024x128xbf16> to vector<1024x128xf32>
    %get3A_25 = arith.constant 0 : index
    %get3A_26 = arith.constant 0 : index
    %get3A_27 = vector.load %arg5[%get3A_25, %get3A_26] : memref<128x128xf32, #tpu.memory_space<vmem>>, vector<128x128xf32>
    %dot_general3A_28 = arith.constant dense<0.000000e+00> : vector<1024x128xf32>
    %dot_general3A_29 = tpu.matmul %convert_element_type3A, %get3A_27, %dot_general3A_28 {dimension_numbers = #tpu.dot_dimension_numbers<[1], [1], [0], [0], [0, 0, 1, 0], [], []>, transpose_lhs_hint = false} : vector<1024x128xf32>, vector<128x128xf32>, vector<1024x128xf32> -> vector<1024x128xf32>
    %add3A_30 = arith.addf %dot_general3A_21, %dot_general3A_29 : vector<1024x128xf32>
    %get3A_31 = arith.constant 0 : index
    %get3A_32 = arith.constant 0 : index
    %get3A_33 = vector.load %arg6[%get3A_31, %get3A_32] : memref<1x128xf32, #tpu.memory_space<vmem>>, vector<1x128xf32>
    %add3A_34 = vector.broadcast %get3A_33 : vector<1x128xf32> to vector<1024x128xf32>
    %add3A_35 = arith.addf %add3A_30, %add3A_34 : vector<1024x128xf32>
    %convert_element_type3A_36 = arith.truncf %add3A_35 : vector<1024x128xf32> to vector<1024x128xbf16>
    %swap3A = arith.constant 0 : index
    %swap3A_37 = arith.constant 0 : index
    %swap3A_38 = vector.load %arg7[%swap3A, %swap3A_37] : memref<1024x128xbf16, #tpu.memory_space<vmem>>, vector<1024x128xbf16>
    tpu.vector_store %arg7[%swap3A, %swap3A_37], %convert_element_type3A_36 {strides = array<i32>} : memref<1024x128xbf16, #tpu.memory_space<vmem>>, vector<1024x128xbf16>,
    return
  }
  func.func @transform_0(%arg0: i32) -> (i32, i32, i32) {
    %c0_i32 = arith.constant 0 : i32
    %c0_i32_0 = arith.constant 0 : i32
    %c0_i32_1 = arith.constant 0 : i32
    return %c0_i32, %arg0, %c0_i32_0 : i32, i32, i32
  }
  func.func @transform_1(%arg0: i32) -> (i32, i32) {
    %c0_i32 = arith.constant 0 : i32
    %c0_i32_0 = arith.constant 0 : i32
    return %c0_i32, %arg0 : i32, i32
  }
  func.func @transform_2(%arg0: i32) -> (i32, i32) {
    %c0_i32 = arith.constant 0 : i32
    %c0_i32_0 = arith.constant 0 : i32
    return %arg0, %c0_i32 : i32, i32
  }
  func.func @transform_3(%arg0: i32) -> (i32, i32) {
    %c0_i32 = arith.constant 0 : i32
    %c0_i32_0 = arith.constant 0 : i32
    %c0_i32_1 = arith.constant 0 : i32
    return %c0_i32, %c0_i32_0 : i32, i32
  }
  func.func @transform_4(%arg0: i32) -> (i32, i32) {
    %c0_i32 = arith.constant 0 : i32
    %c0_i32_0 = arith.constant 0 : i32
    %c0_i32_1 = arith.constant 0 : i32
    return %c0_i32, %c0_i32_0 : i32, i32
  }
  func.func @transform_5(%arg0: i32) -> (i32, i32) {
    %c0_i32 = arith.constant 0 : i32
    %c0_i32_0 = arith.constant 0 : i32
    %c0_i32_1 = arith.constant 0 : i32
    return %c0_i32, %c0_i32_0 : i32, i32
  }
  func.func @transform_6(%arg0: i32) -> (i32, i32) {
    %c0_i32 = arith.constant 0 : i32
    %c0_i32_0 = arith.constant 0 : i32
    return %arg0, %c0_i32 : i32, i32
  }
}

module attributes {stable_mosaic.version = 14 : i64} {
  func.func @body(%arg0: i32, %arg1: memref<2x1024x128xf32, #tpu.memory_space<vmem>>, %arg2: memref<2x1024xf32, #tpu.memory_space<vmem>>, %arg3: memref<1024x128xbf16, #tpu.memory_space<vmem>>, %arg4: memref<128x128xf32, #tpu.memory_space<vmem>>, %arg5: memref<128x128xf32, #tpu.memory_space<vmem>>, %arg6: memref<1x128xf32, #tpu.memory_space<vmem>>, %arg7: memref<1024x128xf32, #tpu.memory_space<vmem>>) attributes {dimension_semantics = [#tpu.dimension_semantics<arbitrary>], iteration_bounds = array<i64: 10>, scalar_prefetch = 0 : i64, scratch_operands = 0 : i64, tpu.core_type = #tpu.core_type<tc>, window_params = [{transform_indices = @transform_0, window_bounds = array<i64: 2, 1024, 128>}, {transform_indices = @transform_1, window_bounds = array<i64: 2, 1024>}, {transform_indices = @transform_2, window_bounds = array<i64: 1024, 128>}, {pipeline_mode = #tpu.pipeline_mode<synchronous>, transform_indices = @transform_3, window_bounds = array<i64: 128, 128>}, {pipeline_mode = #tpu.pipeline_mode<synchronous>, transform_indices = @transform_4, window_bounds = array<i64: 128, 128>}, {pipeline_mode = #tpu.pipeline_mode<synchronous>, transform_indices = @transform_5, window_bounds = array<i64: 1, 128>}, {transform_indices = @transform_6, window_bounds = array<i64: 1024, 128>}]} {
    %get3A = arith.constant 0 : index
    %get3A_0 = arith.constant 0 : index
    %get3A_1 = arith.constant 0 : index
    %get3A_2 = vector.load %arg1[%get3A, %get3A_0, %get3A_1] : memref<2x1024x128xf32, #tpu.memory_space<vmem>>, vector<1x1024x128xf32>
    %get3A_3 = vector.shape_cast %get3A_2 : vector<1x1024x128xf32> to vector<1024x128xf32>
    %get3A_4 = arith.constant 1 : index
    %get3A_5 = arith.constant 0 : index
    %get3A_6 = arith.constant 0 : index
    %get3A_7 = vector.load %arg1[%get3A_4, %get3A_5, %get3A_6] : memref<2x1024x128xf32, #tpu.memory_space<vmem>>, vector<1x1024x128xf32>
    %get3A_8 = vector.shape_cast %get3A_7 : vector<1x1024x128xf32> to vector<1024x128xf32>
    %add3A = arith.addf %get3A_3, %get3A_8 : vector<1024x128xf32>
    %get3A_9 = arith.constant 0 : index
    %get3A_10 = arith.constant 0 : index
    %get3A_11 = vector.load %arg2[%get3A_9, %get3A_10] : memref<2x1024xf32, #tpu.memory_space<vmem>>, vector<2x1024xf32>
    %reduce_sum3A = arith.constant dense<0.000000e+00> : vector<1024xf32>
    %reduce_sum3A_12 = vector.multi_reduction <add>, %get3A_11, %reduce_sum3A [0] : vector<2x1024xf32> to vector<1024xf32>
    %broadcast_in_dim3A = vector.shape_cast %reduce_sum3A_12 : vector<1024xf32> to vector<1024x1xf32>
    %max3A = arith.constant 1.000000e+00 : f32
    %max3A_13 = vector.broadcast %max3A : f32 to vector<1024x1xf32>
    %max3A_14 = arith.maximumf %broadcast_in_dim3A, %max3A_13 : vector<1024x1xf32>
    %div3A = arith.constant 1.000000e+00 : f32
    %div3A_15 = vector.broadcast %div3A : f32 to vector<1024x1xf32>
    %div3A_16 = arith.divf %div3A_15, %max3A_14 : vector<1024x1xf32>
    %mul3A = vector.broadcast %div3A_16 : vector<1024x1xf32> to vector<1024x128xf32>
    %mul3A_17 = arith.mulf %add3A, %mul3A : vector<1024x128xf32>
    %get3A_18 = arith.constant 0 : index
    %get3A_19 = arith.constant 0 : index
    %get3A_20 = vector.load %arg4[%get3A_18, %get3A_19] : memref<128x128xf32, #tpu.memory_space<vmem>>, vector<128x128xf32>
    %dot_general3A = arith.constant dense<0.000000e+00> : vector<1024x128xf32>
    %dot_general3A_21 = tpu.matmul %mul3A_17, %get3A_20, %dot_general3A {dimension_numbers = #tpu.dot_dimension_numbers<[1], [1], [0], [0], [0, 0, 1, 0], [], []>, transpose_lhs_hint = false} : vector<1024x128xf32>, vector<128x128xf32>, vector<1024x128xf32> -> vector<1024x128xf32>
    %get3A_22 = arith.constant 0 : index
    %get3A_23 = arith.constant 0 : index
    %get3A_24 = vector.load %arg3[%get3A_22, %get3A_23] : memref<1024x128xbf16, #tpu.memory_space<vmem>>, vector<1024x128xbf16>
    %convert_element_type3A = arith.extf %get3A_24 : vector<1024x128xbf16> to vector<1024x128xf32>
    %get3A_25 = arith.constant 0 : index
    %get3A_26 = arith.constant 0 : index
    %get3A_27 = vector.load %arg5[%get3A_25, %get3A_26] : memref<128x128xf32, #tpu.memory_space<vmem>>, vector<128x128xf32>
    %dot_general3A_28 = arith.constant dense<0.000000e+00> : vector<1024x128xf32>
    %dot_general3A_29 = tpu.matmul %convert_element_type3A, %get3A_27, %dot_general3A_28 {dimension_numbers = #tpu.dot_dimension_numbers<[1], [1], [0], [0], [0, 0, 1, 0], [], []>, transpose_lhs_hint = false} : vector<1024x128xf32>, vector<128x128xf32>, vector<1024x128xf32> -> vector<1024x128xf32>
    %add3A_30 = arith.addf %dot_general3A_21, %dot_general3A_29 : vector<1024x128xf32>
    %get3A_31 = arith.constant 0 : index
    %get3A_32 = arith.constant 0 : index
    %get3A_33 = vector.load %arg6[%get3A_31, %get3A_32] : memref<1x128xf32, #tpu.memory_space<vmem>>, vector<1x128xf32>
    %add3A_34 = vector.broadcast %get3A_33 : vector<1x128xf32> to vector<1024x128xf32>
    %add3A_35 = arith.addf %add3A_30, %add3A_34 : vector<1024x128xf32>
    %swap3A = arith.constant 0 : index
    %swap3A_36 = arith.constant 0 : index
    %swap3A_37 = vector.load %arg7[%swap3A, %swap3A_36] : memref<1024x128xf32, #tpu.memory_space<vmem>>, vector<1024x128xf32>
    tpu.vector_store %arg7[%swap3A, %swap3A_36], %add3A_35 {strides = array<i32>} : memref<1024x128xf32, #tpu.memory_space<vmem>>, vector<1024x128xf32>,
    return
  }
  func.func @transform_0(%arg0: i32) -> (i32, i32, i32) {
    %c0_i32 = arith.constant 0 : i32
    %c0_i32_0 = arith.constant 0 : i32
    %c0_i32_1 = arith.constant 0 : i32
    return %c0_i32, %arg0, %c0_i32_0 : i32, i32, i32
  }
  func.func @transform_1(%arg0: i32) -> (i32, i32) {
    %c0_i32 = arith.constant 0 : i32
    %c0_i32_0 = arith.constant 0 : i32
    return %c0_i32, %arg0 : i32, i32
  }
  func.func @transform_2(%arg0: i32) -> (i32, i32) {
    %c0_i32 = arith.constant 0 : i32
    %c0_i32_0 = arith.constant 0 : i32
    return %arg0, %c0_i32 : i32, i32
  }
  func.func @transform_3(%arg0: i32) -> (i32, i32) {
    %c0_i32 = arith.constant 0 : i32
    %c0_i32_0 = arith.constant 0 : i32
    %c0_i32_1 = arith.constant 0 : i32
    return %c0_i32, %c0_i32_0 : i32, i32
  }
  func.func @transform_4(%arg0: i32) -> (i32, i32) {
    %c0_i32 = arith.constant 0 : i32
    %c0_i32_0 = arith.constant 0 : i32
    %c0_i32_1 = arith.constant 0 : i32
    return %c0_i32, %c0_i32_0 : i32, i32
  }
  func.func @transform_5(%arg0: i32) -> (i32, i32) {
    %c0_i32 = arith.constant 0 : i32
    %c0_i32_0 = arith.constant 0 : i32
    %c0_i32_1 = arith.constant 0 : i32
    return %c0_i32, %c0_i32_0 : i32, i32
  }
  func.func @transform_6(%arg0: i32) -> (i32, i32) {
    %c0_i32 = arith.constant 0 : i32
    %c0_i32_0 = arith.constant 0 : i32
    return %arg0, %c0_i32 : i32, i32
  }
}

</mosaic_0001>

<sc_bundles>
// kernel: sc_agg.3.cloned.1.call-start
scs
__scs_entry_jumppad:
0x0: {  	(pc) =	sbr.rel $0x88, $3  }
0x1: {  	(tag) =	ssettag $0x0;
	lr =	simm.s32 $0x1  }
0x2: {  	[smem:$0x3F99] =	sst lr;
	_ =	strace $0xD0000000  }
0x3: {  	_ = 	snop  }
0x4: {  	_ = 	snop  }
0x5: {  	_ = 	snop  }
0x6: {  	_ = 	snop  }
0x7: {  	_ = 	snop  }
__scs_overlays_trampoline_lowered:
0x8: {  	[smem:$0x3FA8] =	sst s0  }
0x9: {  	[smem:$0x3FA9] =	sst s1  }
0xa: {  	[smem:$0x3FAA] =	sst s2  }
0xb: {  	[smem:$0x3FAB] =	sst s3  }
0xc: {  	[smem:$0x3FAC] =	sst s4  }
0xd: {  	[smem:$0x3FAD] =	sst s5  }
0xe: {  	[smem:$0x3FAE] =	sst s6  }
0xf: {  	[smem:$0x3FAF] =	sst s7  }
0x10: {  	[smem:$0x3FB0] =	sst s8  }
0x11: {  	[smem:$0x3FB1] =	sst s9;
	s0 =	simm.s32 @!p0 $0x0  }
0x12: {  	s1 =	sld [smem:$0x3F97];
	s0 =	simm.s32 @p0 $0x1  }
0x13: {  	[smem:$0x3FB2] =	sst s0;
	s0 =	simm.s32 @!p1 $0x0  }
0x14: {  	s2 =	sld [smem:$0x3F96];
	s0 =	simm.s32 @p1 $0x1  }
0x15: {  	[smem:$0x3FB3] =	sst s0;
	s0 =	simm.s32 @!p2 $0x0  }
0x16: {  	s3 =	sld [smem:$0x3FDB];
	s0 =	simm.s32 @p2 $0x1  }
0x17: {  	s4 =	simm.s32 $0x1BF5;
	[smem:$0x3FB5] =	sst s0  }
0x18: {  	s0 =	sld [smem:$0x3F98];
	_ =	swait.ge [sflag:s4], $0x0  }
0x19: {  	s7 =	sld [smem:$0x3F99]  }
0x1a: {  	s8 =	sadd.s32 $0xFFFFE003, lr  }
0x1b: {  	s9 =	sadd.s32 $0xFFFFFEF7, lr;
	s5 =	simm.s32 $0xFFFFFFFF;
	p2 =	slt.u32 s8, $0xFFFFF086  }
0x1c: {  	p1 =	slt.u32 s9, $0xF7A;
	s5 =	simm.s32 @!p2 $0x0  }
0x1d: {  	s5 =	simm.s32 @p1 $0x1;
	p0 =	seq.s32 s7, s2  }
0x1e: {  	s7 =	smul.u32 @!p0 $0xF7A, s2;
	p2 =	seq.s32 @!p0 s5, $0x0  }
0x1f: {  	s9 =	smul.u32 $0xF7A, s1;
	s8 =	simm.s32 @!p0 $0x1BF5;
	p2 =	por !p2, p0  }
0x20: {  	[sflag:s8] =	ssyncset.s32 @!p0 $0xFFFFF086;
	s6 =	sadd.s32 @!p0 s3, s7;
	s7 =	simm.s32 @!p0 $0x108  }
0x21: {  	s3 =	sadd.s32 s3, s9;
	s6 =	sadd.s32 @!p0 $0x88, s6;
	s7 =	simm.s32 @p2 $0x1082  }
0x22: {  	[simem:s7], [sflag:s8] =	dma.local @!p0 [hbm:s6], $0xF7A  }
0x23: {  	s9 =	sor.u32 $0xD0000000, s2;
	s6 =	simm.s32 $0x108;
	_ =	swait.ge @!p0 [sflag:s8], $0x0  }
0x24: {  	s3 =	sadd.s32 $0x88, s3;
	s6 =	simm.s32 @!p1 $0x1082;
	[sflag:s4] =	ssyncset.s32 $0xFFFFF086  }
0x25: {  	[simem:s6], [sflag:s4] =	dma.local [hbm:s3], $0xF7A  }
0x26: {  	[smem:$0x3F99] =	sst s1;
	(tag) =	ssettag s2;
	_ =	strace s9  }
0x27: {  	s1 =	sld [smem:$0x3FA9]  }
0x28: {  	s2 =	sld [smem:$0x3FAA]  }
0x29: {  	s4 =	sld [smem:$0x3FAC]  }
0x2a: {  	p0 =	seq.s32 s5, $0x0;
	s5 =	sld [smem:$0x3FAD]  }
0x2b: {  	s6 =	sld [smem:$0x3FAE]  }
0x2c: {  	s7 =	sld [smem:$0x3FAF]  }
0x2d: {  	s3 =	simm.s32 $0x108;
	s8 =	sld [smem:$0x3FB0]  }
0x2e: {  	s3 =	simm.s32 @!p0 $0x1082;
	s9 =	sld [smem:$0x3FB1]  }
0x2f: {  	lr =	sadd.s32 s0, s3;
	s0 =	sld [smem:$0x3FA8]  }
0x30: {  	s3 =	sld [smem:$0x3FAB]  }
0x31: {  	[smem:$0x3FB4] =	sst s10  }
0x32: {  	s10 =	sld [smem:$0x3FB2];
	_ =	sdelay $0x3  }
0x33: {  	p0 =	seq.s32 s10, $0x1;
	s10 =	sld [smem:$0x3FB4];
	_ =	sdelay $0x3  }
0x34: {  	[smem:$0x3FB4] =	sst s10  }
0x35: {  	s10 =	sld [smem:$0x3FB3];
	_ =	sdelay $0x3  }
0x36: {  	p1 =	seq.s32 s10, $0x1;
	s10 =	sld [smem:$0x3FB4];
	_ =	sdelay $0x3  }
0x37: {  	[smem:$0x3FB4] =	sst s10  }
0x38: {  	s10 =	sld [smem:$0x3FB5]  }
0x39: {  	_ = 	snop;
	(pc) =	sbr.ind lr, $3  }
0x3a: {  	_ = 	snop  }
0x3b: {  	_ = 	snop  }
0x3c: {  	p2 =	seq.s32 s10, $0x1;
	s10 =	sld [smem:$0x3FB4]  }
0x3d: {  	_ =	shalt  }
0x3e: {  	_ =	shalt  }
0x3f: {  	_ =	shalt  }
0x40: {  	_ =	shalt  }
0x41: {  	_ =	shalt  }
0x42: {  	_ =	shalt  }
0x43: {  	_ =	shalt  }
0x44: {  	_ =	shalt  }
0x45: {  	_ =	shalt  }
0x46: {  	_ =	shalt  }
0x47: {  	_ =	shalt  }
0x48: {  	_ =	shalt  }
0x49: {  	_ =	shalt  }
0x4a: {  	_ =	shalt  }
0x4b: {  	_ =	shalt  }
0x4c: {  	_ =	shalt  }
0x4d: {  	_ =	shalt  }
0x4e: {  	_ =	shalt  }
0x4f: {  	_ =	shalt  }
0x50: {  	_ =	shalt  }
0x51: {  	_ =	shalt  }
0x52: {  	_ =	shalt  }
0x53: {  	_ =	shalt  }
0x54: {  	_ =	shalt  }
0x55: {  	_ =	shalt  }
0x56: {  	_ =	shalt  }
0x57: {  	_ =	shalt  }
0x58: {  	_ =	shalt  }
0x59: {  	_ =	shalt  }
0x5a: {  	_ =	shalt  }
0x5b: {  	_ =	shalt  }
0x5c: {  	_ =	shalt  }
0x5d: {  	_ =	shalt  }
0x5e: {  	_ =	shalt  }
0x5f: {  	_ =	shalt  }
0x60: {  	_ =	shalt  }
0x61: {  	_ =	shalt  }
0x62: {  	_ =	shalt  }
0x63: {  	_ =	shalt  }
0x64: {  	_ =	shalt  }
0x65: {  	_ =	shalt  }
0x66: {  	_ =	shalt  }
0x67: {  	_ =	shalt  }
0x68: {  	_ =	shalt  }
0x69: {  	_ =	shalt  }
0x6a: {  	_ =	shalt  }
0x6b: {  	_ =	shalt  }
0x6c: {  	_ =	shalt  }
0x6d: {  	_ =	shalt  }
0x6e: {  	_ =	shalt  }
0x6f: {  	_ =	shalt  }
0x70: {  	_ =	shalt  }
0x71: {  	_ =	shalt  }
0x72: {  	_ =	shalt  }
0x73: {  	_ =	shalt  }
0x74: {  	_ =	shalt  }
0x75: {  	_ =	shalt  }
0x76: {  	_ =	shalt  }
0x77: {  	_ =	shalt  }
0x78: {  	_ =	shalt  }
0x79: {  	_ =	shalt  }
0x7a: {  	_ =	shalt  }
0x7b: {  	_ =	shalt  }
0x7c: {  	_ =	shalt  }
0x7d: {  	_ =	shalt  }
0x7e: {  	_ =	shalt  }
0x7f: {  	_ =	shalt  }
0x80: {  	_ =	shalt  }
0x81: {  	_ =	shalt  }
0x82: {  	_ =	shalt  }
0x83: {  	_ =	shalt  }
0x84: {  	_ =	shalt  }
0x85: {  	_ =	shalt  }
0x86: {  	_ =	shalt  }
0x87: {  	_ =	shalt  }
.Lfunc_end0:
.L_simem_size_0:
called_computation.1_lowered:
.L_overlay_start_0:
0x88: {  	s2 =	sld [smem:$0x3FD9]  }
0x89: {  	s3 =	sld [smem:$0x3FFE];
	_ =	sdelay $0x1  }
0x8a: {  	s1 =	srdreg.scid  }
0x8b: {  	s0 =	sand.u32 $0x1, s1  }
0x8c: {  	s17 =	sshll.u32 s0, $0xA;
	s2 =	sadd.s32 s3, s2  }
0x8d: {  	s2 =	sadd.s32 s2, s17  }
0x8e: {  	[smem:$0x3FC0] =	sst s2  }
0x8f: {  	_ = 	snop  }
0x90: {  	s2 =	sld [smem:$0x3FD0];
	(tm) =	ssettm $0x1  }
0x91: {  	s18 =	sld [smem:$0x3FFB];
	_ =	sdelay $0x3  }
0x92: {  	_ =	strace s18  }
0x93: {  	s3 =	sld [smem:$0x3FFC];
	_ =	sdelay $0x3  }
0x94: {  	_ =	strace s3  }
0x95: {  	s3 =	sld [smem:$0x3FFD];
	_ =	sdelay $0x3  }
0x96: {  	_ =	strace s3  }
0x97: {  	_ =	strace $0x8FFFFFFF  }
0x98: {  	s19 =	sld [smem:$0x3FDB];
	_ =	sdelay $0x1  }
0x99: {  	s4 =	simm.s32 $_scs_section_size  }
0x9a: {  	s5 =	simm.s32 $_size__tile_overlayer_lowered;
	s6 =	simm.s32 $_tile_overlayer_lowered  }
0x9b: {  	s22 =	simm.s32 $0x1BFF;
	s21 =	sshll.u32 s6, $0x1;
	s3 =	sadd.s32 s4, s19  }
0x9c: {  	s7 =	simm.s32 $0x0;
	s20 =	sshll.u32 s5, $0x1;
	s5 =	sadd.s32 s21, s3  }
0x9d: {  	[timem:s7], [sflag:s22] =	dma.local [hbm:s5], s20  }
0x9e: {  	_ =	swait.ge [sflag:s22], s20  }
0x9f: {  	s4 =	ssub.s32 $0x0, s20;
	[sflag:s22] =	ssyncset.done $0x0  }
0xa0: {  	[sflag:s22] =	ssyncadd.s32 s4;
	_ =	sdelay $0x1  }
0xa1: {  	s23 =	simm.s32 $0x1B8B  }
0xa2: {  	_ =	swait.ge [sflag:s23], $0x1  }
0xa3: {  	[sflag:s23] =	ssyncset.done $0x0  }
0xa4: {  	s25 =	simm.s32 $0x1B8E;
	s24 =	sld [smem:$0x3FFE];
	[sflag:s23] =	ssyncadd.s32 $0xFFFFFFFF  }
0xa5: {  	s26 =	simm.s32 $execute0_lowered;
	[smem:$0x3FD2] =	sst s25  }
0xa6: {  	s5 =	sshll.u32 s26, $0x1;
	_ =	strace $0x80000049;
	[dreg:$0x1] =	wrdreg $0xFFFFFFFF  }
0xa7: {  	s28 =	simm.s32 $_size_execute0_lowered;
	s3 =	sadd.s32 s3, s5;
	[dreg:$0x0] =	wrdreg $0x0  }
0xa8: {  	s5 =	sshll.u32 s28, $0x1;
	[dreg:$0x2] =	wrdreg s3  }
0xa9: {  	[dreg:$0x3] =	wrdreg s5  }
0xaa: {  	[dreg:$0x4] =	wrdreg $0xC0  }
0xab: {  	_ =	task [dreg:s7], $0x5FFFF  }
0xac: {  	[dreg:$0x1] =	wrdreg $0xFFFFFFFF  }
0xad: {  	[dreg:$0x0] =	wrdreg $0x60  }
0xae: {  	[dreg:$0x2] =	wrdreg s2  }
0xaf: {  	[dreg:$0x3] =	wrdreg s24  }
0xb0: {  	[dreg:$0x4] =	wrdreg $0x0  }
0xb1: {  	[dreg:$0x5] =	wrdreg $0x9  }
0xb2: {  	_ =	task.clear_ibuf [dreg:s7], $0x6FFFF;
	_ =	strace $0x90000049  }
0xb3: {  	s29 =	simm.s32 $0x9;
	_ =	strace $0x8000004B  }
0xb4: {  	_ =	swait.ge [sflag:s29], $0x1  }
0xb5: {  	[sflag:s29] =	ssyncadd.s32 $0xFFFFFFFF  }
0xb6: {  	_ =	strace $0x9000004B  }
0xb7: {  	_ =	sfence  }
0xb8: {  	s30 =	sld [smem:$0x0];
	_ =	sdelay $0x2  }
0xb9: {  	s31 =	sshll.u32 s1, $0xD;
	s1 =	sshrl.u32 s1, $0x2  }
0xba: {  	s3 =	sand.u32 $0x4000, s31;
	s1 =	sadd.s32 s1, s30  }
0xbb: {  	s0 =	sor.u32 s3, s0;
	s1 =	sshll.u32 s1, $0x11  }
0xbc: {  	s0 =	sor.u32 s1, s0  }
0xbd: {  	s0 =	sadd.s32 $0x8F2B, s0  }
0xbe: {  	[sflag:s0] =	ssyncadd.remote.s32 $0x1  }
0xbf: {  	_ =	sfence.sel $0xFFFF  }
0xc0: {  	[dreg:$0x0] =	wrdreg $0xFFFFFFFF;
	(pc) =	sbr.abs _section_cstart, $3  }
0xc1: {  	[dreg:$0x1] =	wrdreg $0xFFFFFFFF  }
0xc2: {  	_ =	task.clear_ibuf [dreg:s7], $0x2FFFF;
	_ =	strace $0x9FFFFFFF  }
0xc3: {  	(tm) =	ssettm $0x7FFFFFFF  }
tec
execute0_lowered:
.L_overlay_start_1:
0x0: {  	(tag) =	ssettag $0x1  }
0x1: {  	s0 =	srdreg.scid;
	s1 =	rddreg [dreg:$0x0]  }
0x2: {  	s2 =	rddreg [dreg:$0x1];
	s8 =	stileid.u32  }
0x3: {  	s3 =	rddreg [dreg:$0x2];
	s5 =	simm.s32 $0x0;
	s28 =	simm.s32 $0x80  }
0x4: {  	s29 =	simm.s32 $0xA080;
	s30 =	simm.s32 $0x11000;
	s31 =	simm.s32 $0x5  }
0x5: {  	s0 =	sand.u32 $0x1, s0;
	[smem:$0x7FF] =	sst s5;
	s6 =	smul.u32 $0x28000, s8  }
0x6: {  	s4 =	sshll.u32 s0, $0x4;
	s16 =	smul.u32 $0x28000, s0;
	_ =	strace $0x8000004A  }
0x7: {  	s0 =	ssub.s32 $0x2, s0;
	s4 =	sor.u32 s8, s4;
	s8 =	smul.u32 $0x14000, s8  }
0x8: {  	s7 =	sshrl.u32 s0, $0x1;
	s17 =	sshrl.u32 s6, $0x2;
	s4 =	smul.u32 $0x500, s4  }
0x9: {  	s0 =	ssub.s32 s0, s7;
	s5 =	sadd.s32 s17, s3;
	s7 =	simm.s32 $0x3  }
0xa: {  	s19 =	sadd.s32 $0x4000, s8;
	s20 =	sshrl.u32 s8, $0x1;
	s23 =	sadd.s32 $0x8000, s8  }
0xb: {  	s24 =	sshrl.u32 s8, $0x3;
	s25 =	sadd.s32 $0xC000, s8;
	s8 =	sadd.s32 $0x10000, s8  }
0xc: {  	s13 =	smax.u32 s0, $0x1;
	s14 =	sadd.s32 $0x2000, s5;
	s15 =	sadd.s32 $0x4000, s5  }
0xd: {  	s17 =	sadd.s32 $0x8000, s5;
	s0 =	simm.s32 $0x13000;
	s4 =	sadd.s32 s4, s2  }
0xe: {  	s2 =	sadd.s32 s16, s2;
	s21 =	sshrl.u32 s19, $0x1;
	s9 =	sshrl.u32 s23, $0x1  }
0xf: {  	s6 =	sshrl.u32 s19, $0x3;
	s10 =	sshrl.u32 s25, $0x1;
	s18 =	sadd.s32 $0x2C00, s4  }
0x10: {  	s11 =	sshrl.u32 s8, $0x1;
	s4 =	sadd.s32 $0xCC00, s4;
	[dreg:$0x4] =	wrdreg s18  }
0x11: {  	s8 =	sshrl.u32 s8, $0x3;
	s22 =	sadd.s32 s21, s3;
	[dreg:$0x5] =	wrdreg s4  }
0x12: {  	s16 =	sadd.s32 $0x6000, s5;
	s9 =	sadd.s32 s9, s3;
	[dreg:$0x7] =	wrdreg s22  }
0x13: {  	s19 =	simm.s32 $0x7;
	s10 =	sadd.s32 s10, s3;
	[dreg:$0x8] =	wrdreg s9  }
0x14: {  	v0 =	vlaneseq.u32;
	s2 =	sadd.s32 $0x16C00, s2;
	s26 =	sadd.s32 s11, s3;
	[dreg:$0x9] =	wrdreg s10  }
0x15: {  	v0 =	vmul.u32 $0x2, v0;
	s4 =	sadd.s32 s20, s3;
	[dreg:$0xa] =	wrdreg s26;
	s9 =	sshrl.u32 s25, $0x3  }
0x16: {  	s18 =	simm.s32 $0xF000;
	s20 =	sadd.s32 s24, s2;
	s21 =	sadd.s32 s6, s2  }
0x17: {  	v8 =	vor.u32 $0x61, v0;
	s24 =	sadd.s32 s8, s2;
	s25 =	simm.s32 $0xA000;
	s26 =	simm.s32 $0x1  }
0x18: {  	v1 =	vimm.bf16 $0.0e+00;
	s6 =	simm.s32 $0x17000;
	s8 =	simm.s32 $0x4;
	[dreg:$0x6] =	wrdreg s4  }
0x19: {  	v2 =	vor.u32 $0x1, v0;
	v3 =	vor.u32 $0x20, v0;
	v4 =	vor.u32 $0x21, v0;
	s4 =	sshrl.u32 s23, $0x3;
	s23 =	sadd.s32 s9, s2;
	s9 =	simm.s32 $0x0  }
0x1a: {  	v5 =	vor.u32 $0x40, v0;
	v6 =	vor.u32 $0x41, v0;
	v7 =	vor.u32 $0x60, v0;
	s22 =	sadd.s32 s4, s2;
	s2 =	simm.s32 $0x6;
	s4 =	simm.s32 $0x2  }
.LBB2_1:
0x1b: {  	s11 =	simm.s32 $0x100;
	s10 =	simm.s32 $0x0  }
.LBB2_2:
0x1c: {  	p0 =	sne.s32 s11, $0x7F00;
	[tilespmem:s10+$0xF030] =	vst v1;
	s12 =	smov.u32 s11;
	s11 =	sadd.s32 $0x100, s11  }
.Ltmp0:
0x1d: {  	[tilespmem:s10+$0xF020] =	vst v1;
	(pc) =	sbr.rel @p0 .LBB2_2-.Ltmp0, $3  }
0x1e: {  	[tilespmem:s10+$0xF000] =	vst v1  }
0x1f: {  	[tilespmem:s10+$0xF010] =	vst v1;
	_ =	sdelay $0x1  }
0x20: {  	s10 =	sshra.s32 s12, $0x2  }
0x21: {  	[tilespmem:s10+$0xF030] =	vst v1  }
0x22: {  	[tilespmem:s10+$0xF020] =	vst v1  }
0x23: {  	[tilespmem:s10+$0xF000] =	vst v1  }
0x24: {  	[tilespmem:s10+$0xF010] =	vst v1  }
0x25: {  	[spmem:s5] =	stream.linear.scatter [tilespmem:s18], [sflag:$0x7], $0x2000, $0x38;
	[tilespmem:$0x1B000] =	vst v63  }
0x26: {  	_ =	swait.ge [sflag:s19], $0x2000  }
0x27: {  	[sflag:s19] =	ssyncset.done $0x0  }
0x28: {  	[sflag:s19] =	ssyncadd.s32 $0xFFFFE000  }
0x29: {  	[spmem:s14] =	stream.linear.scatter [tilespmem:s18], [sflag:$0x7], $0x2000, $0x38;
	[tilespmem:$0x1B000] =	vst v63  }
0x2a: {  	_ =	swait.ge [sflag:s19], $0x2000  }
0x2b: {  	[sflag:s19] =	ssyncset.done $0x0  }
0x2c: {  	[sflag:s19] =	ssyncadd.s32 $0xFFFFE000  }
0x2d: {  	[spmem:s15] =	stream.linear.scatter [tilespmem:s18], [sflag:$0x7], $0x2000, $0x38;
	[tilespmem:$0x1B000] =	vst v63  }
0x2e: {  	_ =	swait.ge [sflag:s19], $0x2000  }
0x2f: {  	[sflag:s19] =	ssyncset.done $0x0  }
0x30: {  	[sflag:s19] =	ssyncadd.s32 $0xFFFFE000  }
0x31: {  	[spmem:s16] =	stream.linear.scatter [tilespmem:s18], [sflag:$0x7], $0x2000, $0x38;
	[tilespmem:$0x1B000] =	vst v63  }
0x32: {  	_ =	swait.ge [sflag:s19], $0x2000  }
0x33: {  	[sflag:s19] =	ssyncset.done $0x0  }
0x34: {  	[sflag:s19] =	ssyncadd.s32 $0xFFFFE000  }
0x35: {  	[spmem:s17] =	stream.linear.scatter [tilespmem:s18], [sflag:$0x7], $0x2000, $0x38;
	[tilespmem:$0x1B000] =	vst v63  }
0x36: {  	_ =	swait.ge [sflag:s19], $0x2000  }
0x37: {  	[sflag:s19] =	ssyncset.done $0x0  }
0x38: {  	s10 =	simm.s32 $0x0;
	s11 =	rddreg [dreg:$0x4];
	[sflag:s19] =	ssyncadd.s32 $0xFFFFE000  }
0x39: {  	[tilespmem:s25], [sflag:$0x7] =	stream.linear.gather [hbm4b:s11+s10], $0x2800, $0x38;
	[tilespmem:$0x1B000] =	vst v63  }
0x3a: {  	_ =	swait.ge [sflag:s19], $0x2800  }
0x3b: {  	[sflag:s19] =	ssyncset.done $0x0  }
0x3c: {  	s12 =	simm.s32 $0xC800;
	s11 =	rddreg [dreg:$0x5];
	[sflag:s19] =	ssyncadd.s32 $0xFFFFD800  }
0x3d: {  	[tilespmem:s12], [sflag:$0x7] =	stream.linear.gather [hbm4b:s11+s10], $0x2800, $0x38;
	[tilespmem:$0x1B000] =	vst v63  }
0x3e: {  	_ =	swait.ge [sflag:s19], $0x2800  }
0x3f: {  	[sflag:s19] =	ssyncset.done $0x0  }
0x40: {  	[sflag:s19] =	ssyncadd.s32 $0xFFFFD800  }
0x41: {  	[bflag:$0x0] =	sbarrier.arrive $0xFFFF  }
0x42: {  	[tilespmem:s18], [sflag:$0x5] =	stream.indirect.gather [hbm4b:s1+s28], $0x40, s25, s28, $0xb8;
	[tilespmem:$0x1B000] =	vst v63  }
0x43: {  	_ = 	snop  }
0x44: {  	[tilespmem:s30], [sflag:$0x6] =	stream.indirect.gather [hbm4b:s1+s28], $0x40, s29, s28, $0xb8;
	[tilespmem:$0x1B000] =	vst v63  }
0x45: {  	_ =	swait.ge [sflag:s31], $0x2000  }
0x46: {  	[sflag:s31] =	ssyncset.done $0x0  }
0x47: {  	s12 =	simm.s32 $0xC800;
	[sflag:s31] =	ssyncadd.s32 $0xFFFFE000  }
0x48: {  	[spmem:s3] =	stream.indirect.scatter.add.bf16 [tilespmem:s18], [sflag:$0x7], $0x40, s12, s28, $0xb8;
	[tilespmem:$0x1B000] =	vst v63  }
0x49: {  	_ =	swait.ge [sflag:s19], $0x2000  }
0x4a: {  	[sflag:s19] =	ssyncset.done $0x0  }
0x4b: {  	s11 =	simm.s32 $0xA100;
	[sflag:s19] =	ssyncadd.s32 $0xFFFFE000  }
0x4c: {  	[tilespmem:s18], [sflag:$0x5] =	stream.indirect.gather [hbm4b:s1+s28], $0x40, s11, s28, $0xb8;
	[tilespmem:$0x1B000] =	vst v63  }
0x4d: {  	_ =	swait.ge [sflag:s2], $0x2000  }
0x4e: {  	[sflag:s2] =	ssyncset.done $0x0  }
0x4f: {  	s12 =	simm.s32 $0xC880;
	[sflag:s2] =	ssyncadd.s32 $0xFFFFE000  }
0x50: {  	[spmem:s3] =	stream.indirect.scatter.add.bf16 [tilespmem:s30], [sflag:$0x7], $0x40, s12, s28, $0xb8;
	[tilespmem:$0x1B000] =	vst v63  }
0x51: {  	_ =	swait.ge [sflag:s19], $0x2000  }
0x52: {  	[sflag:s19] =	ssyncset.done $0x0  }
0x53: {  	s10 =	simm.s32 $0x400;
	s11 =	simm.s32 $0xA180;
	[sflag:s19] =	ssyncadd.s32 $0xFFFFE000  }
.LBB2_4:
0x54: {  	[tilespmem:s30], [sflag:$0x6] =	stream.indirect.gather [hbm4b:s1+s28], $0x40, s11, s28, $0xb8;
	[tilespmem:$0x1B000] =	vst v63  }
0x55: {  	s11 =	smov.u32 s10  }
0x56: {  	p0 =	sne.s32 s10, $0x9800;
	s10 =	sadd.s32 $0x400, s10;
	_ =	swait.ge [sflag:s31], $0x2000  }
0x57: {  	s11 =	sshra.s32 s11, $0x2;
	[sflag:s31] =	ssyncset.done $0x0  }
0x58: {  	s12 =	sadd.s32 $0xC800, s11;
	[sflag:s31] =	ssyncadd.s32 $0xFFFFE000  }
0x59: {  	[spmem:s3] =	stream.indirect.scatter.add.bf16 [tilespmem:s18], [sflag:$0x7], $0x40, s12, s28, $0xb8;
	[tilespmem:$0x1B000] =	vst v63  }
0x5a: {  	_ =	swait.ge [sflag:s19], $0x2000  }
0x5b: {  	[sflag:s19] =	ssyncset.done $0x0  }
0x5c: {  	s12 =	sadd.s32 $0xA100, s11;
	[sflag:s19] =	ssyncadd.s32 $0xFFFFE000  }
0x5d: {  	[tilespmem:s18], [sflag:$0x5] =	stream.indirect.gather [hbm4b:s1+s28], $0x40, s12, s28, $0xb8;
	[tilespmem:$0x1B000] =	vst v63  }
0x5e: {  	_ =	swait.ge [sflag:s2], $0x2000  }
0x5f: {  	[sflag:s2] =	ssyncset.done $0x0  }
.Ltmp1:
0x60: {  	s12 =	sadd.s32 $0xC880, s11;
	[sflag:s2] =	ssyncadd.s32 $0xFFFFE000;
	(pc) =	sbr.rel @p0 .LBB2_4-.Ltmp1, $4  }
0x61: {  	[spmem:s3] =	stream.indirect.scatter.add.bf16 [tilespmem:s30], [sflag:$0x7], $0x40, s12, s28, $0xb8;
	[tilespmem:$0x1B000] =	vst v63  }
0x62: {  	_ =	swait.ge [sflag:s19], $0x2000  }
0x63: {  	[sflag:s19] =	ssyncset.done $0x0  }
0x64: {  	s11 =	sadd.s32 $0xA180, s11;
	[sflag:s19] =	ssyncadd.s32 $0xFFFFE000  }
0x65: {  	[tilespmem:s30], [sflag:$0x6] =	stream.indirect.gather [hbm4b:s1+s28], $0x40, s11, s28, $0xb8;
	[tilespmem:$0x1B000] =	vst v63  }
0x66: {  	_ =	swait.ge [sflag:s31], $0x2000  }
0x67: {  	[sflag:s31] =	ssyncset.done $0x0  }
0x68: {  	s10 =	simm.s32 $0xEF00;
	[sflag:s31] =	ssyncadd.s32 $0xFFFFE000  }
0x69: {  	[spmem:s3] =	stream.indirect.scatter.add.bf16 [tilespmem:s18], [sflag:$0x7], $0x40, s10, s28, $0xb8;
	[tilespmem:$0x1B000] =	vst v63  }
0x6a: {  	_ =	swait.ge [sflag:s19], $0x2000  }
0x6b: {  	[sflag:s19] =	ssyncset.done $0x0  }
0x6c: {  	[sflag:s19] =	ssyncadd.s32 $0xFFFFE000  }
0x6d: {  	[tilespmem:s18], [sflag:$0x5] =	stream.indirect.gather [hbm4b:s1+s28], $0x40, s25, s28, $0xb8;
	[tilespmem:$0x1B000] =	vst v63  }
0x6e: {  	_ =	swait.ge [sflag:s2], $0x2000  }
0x6f: {  	[sflag:s2] =	ssyncset.done $0x0  }
0x70: {  	s12 =	simm.s32 $0xEF80;
	[sflag:s2] =	ssyncadd.s32 $0xFFFFE000  }
0x71: {  	[spmem:s3] =	stream.indirect.scatter.add.bf16 [tilespmem:s30], [sflag:$0x7], $0x40, s12, s28, $0xb8;
	[tilespmem:$0x1B000] =	vst v63  }
0x72: {  	_ =	swait.ge [sflag:s19], $0x2000  }
0x73: {  	[sflag:s19] =	ssyncset.done $0x0  }
0x74: {  	[sflag:s19] =	ssyncadd.s32 $0xFFFFE000  }
0x75: {  	[tilespmem:s30], [sflag:$0x6] =	stream.indirect.gather [hbm4b:s1+s28], $0x40, s29, s28, $0xb8;
	[tilespmem:$0x1B000] =	vst v63  }
0x76: {  	_ =	swait.ge [sflag:s31], $0x2000  }
0x77: {  	[sflag:s31] =	ssyncset.done $0x0  }
0x78: {  	[sflag:s31] =	ssyncadd.s32 $0xFFFFE000  }
0x79: {  	_ =	swait.ge [sflag:s2], $0x2000  }
0x7a: {  	[sflag:s2] =	ssyncset.done $0x0  }
0x7b: {  	[sflag:s2] =	ssyncadd.s32 $0xFFFFE000  }
0x7c: {  	[bflag:$0x0] =	sbarrier.arrive $0xFFFF  }
0x7d: {  	s11 =	rddreg [dreg:$0x6]  }
0x7e: {  	[tilespmem:s18], [sflag:$0x1] =	stream.linear.gather [spmem:s11], $0x2000, $0x38;
	[tilespmem:$0x1B000] =	vst v63  }
0x7f: {  	_ =	swait.ge [sflag:s26], $0x2000  }
0x80: {  	[sflag:s26] =	ssyncset.done $0x0  }
0x81: {  	s10 =	simm.s32 $0xF020;
	s12 =	rddreg [dreg:$0x7];
	[sflag:s26] =	ssyncadd.s32 $0xFFFFE000  }
0x82: {  	[tilespmem:s30], [sflag:$0x2] =	stream.linear.gather [spmem:s12], $0x2000, $0x38;
	[tilespmem:$0x1B000] =	vst v63  }
0x83: {  	v9 =	vld [tilespmem:s10+$0xFFFFFFE0];
	_ =	sdelay $0x4  }
0x84: {  	s11 =	simm.s32 $0x0;
	v10 =	vunpack.i.l.bf16.f32 v9  }
0x85: {  	v9 =	vunpack.i.u.bf16.f32 v9;
	[tilespmem:v0+s11+$0x13000] =	vst.idx.msk $0xffff, v10  }
0x86: {  	[tilespmem:v2+s11+$0x13000] =	vst.idx.msk $0xffff, v9  }
0x87: {  	v9 =	vld [tilespmem:s10+$0xFFFFFFF0];
	_ =	sdelay $0x4  }
0x88: {  	v10 =	vunpack.i.l.bf16.f32 v9  }
0x89: {  	v9 =	vunpack.i.u.bf16.f32 v9;
	[tilespmem:v3+s11+$0x13000] =	vst.idx.msk $0xffff, v10  }
0x8a: {  	[tilespmem:v4+s11+$0x13000] =	vst.idx.msk $0xffff, v9  }
0x8b: {  	v9 =	vld [tilespmem:s10+$0x0];
	_ =	sdelay $0x4  }
0x8c: {  	v10 =	vunpack.i.l.bf16.f32 v9  }
0x8d: {  	v9 =	vunpack.i.u.bf16.f32 v9;
	[tilespmem:v5+s11+$0x13000] =	vst.idx.msk $0xffff, v10  }
0x8e: {  	[tilespmem:v6+s11+$0x13000] =	vst.idx.msk $0xffff, v9  }
0x8f: {  	v9 =	vld [tilespmem:s10+$0x10];
	_ =	sdelay $0x4  }
0x90: {  	v10 =	vunpack.i.l.bf16.f32 v9  }
0x91: {  	s12 =	simm.s32 $0x200;
	v9 =	vunpack.i.u.bf16.f32 v9;
	[tilespmem:v7+s11+$0x13000] =	vst.idx.msk $0xffff, v10  }
.LBB2_6:
0x92: {  	p0 =	sne.s32 s12, $0xFE00  }
0x93: {  	[tilespmem:v8+s11+$0x13000] =	vst.idx.msk $0xffff, v9;
	s10 =	sadd.s32 $0x40, s10;
	s11 =	smov.u32 s12;
	s12 =	sadd.s32 $0x200, s12  }
0x94: {  	v9 =	vld [tilespmem:s10+$0xFFFFFFE0];
	_ =	sdelay $0x4  }
0x95: {  	s11 =	sshra.s32 s11, $0x2;
	v10 =	vunpack.i.l.bf16.f32 v9  }
0x96: {  	v9 =	vunpack.i.u.bf16.f32 v9;
	[tilespmem:v0+s11+$0x13000] =	vst.idx.msk $0xffff, v10  }
0x97: {  	[tilespmem:v2+s11+$0x13000] =	vst.idx.msk $0xffff, v9  }
0x98: {  	v9 =	vld [tilespmem:s10+$0xFFFFFFF0];
	_ =	sdelay $0x4  }
0x99: {  	v10 =	vunpack.i.l.bf16.f32 v9  }
0x9a: {  	v9 =	vunpack.i.u.bf16.f32 v9;
	[tilespmem:v3+s11+$0x13000] =	vst.idx.msk $0xffff, v10  }
0x9b: {  	[tilespmem:v4+s11+$0x13000] =	vst.idx.msk $0xffff, v9  }
0x9c: {  	v9 =	vld [tilespmem:s10+$0x0];
	_ =	sdelay $0x4  }
0x9d: {  	v10 =	vunpack.i.l.bf16.f32 v9  }
0x9e: {  	v9 =	vunpack.i.u.bf16.f32 v9;
	[tilespmem:v5+s11+$0x13000] =	vst.idx.msk $0xffff, v10  }
0x9f: {  	[tilespmem:v6+s11+$0x13000] =	vst.idx.msk $0xffff, v9  }
0xa0: {  	v9 =	vld [tilespmem:s10+$0x10];
	_ =	sdelay $0x1  }
.Ltmp2:
0xa1: {  	(pc) =	sbr.rel @p0 .LBB2_6-.Ltmp2, $3  }
0xa2: {  	_ =	sdelay $0x1  }
0xa3: {  	v10 =	vunpack.i.l.bf16.f32 v9  }
0xa4: {  	v9 =	vunpack.i.u.bf16.f32 v9;
	[tilespmem:v7+s11+$0x13000] =	vst.idx.msk $0xffff, v10  }
0xa5: {  	_ =	sdelay $0x3  }
0xa6: {  	[tilespmem:v8+s11+$0x13000] =	vst.idx.msk $0xffff, v9;
	s10 =	simm.s32 $0x0  }
0xa7: {  	[hbm4b:s20+s10] =	stream.linear.scatter [tilespmem:s0], [sflag:$0x3], $0x4000, $0x38;
	[tilespmem:$0x1B000] =	vst v63  }
0xa8: {  	_ =	swait.ge [sflag:s4], $0x2000  }
0xa9: {  	[sflag:s4] =	ssyncset.done $0x0  }
0xaa: {  	s10 =	simm.s32 $0x11020;
	s12 =	rddreg [dreg:$0x8];
	[sflag:s4] =	ssyncadd.s32 $0xFFFFE000  }
0xab: {  	[tilespmem:s18], [sflag:$0x1] =	stream.linear.gather [spmem:s12], $0x2000, $0x38;
	[tilespmem:$0x1B000] =	vst v63  }
0xac: {  	v9 =	vld [tilespmem:s10+$0xFFFFFFE0];
	_ =	sdelay $0x4  }
0xad: {  	s11 =	simm.s32 $0x0;
	v10 =	vunpack.i.l.bf16.f32 v9  }
0xae: {  	v9 =	vunpack.i.u.bf16.f32 v9;
	[tilespmem:v0+s11+$0x17000] =	vst.idx.msk $0xffff, v10  }
0xaf: {  	[tilespmem:v2+s11+$0x17000] =	vst.idx.msk $0xffff, v9  }
0xb0: {  	v9 =	vld [tilespmem:s10+$0xFFFFFFF0];
	_ =	sdelay $0x4  }
0xb1: {  	v10 =	vunpack.i.l.bf16.f32 v9  }
0xb2: {  	v9 =	vunpack.i.u.bf16.f32 v9;
	[tilespmem:v3+s11+$0x17000] =	vst.idx.msk $0xffff, v10  }
0xb3: {  	[tilespmem:v4+s11+$0x17000] =	vst.idx.msk $0xffff, v9  }
0xb4: {  	v9 =	vld [tilespmem:s10+$0x0];
	_ =	sdelay $0x4  }
0xb5: {  	v10 =	vunpack.i.l.bf16.f32 v9  }
0xb6: {  	v9 =	vunpack.i.u.bf16.f32 v9;
	[tilespmem:v5+s11+$0x17000] =	vst.idx.msk $0xffff, v10  }
0xb7: {  	[tilespmem:v6+s11+$0x17000] =	vst.idx.msk $0xffff, v9  }
0xb8: {  	v9 =	vld [tilespmem:s10+$0x10];
	_ =	sdelay $0x4  }
0xb9: {  	v10 =	vunpack.i.l.bf16.f32 v9  }
0xba: {  	s12 =	simm.s32 $0x200;
	v9 =	vunpack.i.u.bf16.f32 v9;
	[tilespmem:v7+s11+$0x17000] =	vst.idx.msk $0xffff, v10  }
.LBB2_8:
0xbb: {  	p0 =	sne.s32 s12, $0xFE00  }
0xbc: {  	[tilespmem:v8+s11+$0x17000] =	vst.idx.msk $0xffff, v9;
	s10 =	sadd.s32 $0x40, s10;
	s11 =	smov.u32 s12;
	s12 =	sadd.s32 $0x200, s12  }
0xbd: {  	v9 =	vld [tilespmem:s10+$0xFFFFFFE0];
	_ =	sdelay $0x4  }
0xbe: {  	s11 =	sshra.s32 s11, $0x2;
	v10 =	vunpack.i.l.bf16.f32 v9  }
0xbf: {  	v9 =	vunpack.i.u.bf16.f32 v9;
	[tilespmem:v0+s11+$0x17000] =	vst.idx.msk $0xffff, v10  }
0xc0: {  	[tilespmem:v2+s11+$0x17000] =	vst.idx.msk $0xffff, v9  }
0xc1: {  	v9 =	vld [tilespmem:s10+$0xFFFFFFF0];
	_ =	sdelay $0x4  }
0xc2: {  	v10 =	vunpack.i.l.bf16.f32 v9  }
0xc3: {  	v9 =	vunpack.i.u.bf16.f32 v9;
	[tilespmem:v3+s11+$0x17000] =	vst.idx.msk $0xffff, v10  }
0xc4: {  	[tilespmem:v4+s11+$0x17000] =	vst.idx.msk $0xffff, v9  }
0xc5: {  	v9 =	vld [tilespmem:s10+$0x0];
	_ =	sdelay $0x4  }
0xc6: {  	v10 =	vunpack.i.l.bf16.f32 v9  }
0xc7: {  	v9 =	vunpack.i.u.bf16.f32 v9;
	[tilespmem:v5+s11+$0x17000] =	vst.idx.msk $0xffff, v10  }
0xc8: {  	[tilespmem:v6+s11+$0x17000] =	vst.idx.msk $0xffff, v9  }
0xc9: {  	v9 =	vld [tilespmem:s10+$0x10];
	_ =	sdelay $0x1  }
.Ltmp3:
0xca: {  	(pc) =	sbr.rel @p0 .LBB2_8-.Ltmp3, $3  }
0xcb: {  	_ =	sdelay $0x1  }
0xcc: {  	v10 =	vunpack.i.l.bf16.f32 v9  }
0xcd: {  	v9 =	vunpack.i.u.bf16.f32 v9;
	[tilespmem:v7+s11+$0x17000] =	vst.idx.msk $0xffff, v10  }
0xce: {  	_ =	sdelay $0x3  }
0xcf: {  	[tilespmem:v8+s11+$0x17000] =	vst.idx.msk $0xffff, v9;
	s10 =	simm.s32 $0x0  }
0xd0: {  	[hbm4b:s21+s10] =	stream.linear.scatter [tilespmem:s6], [sflag:$0x4], $0x4000, $0x38;
	[tilespmem:$0x1B000] =	vst v63  }
0xd1: {  	_ =	swait.ge [sflag:s26], $0x2000  }
0xd2: {  	[sflag:s26] =	ssyncset.done $0x0  }
0xd3: {  	s12 =	rddreg [dreg:$0x9];
	[sflag:s26] =	ssyncadd.s32 $0xFFFFE000  }
0xd4: {  	[tilespmem:s30], [sflag:$0x2] =	stream.linear.gather [spmem:s12], $0x2000, $0x38;
	[tilespmem:$0x1B000] =	vst v63  }
0xd5: {  	_ =	swait.ge [sflag:s7], $0x4000  }
0xd6: {  	[sflag:s7] =	ssyncset.done $0x0  }
0xd7: {  	s10 =	simm.s32 $0xF020;
	[sflag:s7] =	ssyncadd.s32 $0xFFFFC000  }
0xd8: {  	v9 =	vld [tilespmem:s10+$0xFFFFFFE0];
	_ =	sdelay $0x4  }
0xd9: {  	s11 =	simm.s32 $0x0;
	v10 =	vunpack.i.l.bf16.f32 v9  }
0xda: {  	v9 =	vunpack.i.u.bf16.f32 v9;
	[tilespmem:v0+s11+$0x13000] =	vst.idx.msk $0xffff, v10  }
0xdb: {  	[tilespmem:v2+s11+$0x13000] =	vst.idx.msk $0xffff, v9  }
0xdc: {  	v9 =	vld [tilespmem:s10+$0xFFFFFFF0];
	_ =	sdelay $0x4  }
0xdd: {  	v10 =	vunpack.i.l.bf16.f32 v9  }
0xde: {  	v9 =	vunpack.i.u.bf16.f32 v9;
	[tilespmem:v3+s11+$0x13000] =	vst.idx.msk $0xffff, v10  }
0xdf: {  	[tilespmem:v4+s11+$0x13000] =	vst.idx.msk $0xffff, v9  }
0xe0: {  	v9 =	vld [tilespmem:s10+$0x0];
	_ =	sdelay $0x4  }
0xe1: {  	v10 =	vunpack.i.l.bf16.f32 v9  }
0xe2: {  	v9 =	vunpack.i.u.bf16.f32 v9;
	[tilespmem:v5+s11+$0x13000] =	vst.idx.msk $0xffff, v10  }
0xe3: {  	[tilespmem:v6+s11+$0x13000] =	vst.idx.msk $0xffff, v9  }
0xe4: {  	v9 =	vld [tilespmem:s10+$0x10];
	_ =	sdelay $0x4  }
0xe5: {  	v10 =	vunpack.i.l.bf16.f32 v9  }
0xe6: {  	s12 =	simm.s32 $0x200;
	v9 =	vunpack.i.u.bf16.f32 v9;
	[tilespmem:v7+s11+$0x13000] =	vst.idx.msk $0xffff, v10  }
.LBB2_10:
0xe7: {  	p0 =	sne.s32 s12, $0xFE00  }
0xe8: {  	[tilespmem:v8+s11+$0x13000] =	vst.idx.msk $0xffff, v9;
	s10 =	sadd.s32 $0x40, s10;
	s11 =	smov.u32 s12;
	s12 =	sadd.s32 $0x200, s12  }
0xe9: {  	v9 =	vld [tilespmem:s10+$0xFFFFFFE0];
	_ =	sdelay $0x4  }
0xea: {  	s11 =	sshra.s32 s11, $0x2;
	v10 =	vunpack.i.l.bf16.f32 v9  }
0xeb: {  	v9 =	vunpack.i.u.bf16.f32 v9;
	[tilespmem:v0+s11+$0x13000] =	vst.idx.msk $0xffff, v10  }
0xec: {  	[tilespmem:v2+s11+$0x13000] =	vst.idx.msk $0xffff, v9  }
0xed: {  	v9 =	vld [tilespmem:s10+$0xFFFFFFF0];
	_ =	sdelay $0x4  }
0xee: {  	v10 =	vunpack.i.l.bf16.f32 v9  }
0xef: {  	v9 =	vunpack.i.u.bf16.f32 v9;
	[tilespmem:v3+s11+$0x13000] =	vst.idx.msk $0xffff, v10  }
0xf0: {  	[tilespmem:v4+s11+$0x13000] =	vst.idx.msk $0xffff, v9  }
0xf1: {  	v9 =	vld [tilespmem:s10+$0x0];
	_ =	sdelay $0x4  }
0xf2: {  	v10 =	vunpack.i.l.bf16.f32 v9  }
0xf3: {  	v9 =	vunpack.i.u.bf16.f32 v9;
	[tilespmem:v5+s11+$0x13000] =	vst.idx.msk $0xffff, v10  }
0xf4: {  	[tilespmem:v6+s11+$0x13000] =	vst.idx.msk $0xffff, v9  }
0xf5: {  	v9 =	vld [tilespmem:s10+$0x10];
	_ =	sdelay $0x1  }
.Ltmp4:
0xf6: {  	(pc) =	sbr.rel @p0 .LBB2_10-.Ltmp4, $3  }
0xf7: {  	_ =	sdelay $0x1  }
0xf8: {  	v10 =	vunpack.i.l.bf16.f32 v9  }
0xf9: {  	v9 =	vunpack.i.u.bf16.f32 v9;
	[tilespmem:v7+s11+$0x13000] =	vst.idx.msk $0xffff, v10  }
0xfa: {  	_ =	sdelay $0x3  }
0xfb: {  	[tilespmem:v8+s11+$0x13000] =	vst.idx.msk $0xffff, v9;
	s10 =	simm.s32 $0x0  }
0xfc: {  	[hbm4b:s22+s10] =	stream.linear.scatter [tilespmem:s0], [sflag:$0x3], $0x4000, $0x38;
	[tilespmem:$0x1B000] =	vst v63  }
0xfd: {  	_ =	swait.ge [sflag:s4], $0x2000  }
0xfe: {  	[sflag:s4] =	ssyncset.done $0x0  }
0xff: {  	s12 =	rddreg [dreg:$0xa];
	[sflag:s4] =	ssyncadd.s32 $0xFFFFE000  }
0x100: {  	[tilespmem:s18], [sflag:$0x1] =	stream.linear.gather [spmem:s12], $0x2000, $0x38;
	[tilespmem:$0x1B000] =	vst v63  }
0x101: {  	_ =	swait.ge [sflag:s8], $0x4000  }
0x102: {  	[sflag:s8] =	ssyncset.done $0x0  }
0x103: {  	s10 =	simm.s32 $0x11020;
	[sflag:s8] =	ssyncadd.s32 $0xFFFFC000  }
0x104: {  	v9 =	vld [tilespmem:s10+$0xFFFFFFE0];
	_ =	sdelay $0x4  }
0x105: {  	s11 =	simm.s32 $0x0;
	v10 =	vunpack.i.l.bf16.f32 v9  }
0x106: {  	v9 =	vunpack.i.u.bf16.f32 v9;
	[tilespmem:v0+s11+$0x17000] =	vst.idx.msk $0xffff, v10  }
0x107: {  	[tilespmem:v2+s11+$0x17000] =	vst.idx.msk $0xffff, v9  }
0x108: {  	v9 =	vld [tilespmem:s10+$0xFFFFFFF0];
	_ =	sdelay $0x4  }
0x109: {  	v10 =	vunpack.i.l.bf16.f32 v9  }
0x10a: {  	v9 =	vunpack.i.u.bf16.f32 v9;
	[tilespmem:v3+s11+$0x17000] =	vst.idx.msk $0xffff, v10  }
0x10b: {  	[tilespmem:v4+s11+$0x17000] =	vst.idx.msk $0xffff, v9  }
0x10c: {  	v9 =	vld [tilespmem:s10+$0x0];
	_ =	sdelay $0x4  }
0x10d: {  	v10 =	vunpack.i.l.bf16.f32 v9  }
0x10e: {  	v9 =	vunpack.i.u.bf16.f32 v9;
	[tilespmem:v5+s11+$0x17000] =	vst.idx.msk $0xffff, v10  }
0x10f: {  	[tilespmem:v6+s11+$0x17000] =	vst.idx.msk $0xffff, v9  }
0x110: {  	v9 =	vld [tilespmem:s10+$0x10];
	_ =	sdelay $0x4  }
0x111: {  	v10 =	vunpack.i.l.bf16.f32 v9  }
0x112: {  	s12 =	simm.s32 $0x200;
	v9 =	vunpack.i.u.bf16.f32 v9;
	[tilespmem:v7+s11+$0x17000] =	vst.idx.msk $0xffff, v10  }
.LBB2_12:
0x113: {  	p0 =	sne.s32 s12, $0xFE00  }
0x114: {  	[tilespmem:v8+s11+$0x17000] =	vst.idx.msk $0xffff, v9;
	s10 =	sadd.s32 $0x40, s10;
	s11 =	smov.u32 s12;
	s12 =	sadd.s32 $0x200, s12  }
0x115: {  	v9 =	vld [tilespmem:s10+$0xFFFFFFE0];
	_ =	sdelay $0x4  }
0x116: {  	s11 =	sshra.s32 s11, $0x2;
	v10 =	vunpack.i.l.bf16.f32 v9  }
0x117: {  	v9 =	vunpack.i.u.bf16.f32 v9;
	[tilespmem:v0+s11+$0x17000] =	vst.idx.msk $0xffff, v10  }
0x118: {  	[tilespmem:v2+s11+$0x17000] =	vst.idx.msk $0xffff, v9  }
0x119: {  	v9 =	vld [tilespmem:s10+$0xFFFFFFF0];
	_ =	sdelay $0x4  }
0x11a: {  	v10 =	vunpack.i.l.bf16.f32 v9  }
0x11b: {  	v9 =	vunpack.i.u.bf16.f32 v9;
	[tilespmem:v3+s11+$0x17000] =	vst.idx.msk $0xffff, v10  }
0x11c: {  	[tilespmem:v4+s11+$0x17000] =	vst.idx.msk $0xffff, v9  }
0x11d: {  	v9 =	vld [tilespmem:s10+$0x0];
	_ =	sdelay $0x4  }
0x11e: {  	v10 =	vunpack.i.l.bf16.f32 v9  }
0x11f: {  	v9 =	vunpack.i.u.bf16.f32 v9;
	[tilespmem:v5+s11+$0x17000] =	vst.idx.msk $0xffff, v10  }
0x120: {  	[tilespmem:v6+s11+$0x17000] =	vst.idx.msk $0xffff, v9  }
0x121: {  	v9 =	vld [tilespmem:s10+$0x10];
	_ =	sdelay $0x1  }
.Ltmp5:
0x122: {  	(pc) =	sbr.rel @p0 .LBB2_12-.Ltmp5, $3  }
0x123: {  	_ =	sdelay $0x1  }
0x124: {  	v10 =	vunpack.i.l.bf16.f32 v9  }
0x125: {  	v9 =	vunpack.i.u.bf16.f32 v9;
	[tilespmem:v7+s11+$0x17000] =	vst.idx.msk $0xffff, v10  }
0x126: {  	_ =	sdelay $0x3  }
0x127: {  	[tilespmem:v8+s11+$0x17000] =	vst.idx.msk $0xffff, v9;
	s10 =	simm.s32 $0x0  }
0x128: {  	[hbm4b:s23+s10] =	stream.linear.scatter [tilespmem:s6], [sflag:$0x4], $0x4000, $0x38;
	[tilespmem:$0x1B000] =	vst v63  }
0x129: {  	_ =	swait.ge [sflag:s26], $0x2000  }
0x12a: {  	[sflag:s26] =	ssyncset.done $0x0  }
0x12b: {  	[sflag:s26] =	ssyncadd.s32 $0xFFFFE000  }
0x12c: {  	_ =	swait.ge [sflag:s7], $0x4000  }
0x12d: {  	[sflag:s7] =	ssyncset.done $0x0  }
0x12e: {  	s10 =	simm.s32 $0xF020;
	[sflag:s7] =	ssyncadd.s32 $0xFFFFC000  }
0x12f: {  	v9 =	vld [tilespmem:s10+$0xFFFFFFE0];
	_ =	sdelay $0x4  }
0x130: {  	s11 =	simm.s32 $0x0;
	v10 =	vunpack.i.l.bf16.f32 v9  }
0x131: {  	v9 =	vunpack.i.u.bf16.f32 v9;
	[tilespmem:v0+s11+$0x13000] =	vst.idx.msk $0xffff, v10  }
0x132: {  	[tilespmem:v2+s11+$0x13000] =	vst.idx.msk $0xffff, v9  }
0x133: {  	v9 =	vld [tilespmem:s10+$0xFFFFFFF0];
	_ =	sdelay $0x4  }
0x134: {  	v10 =	vunpack.i.l.bf16.f32 v9  }
0x135: {  	v9 =	vunpack.i.u.bf16.f32 v9;
	[tilespmem:v3+s11+$0x13000] =	vst.idx.msk $0xffff, v10  }
0x136: {  	[tilespmem:v4+s11+$0x13000] =	vst.idx.msk $0xffff, v9  }
0x137: {  	v9 =	vld [tilespmem:s10+$0x0];
	_ =	sdelay $0x4  }
0x138: {  	v10 =	vunpack.i.l.bf16.f32 v9  }
0x139: {  	v9 =	vunpack.i.u.bf16.f32 v9;
	[tilespmem:v5+s11+$0x13000] =	vst.idx.msk $0xffff, v10  }
0x13a: {  	[tilespmem:v6+s11+$0x13000] =	vst.idx.msk $0xffff, v9  }
0x13b: {  	v9 =	vld [tilespmem:s10+$0x10];
	_ =	sdelay $0x4  }
0x13c: {  	v10 =	vunpack.i.l.bf16.f32 v9  }
0x13d: {  	s12 =	simm.s32 $0x200;
	v9 =	vunpack.i.u.bf16.f32 v9;
	[tilespmem:v7+s11+$0x13000] =	vst.idx.msk $0xffff, v10  }
.LBB2_14:
0x13e: {  	p0 =	sne.s32 s12, $0xFE00  }
0x13f: {  	[tilespmem:v8+s11+$0x13000] =	vst.idx.msk $0xffff, v9;
	s10 =	sadd.s32 $0x40, s10;
	s11 =	smov.u32 s12;
	s12 =	sadd.s32 $0x200, s12  }
0x140: {  	v9 =	vld [tilespmem:s10+$0xFFFFFFE0];
	_ =	sdelay $0x4  }
0x141: {  	s11 =	sshra.s32 s11, $0x2;
	v10 =	vunpack.i.l.bf16.f32 v9  }
0x142: {  	v9 =	vunpack.i.u.bf16.f32 v9;
	[tilespmem:v0+s11+$0x13000] =	vst.idx.msk $0xffff, v10  }
0x143: {  	[tilespmem:v2+s11+$0x13000] =	vst.idx.msk $0xffff, v9  }
0x144: {  	v9 =	vld [tilespmem:s10+$0xFFFFFFF0];
	_ =	sdelay $0x4  }
0x145: {  	v10 =	vunpack.i.l.bf16.f32 v9  }
0x146: {  	v9 =	vunpack.i.u.bf16.f32 v9;
	[tilespmem:v3+s11+$0x13000] =	vst.idx.msk $0xffff, v10  }
0x147: {  	[tilespmem:v4+s11+$0x13000] =	vst.idx.msk $0xffff, v9  }
0x148: {  	v9 =	vld [tilespmem:s10+$0x0];
	_ =	sdelay $0x4  }
0x149: {  	v10 =	vunpack.i.l.bf16.f32 v9  }
0x14a: {  	v9 =	vunpack.i.u.bf16.f32 v9;
	[tilespmem:v5+s11+$0x13000] =	vst.idx.msk $0xffff, v10  }
0x14b: {  	[tilespmem:v6+s11+$0x13000] =	vst.idx.msk $0xffff, v9  }
0x14c: {  	v9 =	vld [tilespmem:s10+$0x10];
	_ =	sdelay $0x1  }
.Ltmp6:
0x14d: {  	(pc) =	sbr.rel @p0 .LBB2_14-.Ltmp6, $3  }
0x14e: {  	_ =	sdelay $0x1  }
0x14f: {  	v10 =	vunpack.i.l.bf16.f32 v9  }
0x150: {  	v9 =	vunpack.i.u.bf16.f32 v9;
	[tilespmem:v7+s11+$0x13000] =	vst.idx.msk $0xffff, v10  }
0x151: {  	_ =	sdelay $0x3  }
0x152: {  	[tilespmem:v8+s11+$0x13000] =	vst.idx.msk $0xffff, v9;
	s10 =	simm.s32 $0x0;
	s9 =	sadd.s32 $0x1, s9  }
0x153: {  	[hbm4b:s24+s10] =	stream.linear.scatter [tilespmem:s0], [sflag:$0x3], $0x4000, $0x38;
	[tilespmem:$0x1B000] =	vst v63  }
0x154: {  	p0 =	sne.s32 s9, s13;
	_ =	swait.ge [sflag:s7], $0x4000  }
.Ltmp7:
0x155: {  	[sflag:s7] =	ssyncset.done $0x0;
	(pc) =	sbr.rel @p0 .LBB2_1-.Ltmp7, $4  }
0x156: {  	[sflag:s7] =	ssyncadd.s32 $0xFFFFC000  }
0x157: {  	_ =	swait.ge [sflag:s8], $0x4000  }
0x158: {  	[sflag:s8] =	ssyncset.done $0x0  }
0x159: {  	[sflag:s8] =	ssyncadd.s32 $0xFFFFC000  }
0x15a: {  	_ =	sfence.sel $0x180000  }
0x15b: {  	[bflag:$0x0] =	sbarrier.arrive $0xFFFF  }
0x15c: {  	_ =	strace $0x9000004A  }
0x15d: {  	s0 =	stileid.u32;
	[bflag:$0x2] =	sbarrier.arrive $0xFFFF  }
0x15e: {  	p0 =	sne.s32 s0, $0x0;
	s0 =	rddreg [dreg:$0x3]  }
0x15f: {  	s0 =	sadd.s32 @!p0 $0x100000, s0  }
0x160: {  	[sflag:s0] =	ssyncadd.tile.s32 @!p0 $0x1;
	_ =	shalt  }
.Lfunc_end2:
_tile_overlayer_lowered:
.L_overlay_start_2:
0x161: {  	(tag) =	ssettag $0x2  }
0x162: {  	s0 =	rddreg [dreg:$0x0];
	s2 =	stileid.u32  }
0x163: {  	s1 =	rddreg [dreg:$0x1];
	p0 =	sne.s32 s2, $0x0  }
0x164: {  	s3 =	rddreg [dreg:$0x2];
	[bflag:$0x3] =	sbarrier.arrive $0xFFFF;
	s2 =	simm.s32 @!p0 $0x1C07  }
0x165: {  	[timem:s3], [sflag:s2] =	dma.local @!p0 [hbm:s0], s1  }
0x166: {  	s0 =	simm.s32 @!p0 $0x7  }
0x167: {  	_ =	swait.ge @!p0 [sflag:s0], s1  }
0x168: {  	s1 =	ssub.s32 @!p0 $0x0, s1;
	[sflag:s0] =	ssyncset.done @!p0 $0x0  }
0x169: {  	[sflag:s0] =	ssyncadd.s32 @!p0 s1  }
0x16a: {  	[bflag:$0x3] =	sbarrier.arrive $0xFFFF  }
0x16b: {  	_ =	shalt  }

// kernel: sc_agg_cnt.3.cloned.1.call-start
scs
__scs_entry_jumppad:
0x0: {  	(pc) =	sbr.rel $0x88, $3  }
0x1: {  	(tag) =	ssettag $0x0;
	lr =	simm.s32 $0x1  }
0x2: {  	[smem:$0x3F99] =	sst lr;
	_ =	strace $0xD0000000  }
0x3: {  	_ = 	snop  }
0x4: {  	_ = 	snop  }
0x5: {  	_ = 	snop  }
0x6: {  	_ = 	snop  }
0x7: {  	_ = 	snop  }
__scs_overlays_trampoline_lowered:
0x8: {  	[smem:$0x3FA8] =	sst s0  }
0x9: {  	[smem:$0x3FA9] =	sst s1  }
0xa: {  	[smem:$0x3FAA] =	sst s2  }
0xb: {  	[smem:$0x3FAB] =	sst s3  }
0xc: {  	[smem:$0x3FAC] =	sst s4  }
0xd: {  	[smem:$0x3FAD] =	sst s5  }
0xe: {  	[smem:$0x3FAE] =	sst s6  }
0xf: {  	[smem:$0x3FAF] =	sst s7  }
0x10: {  	[smem:$0x3FB0] =	sst s8  }
0x11: {  	[smem:$0x3FB1] =	sst s9;
	s0 =	simm.s32 @!p0 $0x0  }
0x12: {  	s1 =	sld [smem:$0x3F97];
	s0 =	simm.s32 @p0 $0x1  }
0x13: {  	[smem:$0x3FB2] =	sst s0;
	s0 =	simm.s32 @!p1 $0x0  }
0x14: {  	s2 =	sld [smem:$0x3F96];
	s0 =	simm.s32 @p1 $0x1  }
0x15: {  	[smem:$0x3FB3] =	sst s0;
	s0 =	simm.s32 @!p2 $0x0  }
0x16: {  	s3 =	sld [smem:$0x3FDB];
	s0 =	simm.s32 @p2 $0x1  }
0x17: {  	s4 =	simm.s32 $0x1BF5;
	[smem:$0x3FB5] =	sst s0  }
0x18: {  	s0 =	sld [smem:$0x3F98];
	_ =	swait.ge [sflag:s4], $0x0  }
0x19: {  	s7 =	sld [smem:$0x3F99]  }
0x1a: {  	s8 =	sadd.s32 $0xFFFFE003, lr  }
0x1b: {  	s9 =	sadd.s32 $0xFFFFFEF7, lr;
	s5 =	simm.s32 $0xFFFFFFFF;
	p2 =	slt.u32 s8, $0xFFFFF086  }
0x1c: {  	p1 =	slt.u32 s9, $0xF7A;
	s5 =	simm.s32 @!p2 $0x0  }
0x1d: {  	s5 =	simm.s32 @p1 $0x1;
	p0 =	seq.s32 s7, s2  }
0x1e: {  	s7 =	smul.u32 @!p0 $0xF7A, s2;
	p2 =	seq.s32 @!p0 s5, $0x0  }
0x1f: {  	s9 =	smul.u32 $0xF7A, s1;
	s8 =	simm.s32 @!p0 $0x1BF5;
	p2 =	por !p2, p0  }
0x20: {  	[sflag:s8] =	ssyncset.s32 @!p0 $0xFFFFF086;
	s6 =	sadd.s32 @!p0 s3, s7;
	s7 =	simm.s32 @!p0 $0x108  }
0x21: {  	s3 =	sadd.s32 s3, s9;
	s6 =	sadd.s32 @!p0 $0x88, s6;
	s7 =	simm.s32 @p2 $0x1082  }
0x22: {  	[simem:s7], [sflag:s8] =	dma.local @!p0 [hbm:s6], $0xF7A  }
0x23: {  	s9 =	sor.u32 $0xD0000000, s2;
	s6 =	simm.s32 $0x108;
	_ =	swait.ge @!p0 [sflag:s8], $0x0  }
0x24: {  	s3 =	sadd.s32 $0x88, s3;
	s6 =	simm.s32 @!p1 $0x1082;
	[sflag:s4] =	ssyncset.s32 $0xFFFFF086  }
0x25: {  	[simem:s6], [sflag:s4] =	dma.local [hbm:s3], $0xF7A  }
0x26: {  	[smem:$0x3F99] =	sst s1;
	(tag) =	ssettag s2;
	_ =	strace s9  }
0x27: {  	s1 =	sld [smem:$0x3FA9]  }
0x28: {  	s2 =	sld [smem:$0x3FAA]  }
0x29: {  	s4 =	sld [smem:$0x3FAC]  }
0x2a: {  	p0 =	seq.s32 s5, $0x0;
	s5 =	sld [smem:$0x3FAD]  }
0x2b: {  	s6 =	sld [smem:$0x3FAE]  }
0x2c: {  	s7 =	sld [smem:$0x3FAF]  }
0x2d: {  	s3 =	simm.s32 $0x108;
	s8 =	sld [smem:$0x3FB0]  }
0x2e: {  	s3 =	simm.s32 @!p0 $0x1082;
	s9 =	sld [smem:$0x3FB1]  }
0x2f: {  	lr =	sadd.s32 s0, s3;
	s0 =	sld [smem:$0x3FA8]  }
0x30: {  	s3 =	sld [smem:$0x3FAB]  }
0x31: {  	[smem:$0x3FB4] =	sst s10  }
0x32: {  	s10 =	sld [smem:$0x3FB2];
	_ =	sdelay $0x3  }
0x33: {  	p0 =	seq.s32 s10, $0x1;
	s10 =	sld [smem:$0x3FB4];
	_ =	sdelay $0x3  }
0x34: {  	[smem:$0x3FB4] =	sst s10  }
0x35: {  	s10 =	sld [smem:$0x3FB3];
	_ =	sdelay $0x3  }
0x36: {  	p1 =	seq.s32 s10, $0x1;
	s10 =	sld [smem:$0x3FB4];
	_ =	sdelay $0x3  }
0x37: {  	[smem:$0x3FB4] =	sst s10  }
0x38: {  	s10 =	sld [smem:$0x3FB5]  }
0x39: {  	_ = 	snop;
	(pc) =	sbr.ind lr, $3  }
0x3a: {  	_ = 	snop  }
0x3b: {  	_ = 	snop  }
0x3c: {  	p2 =	seq.s32 s10, $0x1;
	s10 =	sld [smem:$0x3FB4]  }
0x3d: {  	_ =	shalt  }
0x3e: {  	_ =	shalt  }
0x3f: {  	_ =	shalt  }
0x40: {  	_ =	shalt  }
0x41: {  	_ =	shalt  }
0x42: {  	_ =	shalt  }
0x43: {  	_ =	shalt  }
0x44: {  	_ =	shalt  }
0x45: {  	_ =	shalt  }
0x46: {  	_ =	shalt  }
0x47: {  	_ =	shalt  }
0x48: {  	_ =	shalt  }
0x49: {  	_ =	shalt  }
0x4a: {  	_ =	shalt  }
0x4b: {  	_ =	shalt  }
0x4c: {  	_ =	shalt  }
0x4d: {  	_ =	shalt  }
0x4e: {  	_ =	shalt  }
0x4f: {  	_ =	shalt  }
0x50: {  	_ =	shalt  }
0x51: {  	_ =	shalt  }
0x52: {  	_ =	shalt  }
0x53: {  	_ =	shalt  }
0x54: {  	_ =	shalt  }
0x55: {  	_ =	shalt  }
0x56: {  	_ =	shalt  }
0x57: {  	_ =	shalt  }
0x58: {  	_ =	shalt  }
0x59: {  	_ =	shalt  }
0x5a: {  	_ =	shalt  }
0x5b: {  	_ =	shalt  }
0x5c: {  	_ =	shalt  }
0x5d: {  	_ =	shalt  }
0x5e: {  	_ =	shalt  }
0x5f: {  	_ =	shalt  }
0x60: {  	_ =	shalt  }
0x61: {  	_ =	shalt  }
0x62: {  	_ =	shalt  }
0x63: {  	_ =	shalt  }
0x64: {  	_ =	shalt  }
0x65: {  	_ =	shalt  }
0x66: {  	_ =	shalt  }
0x67: {  	_ =	shalt  }
0x68: {  	_ =	shalt  }
0x69: {  	_ =	shalt  }
0x6a: {  	_ =	shalt  }
0x6b: {  	_ =	shalt  }
0x6c: {  	_ =	shalt  }
0x6d: {  	_ =	shalt  }
0x6e: {  	_ =	shalt  }
0x6f: {  	_ =	shalt  }
0x70: {  	_ =	shalt  }
0x71: {  	_ =	shalt  }
0x72: {  	_ =	shalt  }
0x73: {  	_ =	shalt  }
0x74: {  	_ =	shalt  }
0x75: {  	_ =	shalt  }
0x76: {  	_ =	shalt  }
0x77: {  	_ =	shalt  }
0x78: {  	_ =	shalt  }
0x79: {  	_ =	shalt  }
0x7a: {  	_ =	shalt  }
0x7b: {  	_ =	shalt  }
0x7c: {  	_ =	shalt  }
0x7d: {  	_ =	shalt  }
0x7e: {  	_ =	shalt  }
0x7f: {  	_ =	shalt  }
0x80: {  	_ =	shalt  }
0x81: {  	_ =	shalt  }
0x82: {  	_ =	shalt  }
0x83: {  	_ =	shalt  }
0x84: {  	_ =	shalt  }
0x85: {  	_ =	shalt  }
0x86: {  	_ =	shalt  }
0x87: {  	_ =	shalt  }
.Lfunc_end0:
.L_simem_size_0:
called_computation_lowered:
.L_overlay_start_0:
0x88: {  	s2 =	sld [smem:$0x3FD9]  }
0x89: {  	s3 =	sld [smem:$0x3FFE];
	_ =	sdelay $0x1  }
0x8a: {  	s1 =	srdreg.scid  }
0x8b: {  	s0 =	sand.u32 $0x1, s1  }
0x8c: {  	s17 =	sshll.u32 s0, $0xA;
	s2 =	sadd.s32 s3, s2  }
0x8d: {  	s2 =	sadd.s32 s2, s17  }
0x8e: {  	[smem:$0x3FC0] =	sst s2  }
0x8f: {  	_ = 	snop  }
0x90: {  	s2 =	sld [smem:$0x3FD0];
	(tm) =	ssettm $0x1  }
0x91: {  	s18 =	sld [smem:$0x3FFB];
	_ =	sdelay $0x3  }
0x92: {  	_ =	strace s18  }
0x93: {  	s3 =	sld [smem:$0x3FFC];
	_ =	sdelay $0x3  }
0x94: {  	_ =	strace s3  }
0x95: {  	s3 =	sld [smem:$0x3FFD];
	_ =	sdelay $0x3  }
0x96: {  	_ =	strace s3  }
0x97: {  	_ =	strace $0x8FFFFFFF  }
0x98: {  	s19 =	sld [smem:$0x3FDB];
	_ =	sdelay $0x1  }
0x99: {  	s4 =	simm.s32 $_scs_section_size  }
0x9a: {  	s5 =	simm.s32 $_size__tile_overlayer_lowered;
	s6 =	simm.s32 $_tile_overlayer_lowered  }
0x9b: {  	s22 =	simm.s32 $0x1BFF;
	s21 =	sshll.u32 s6, $0x1;
	s3 =	sadd.s32 s4, s19  }
0x9c: {  	s7 =	simm.s32 $0x0;
	s20 =	sshll.u32 s5, $0x1;
	s5 =	sadd.s32 s21, s3  }
0x9d: {  	[timem:s7], [sflag:s22] =	dma.local [hbm:s5], s20  }
0x9e: {  	_ =	swait.ge [sflag:s22], s20  }
0x9f: {  	s4 =	ssub.s32 $0x0, s20;
	[sflag:s22] =	ssyncset.done $0x0  }
0xa0: {  	[sflag:s22] =	ssyncadd.s32 s4;
	_ =	sdelay $0x1  }
0xa1: {  	s23 =	simm.s32 $0x1B8B  }
0xa2: {  	_ =	swait.ge [sflag:s23], $0x1  }
0xa3: {  	[sflag:s23] =	ssyncset.done $0x0  }
0xa4: {  	s25 =	simm.s32 $0x1B8E;
	s24 =	sld [smem:$0x3FFE];
	[sflag:s23] =	ssyncadd.s32 $0xFFFFFFFF  }
0xa5: {  	s26 =	simm.s32 $execute0_lowered;
	[smem:$0x3FD2] =	sst s25  }
0xa6: {  	s5 =	sshll.u32 s26, $0x1;
	_ =	strace $0x80000046;
	[dreg:$0x1] =	wrdreg $0xFFFFFFFF  }
0xa7: {  	s28 =	simm.s32 $_size_execute0_lowered;
	s3 =	sadd.s32 s3, s5;
	[dreg:$0x0] =	wrdreg $0x0  }
0xa8: {  	s5 =	sshll.u32 s28, $0x1;
	[dreg:$0x2] =	wrdreg s3  }
0xa9: {  	[dreg:$0x3] =	wrdreg s5  }
0xaa: {  	[dreg:$0x4] =	wrdreg $0xC0  }
0xab: {  	_ =	task [dreg:s7], $0x5FFFF  }
0xac: {  	[dreg:$0x1] =	wrdreg $0xFFFFFFFF  }
0xad: {  	[dreg:$0x0] =	wrdreg $0x60  }
0xae: {  	[dreg:$0x2] =	wrdreg s2  }
0xaf: {  	[dreg:$0x3] =	wrdreg s24  }
0xb0: {  	[dreg:$0x4] =	wrdreg $0x0  }
0xb1: {  	[dreg:$0x5] =	wrdreg $0x1B0000  }
0xb2: {  	[dreg:$0x6] =	wrdreg $0x9  }
0xb3: {  	_ =	task.clear_ibuf [dreg:s7], $0x7FFFF;
	_ =	strace $0x90000046  }
0xb4: {  	s29 =	simm.s32 $0x9;
	_ =	strace $0x80000048  }
0xb5: {  	_ =	swait.ge [sflag:s29], $0x1  }
0xb6: {  	[sflag:s29] =	ssyncadd.s32 $0xFFFFFFFF  }
0xb7: {  	_ =	strace $0x90000048  }
0xb8: {  	_ =	sfence  }
0xb9: {  	s30 =	sld [smem:$0x0];
	_ =	sdelay $0x2  }
0xba: {  	s31 =	sshll.u32 s1, $0xD;
	s1 =	sshrl.u32 s1, $0x2  }
0xbb: {  	s3 =	sand.u32 $0x4000, s31;
	s1 =	sadd.s32 s1, s30  }
0xbc: {  	s0 =	sor.u32 s3, s0;
	s1 =	sshll.u32 s1, $0x11  }
0xbd: {  	s0 =	sor.u32 s1, s0  }
0xbe: {  	s0 =	sadd.s32 $0x8F2B, s0  }
0xbf: {  	[sflag:s0] =	ssyncadd.remote.s32 $0x1  }
0xc0: {  	_ =	sfence.sel $0xFFFF  }
0xc1: {  	[dreg:$0x0] =	wrdreg $0xFFFFFFFF;
	(pc) =	sbr.abs _section_cstart, $3  }
0xc2: {  	[dreg:$0x1] =	wrdreg $0xFFFFFFFF  }
0xc3: {  	_ =	task.clear_ibuf [dreg:s7], $0x2FFFF;
	_ =	strace $0x9FFFFFFF  }
0xc4: {  	(tm) =	ssettm $0x7FFFFFFF  }
0xc5: {  	_ =	shalt  }
tec
execute0_lowered:
.L_overlay_start_1:
0x0: {  	(tag) =	ssettag $0x1  }
0x1: {  	s1 =	rddreg [dreg:$0x0]  }
0x2: {  	s0 =	srdreg.scid;
	s2 =	rddreg [dreg:$0x1]  }
0x3: {  	s11 =	stileid.u32;
	s3 =	rddreg [dreg:$0x2]  }
0x4: {  	s6 =	simm.s32 $0x0;
	s28 =	simm.s32 $0x7;
	s7 =	smul.u32 $0x280, s11  }
0x5: {  	s29 =	simm.s32 $0xA000;
	s0 =	sand.u32 $0x1, s0;
	s9 =	smul.u32 $0x28000, s11  }
0x6: {  	s31 =	simm.s32 $0x1B300;
	s30 =	simm.s32 $0x11000;
	s12 =	smul.u32 $0x2800, s0  }
0x7: {  	[smem:$0x7FF] =	sst s6;
	s4 =	sshll.u32 s0, $0x4;
	s8 =	smul.u32 $0x28000, s0  }
0x8: {  	s0 =	ssub.s32 $0x2, s0;
	s5 =	sor.u32 s11, s4;
	s4 =	rddreg [dreg:$0x3]  }
0x9: {  	_ =	strace $0x80000047;
	s10 =	sshrl.u32 s0, $0x1;
	s11 =	smul.u32 $0x14000, s11  }
0xa: {  	s9 =	sshrl.u32 s9, $0x2;
	s5 =	smul.u32 $0x500, s5;
	s6 =	sadd.s32 s7, s12  }
0xb: {  	s8 =	sadd.s32 s8, s2;
	s0 =	ssub.s32 s0, s10;
	s10 =	simm.s32 $0xEF00  }
0xc: {  	s6 =	sshrl.u32 s6, $0x3;
	s14 =	sadd.s32 $0x4000, s11;
	s15 =	sshrl.u32 s11, $0x1  }
0xd: {  	s18 =	sadd.s32 $0x8000, s11;
	s8 =	sadd.s32 $0x17600, s8;
	s19 =	sshrl.u32 s11, $0x3  }
0xe: {  	s20 =	sadd.s32 $0xC000, s11;
	s11 =	sadd.s32 $0x10000, s11;
	s0 =	smax.u32 s0, $0x1  }
0xf: {  	s5 =	sadd.s32 s5, s2;
	s2 =	sadd.s32 s6, s2;
	s6 =	sadd.s32 s9, s3  }
0x10: {  	s9 =	sadd.s32 s7, s4;
	s16 =	sshrl.u32 s14, $0x1;
	s7 =	sadd.s32 s15, s3  }
0x11: {  	s12 =	sshrl.u32 s18, $0x1;
	[dreg:$0xd] =	wrdreg s0;
	s25 =	sadd.s32 s19, s8  }
0x12: {  	s0 =	simm.s32 $0xA080;
	s15 =	simm.s32 $0x17000;
	[dreg:$0x7] =	wrdreg s7  }
0x13: {  	s13 =	sadd.s32 $0x2C00, s5;
	s5 =	sadd.s32 $0xCC00, s5;
	[dreg:$0x11] =	wrdreg s25  }
0x14: {  	s17 =	sadd.s32 s16, s3;
	s12 =	sadd.s32 s12, s3;
	[dreg:$0x5] =	wrdreg s13  }
0x15: {  	s7 =	sshrl.u32 s18, $0x3;
	s2 =	sadd.s32 $0x16C00, s2;
	[dreg:$0x6] =	wrdreg s5  }
0x16: {  	s22 =	sadd.s32 $0x2000, s6;
	s23 =	sadd.s32 $0x4000, s6;
	[dreg:$0x8] =	wrdreg s17  }
0x17: {  	s24 =	sadd.s32 $0x6000, s6;
	s25 =	sadd.s32 $0x8000, s6;
	[dreg:$0x9] =	wrdreg s12  }
0x18: {  	s16 =	simm.s32 $0x3;
	s18 =	simm.s32 $0x0;
	[dreg:$0xc] =	wrdreg s2  }
0x19: {  	s5 =	sshrl.u32 s14, $0x3;
	s13 =	sshrl.u32 s20, $0x1;
	[dreg:$0xe] =	wrdreg s22  }
0x1a: {  	s14 =	sshrl.u32 s11, $0x1;
	s12 =	sshrl.u32 s20, $0x3;
	[dreg:$0xf] =	wrdreg s23  }
0x1b: {  	v0 =	vlaneseq.u32;
	s11 =	sshrl.u32 s11, $0x3;
	[dreg:$0x10] =	wrdreg s24;
	s22 =	sadd.s32 s7, s8  }
0x1c: {  	v0 =	vmul.u32 $0x2, v0;
	s2 =	simm.s32 $0x80;
	s7 =	simm.s32 $0x1B280;
	s17 =	simm.s32 $0x4  }
0x1d: {  	s13 =	sadd.s32 s13, s3;
	s21 =	sadd.s32 s14, s3;
	s26 =	sadd.s32 s5, s8  }
0x1e: {  	v10 =	vor.u32 $0x61, v0;
	s23 =	sadd.s32 s12, s8;
	s24 =	sadd.s32 s11, s8;
	s5 =	simm.s32 $0x5  }
0x1f: {  	v1 =	vimm.bf16 $0.0e+00;
	v2 =	vimm.f32 $0.0e+00;
	v3 =	vimm.f32 $1.000000000e+00;
	s8 =	simm.s32 $0x6;
	s11 =	simm.s32 $0xEF80;
	[dreg:$0xa] =	wrdreg s13  }
0x20: {  	v4 =	vor.u32 $0x1, v0;
	v5 =	vor.u32 $0x20, v0;
	v6 =	vor.u32 $0x21, v0;
	s12 =	simm.s32 $0x1;
	s14 =	simm.s32 $0x2;
	[dreg:$0xb] =	wrdreg s21  }
0x21: {  	v7 =	vor.u32 $0x40, v0;
	v8 =	vor.u32 $0x41, v0;
	v9 =	vor.u32 $0x60, v0;
	[dreg:$0x12] =	wrdreg s26;
	s26 =	simm.s32 $0xF000;
	s13 =	simm.s32 $0x13000  }
.LBB2_1:
0x22: {  	s20 =	simm.s32 $0x100;
	s19 =	simm.s32 $0x0  }
.LBB2_2:
0x23: {  	p0 =	sne.s32 s20, $0x7F00;
	[tilespmem:s19+$0xF030] =	vst v1;
	s21 =	smov.u32 s20;
	s20 =	sadd.s32 $0x100, s20  }
.Ltmp0:
0x24: {  	[tilespmem:s19+$0xF020] =	vst v1;
	(pc) =	sbr.rel @p0 .LBB2_2-.Ltmp0, $3  }
0x25: {  	[tilespmem:s19+$0xF000] =	vst v1  }
0x26: {  	[tilespmem:s19+$0xF010] =	vst v1;
	_ =	sdelay $0x1  }
0x27: {  	s19 =	sshra.s32 s21, $0x2  }
0x28: {  	[tilespmem:s19+$0xF030] =	vst v1  }
0x29: {  	[tilespmem:s19+$0xF020] =	vst v1  }
0x2a: {  	[tilespmem:s19+$0xF000] =	vst v1  }
0x2b: {  	[tilespmem:s19+$0xF010] =	vst v1  }
0x2c: {  	[spmem:s6] =	stream.linear.scatter [tilespmem:s26], [sflag:$0x7], $0x2000, $0x38;
	[tilespmem:$0x1B580] =	vst v63  }
0x2d: {  	_ =	swait.ge [sflag:s28], $0x2000  }
0x2e: {  	[sflag:s28] =	ssyncset.done $0x0  }
0x2f: {  	s20 =	rddreg [dreg:$0xe];
	[sflag:s28] =	ssyncadd.s32 $0xFFFFE000  }
0x30: {  	[spmem:s20] =	stream.linear.scatter [tilespmem:s26], [sflag:$0x7], $0x2000, $0x38;
	[tilespmem:$0x1B580] =	vst v63  }
0x31: {  	_ =	swait.ge [sflag:s28], $0x2000  }
0x32: {  	[sflag:s28] =	ssyncset.done $0x0  }
0x33: {  	s21 =	rddreg [dreg:$0xf];
	[sflag:s28] =	ssyncadd.s32 $0xFFFFE000  }
0x34: {  	[spmem:s21] =	stream.linear.scatter [tilespmem:s26], [sflag:$0x7], $0x2000, $0x38;
	[tilespmem:$0x1B580] =	vst v63  }
0x35: {  	_ =	swait.ge [sflag:s28], $0x2000  }
0x36: {  	[sflag:s28] =	ssyncset.done $0x0  }
0x37: {  	s20 =	rddreg [dreg:$0x10];
	[sflag:s28] =	ssyncadd.s32 $0xFFFFE000  }
0x38: {  	[spmem:s20] =	stream.linear.scatter [tilespmem:s26], [sflag:$0x7], $0x2000, $0x38;
	[tilespmem:$0x1B580] =	vst v63  }
0x39: {  	_ =	swait.ge [sflag:s28], $0x2000  }
0x3a: {  	[sflag:s28] =	ssyncset.done $0x0  }
0x3b: {  	[sflag:s28] =	ssyncadd.s32 $0xFFFFE000  }
0x3c: {  	[spmem:s25] =	stream.linear.scatter [tilespmem:s26], [sflag:$0x7], $0x2000, $0x38;
	[tilespmem:$0x1B580] =	vst v63  }
0x3d: {  	_ =	swait.ge [sflag:s28], $0x2000  }
0x3e: {  	[sflag:s28] =	ssyncset.done $0x0  }
0x3f: {  	s19 =	simm.s32 $0x0;
	s20 =	rddreg [dreg:$0x5];
	[sflag:s28] =	ssyncadd.s32 $0xFFFFE000  }
0x40: {  	[tilespmem:s29], [sflag:$0x7] =	stream.linear.gather [hbm4b:s20+s19], $0x2800, $0x38;
	[tilespmem:$0x1B580] =	vst v63  }
0x41: {  	_ =	swait.ge [sflag:s28], $0x2800  }
0x42: {  	[sflag:s28] =	ssyncset.done $0x0  }
0x43: {  	s21 =	simm.s32 $0xC800;
	s20 =	rddreg [dreg:$0x6];
	[sflag:s28] =	ssyncadd.s32 $0xFFFFD800  }
0x44: {  	[tilespmem:s21], [sflag:$0x7] =	stream.linear.gather [hbm4b:s20+s19], $0x2800, $0x38;
	[tilespmem:$0x1B580] =	vst v63  }
0x45: {  	_ =	swait.ge [sflag:s28], $0x2800  }
0x46: {  	[sflag:s28] =	ssyncset.done $0x0  }
0x47: {  	[sflag:s28] =	ssyncadd.s32 $0xFFFFD800  }
0x48: {  	[tilespmem:$0x1B300] =	vst v2  }
0x49: {  	[tilespmem:$0x1B310] =	vst v2  }
0x4a: {  	[tilespmem:$0x1B320] =	vst v2  }
0x4b: {  	[tilespmem:$0x1B330] =	vst v2  }
0x4c: {  	[tilespmem:$0x1B340] =	vst v2  }
0x4d: {  	[tilespmem:$0x1B350] =	vst v2  }
0x4e: {  	[tilespmem:$0x1B360] =	vst v2  }
0x4f: {  	[tilespmem:$0x1B370] =	vst v2  }
0x50: {  	[tilespmem:$0x1B380] =	vst v2  }
0x51: {  	[tilespmem:$0x1B390] =	vst v2  }
0x52: {  	[tilespmem:$0x1B3A0] =	vst v2  }
0x53: {  	[tilespmem:$0x1B3B0] =	vst v2  }
0x54: {  	[tilespmem:$0x1B3C0] =	vst v2  }
0x55: {  	[tilespmem:$0x1B3D0] =	vst v2  }
0x56: {  	[tilespmem:$0x1B3E0] =	vst v2  }
0x57: {  	[tilespmem:$0x1B3F0] =	vst v2  }
0x58: {  	[tilespmem:$0x1B400] =	vst v2  }
0x59: {  	[tilespmem:$0x1B410] =	vst v2  }
0x5a: {  	[tilespmem:$0x1B420] =	vst v2  }
0x5b: {  	[tilespmem:$0x1B430] =	vst v2  }
0x5c: {  	[tilespmem:$0x1B440] =	vst v2  }
0x5d: {  	[tilespmem:$0x1B450] =	vst v2  }
0x5e: {  	[tilespmem:$0x1B460] =	vst v2  }
0x5f: {  	[tilespmem:$0x1B470] =	vst v2  }
0x60: {  	[tilespmem:$0x1B480] =	vst v2  }
0x61: {  	[tilespmem:$0x1B490] =	vst v2  }
0x62: {  	[tilespmem:$0x1B4A0] =	vst v2  }
0x63: {  	[tilespmem:$0x1B4B0] =	vst v2  }
0x64: {  	[tilespmem:$0x1B4C0] =	vst v2  }
0x65: {  	[tilespmem:$0x1B4D0] =	vst v2  }
0x66: {  	[tilespmem:$0x1B4E0] =	vst v2  }
0x67: {  	[tilespmem:$0x1B4F0] =	vst v2  }
0x68: {  	[tilespmem:$0x1B500] =	vst v2  }
0x69: {  	[tilespmem:$0x1B510] =	vst v2  }
0x6a: {  	[tilespmem:$0x1B520] =	vst v2  }
0x6b: {  	[tilespmem:$0x1B530] =	vst v2  }
0x6c: {  	[tilespmem:$0x1B540] =	vst v2  }
0x6d: {  	[tilespmem:$0x1B550] =	vst v2  }
0x6e: {  	[tilespmem:$0x1B560] =	vst v2  }
0x6f: {  	[tilespmem:$0x1B570] =	vst v2  }
0x70: {  	[spmem:s9] =	stream.linear.scatter [tilespmem:s31], [sflag:$0x7], $0x280, $0x38;
	[tilespmem:$0x1B580] =	vst v63  }
0x71: {  	_ =	swait.ge [sflag:s28], $0x280  }
0x72: {  	[sflag:s28] =	ssyncset.done $0x0  }
0x73: {  	[sflag:s28] =	ssyncadd.s32 $0xFFFFFD80  }
0x74: {  	[tilespmem:$0x1B280] =	vst v3  }
0x75: {  	[tilespmem:$0x1B290] =	vst v3  }
0x76: {  	[tilespmem:$0x1B2A0] =	vst v3  }
0x77: {  	[tilespmem:$0x1B2B0] =	vst v3  }
0x78: {  	[tilespmem:$0x1B2C0] =	vst v3  }
0x79: {  	[tilespmem:$0x1B2D0] =	vst v3  }
0x7a: {  	[tilespmem:$0x1B2E0] =	vst v3  }
0x7b: {  	[tilespmem:$0x1B2F0] =	vst v3  }
0x7c: {  	[bflag:$0x0] =	sbarrier.arrive $0xFFFF  }
0x7d: {  	[tilespmem:s26], [sflag:$0x5] =	stream.indirect.gather [hbm4b:s1+s2], $0x40, s29, s2, $0xb8;
	[tilespmem:$0x1B580] =	vst v63  }
0x7e: {  	_ = 	snop  }
0x7f: {  	[tilespmem:s30], [sflag:$0x6] =	stream.indirect.gather [hbm4b:s1+s2], $0x40, s0, s2, $0xb8;
	[tilespmem:$0x1B580] =	vst v63  }
0x80: {  	_ =	swait.ge [sflag:s5], $0x2000  }
0x81: {  	[sflag:s5] =	ssyncset.done $0x0  }
0x82: {  	s21 =	simm.s32 $0xC800;
	[sflag:s5] =	ssyncadd.s32 $0xFFFFE000  }
0x83: {  	[spmem:s3] =	stream.indirect.scatter.add.bf16 [tilespmem:s26], [sflag:$0x7], $0x40, s21, s2, $0xb8;
	[tilespmem:$0x1B580] =	vst v63  }
0x84: {  	_ =	swait.ge [sflag:s28], $0x2000  }
0x85: {  	[sflag:s28] =	ssyncset.done $0x0  }
0x86: {  	[sflag:s28] =	ssyncadd.s32 $0xFFFFE000  }
0x87: {  	[spmem:s4] =	stream.indirect.scatter.add.f32 [tilespmem:s7], [sflag:$0x7], $0x1, s21, s2, $0xb8;
	[tilespmem:$0x1B580] =	vst v63  }
0x88: {  	_ =	swait.ge [sflag:s28], $0x80  }
0x89: {  	[sflag:s28] =	ssyncset.done $0x0  }
0x8a: {  	s20 =	simm.s32 $0xA100;
	[sflag:s28] =	ssyncadd.s32 $0xFFFFFF80  }
0x8b: {  	[tilespmem:s26], [sflag:$0x5] =	stream.indirect.gather [hbm4b:s1+s2], $0x40, s20, s2, $0xb8;
	[tilespmem:$0x1B580] =	vst v63  }
0x8c: {  	_ =	swait.ge [sflag:s8], $0x2000  }
0x8d: {  	[sflag:s8] =	ssyncset.done $0x0  }
0x8e: {  	s21 =	simm.s32 $0xC880;
	[sflag:s8] =	ssyncadd.s32 $0xFFFFE000  }
0x8f: {  	[spmem:s3] =	stream.indirect.scatter.add.bf16 [tilespmem:s30], [sflag:$0x7], $0x40, s21, s2, $0xb8;
	[tilespmem:$0x1B580] =	vst v63  }
0x90: {  	_ =	swait.ge [sflag:s28], $0x2000  }
0x91: {  	[sflag:s28] =	ssyncset.done $0x0  }
0x92: {  	[sflag:s28] =	ssyncadd.s32 $0xFFFFE000  }
0x93: {  	[spmem:s4] =	stream.indirect.scatter.add.f32 [tilespmem:s7], [sflag:$0x7], $0x1, s21, s2, $0xb8;
	[tilespmem:$0x1B580] =	vst v63  }
0x94: {  	_ =	swait.ge [sflag:s28], $0x80  }
0x95: {  	[sflag:s28] =	ssyncset.done $0x0  }
0x96: {  	s19 =	simm.s32 $0x400;
	s20 =	simm.s32 $0xA180;
	[sflag:s28] =	ssyncadd.s32 $0xFFFFFF80  }
.LBB2_4:
0x97: {  	[tilespmem:s30], [sflag:$0x6] =	stream.indirect.gather [hbm4b:s1+s2], $0x40, s20, s2, $0xb8;
	[tilespmem:$0x1B580] =	vst v63  }
0x98: {  	s20 =	smov.u32 s19  }
0x99: {  	p0 =	sne.s32 s19, $0x9800;
	s19 =	sadd.s32 $0x400, s19;
	_ =	swait.ge [sflag:s5], $0x2000  }
0x9a: {  	s20 =	sshra.s32 s20, $0x2;
	[sflag:s5] =	ssyncset.done $0x0  }
0x9b: {  	s21 =	sadd.s32 $0xC800, s20;
	[sflag:s5] =	ssyncadd.s32 $0xFFFFE000  }
0x9c: {  	[spmem:s3] =	stream.indirect.scatter.add.bf16 [tilespmem:s26], [sflag:$0x7], $0x40, s21, s2, $0xb8;
	[tilespmem:$0x1B580] =	vst v63  }
0x9d: {  	_ =	swait.ge [sflag:s28], $0x2000  }
0x9e: {  	[sflag:s28] =	ssyncset.done $0x0  }
0x9f: {  	[sflag:s28] =	ssyncadd.s32 $0xFFFFE000  }
0xa0: {  	[spmem:s4] =	stream.indirect.scatter.add.f32 [tilespmem:s7], [sflag:$0x7], $0x1, s21, s2, $0xb8;
	[tilespmem:$0x1B580] =	vst v63  }
0xa1: {  	_ =	swait.ge [sflag:s28], $0x80  }
0xa2: {  	[sflag:s28] =	ssyncset.done $0x0  }
0xa3: {  	s21 =	sadd.s32 $0xA100, s20;
	[sflag:s28] =	ssyncadd.s32 $0xFFFFFF80  }
0xa4: {  	[tilespmem:s26], [sflag:$0x5] =	stream.indirect.gather [hbm4b:s1+s2], $0x40, s21, s2, $0xb8;
	[tilespmem:$0x1B580] =	vst v63  }
0xa5: {  	_ =	swait.ge [sflag:s8], $0x2000  }
0xa6: {  	[sflag:s8] =	ssyncset.done $0x0  }
0xa7: {  	s21 =	sadd.s32 $0xC880, s20;
	[sflag:s8] =	ssyncadd.s32 $0xFFFFE000  }
0xa8: {  	[spmem:s3] =	stream.indirect.scatter.add.bf16 [tilespmem:s30], [sflag:$0x7], $0x40, s21, s2, $0xb8;
	[tilespmem:$0x1B580] =	vst v63  }
0xa9: {  	_ =	swait.ge [sflag:s28], $0x2000  }
0xaa: {  	[sflag:s28] =	ssyncset.done $0x0  }
.Ltmp1:
0xab: {  	[sflag:s28] =	ssyncadd.s32 $0xFFFFE000;
	(pc) =	sbr.rel @p0 .LBB2_4-.Ltmp1, $4  }
0xac: {  	[spmem:s4] =	stream.indirect.scatter.add.f32 [tilespmem:s7], [sflag:$0x7], $0x1, s21, s2, $0xb8;
	[tilespmem:$0x1B580] =	vst v63  }
0xad: {  	_ =	swait.ge [sflag:s28], $0x80  }
0xae: {  	[sflag:s28] =	ssyncset.done $0x0  }
0xaf: {  	s20 =	sadd.s32 $0xA180, s20;
	[sflag:s28] =	ssyncadd.s32 $0xFFFFFF80  }
0xb0: {  	[tilespmem:s30], [sflag:$0x6] =	stream.indirect.gather [hbm4b:s1+s2], $0x40, s20, s2, $0xb8;
	[tilespmem:$0x1B580] =	vst v63  }
0xb1: {  	_ =	swait.ge [sflag:s5], $0x2000  }
0xb2: {  	[sflag:s5] =	ssyncset.done $0x0  }
0xb3: {  	[sflag:s5] =	ssyncadd.s32 $0xFFFFE000  }
0xb4: {  	[spmem:s3] =	stream.indirect.scatter.add.bf16 [tilespmem:s26], [sflag:$0x7], $0x40, s10, s2, $0xb8;
	[tilespmem:$0x1B580] =	vst v63  }
0xb5: {  	_ =	swait.ge [sflag:s28], $0x2000  }
0xb6: {  	[sflag:s28] =	ssyncset.done $0x0  }
0xb7: {  	[sflag:s28] =	ssyncadd.s32 $0xFFFFE000  }
0xb8: {  	[spmem:s4] =	stream.indirect.scatter.add.f32 [tilespmem:s7], [sflag:$0x7], $0x1, s10, s2, $0xb8;
	[tilespmem:$0x1B580] =	vst v63  }
0xb9: {  	_ =	swait.ge [sflag:s28], $0x80  }
0xba: {  	[sflag:s28] =	ssyncset.done $0x0  }
0xbb: {  	[sflag:s28] =	ssyncadd.s32 $0xFFFFFF80  }
0xbc: {  	[tilespmem:s26], [sflag:$0x5] =	stream.indirect.gather [hbm4b:s1+s2], $0x40, s29, s2, $0xb8;
	[tilespmem:$0x1B580] =	vst v63  }
0xbd: {  	_ =	swait.ge [sflag:s8], $0x2000  }
0xbe: {  	[sflag:s8] =	ssyncset.done $0x0  }
0xbf: {  	[sflag:s8] =	ssyncadd.s32 $0xFFFFE000  }
0xc0: {  	[spmem:s3] =	stream.indirect.scatter.add.bf16 [tilespmem:s30], [sflag:$0x7], $0x40, s11, s2, $0xb8;
	[tilespmem:$0x1B580] =	vst v63  }
0xc1: {  	_ =	swait.ge [sflag:s28], $0x2000  }
0xc2: {  	[sflag:s28] =	ssyncset.done $0x0  }
0xc3: {  	[sflag:s28] =	ssyncadd.s32 $0xFFFFE000  }
0xc4: {  	[spmem:s4] =	stream.indirect.scatter.add.f32 [tilespmem:s7], [sflag:$0x7], $0x1, s11, s2, $0xb8;
	[tilespmem:$0x1B580] =	vst v63  }
0xc5: {  	_ =	swait.ge [sflag:s28], $0x80  }
0xc6: {  	[sflag:s28] =	ssyncset.done $0x0  }
0xc7: {  	[sflag:s28] =	ssyncadd.s32 $0xFFFFFF80  }
0xc8: {  	[tilespmem:s30], [sflag:$0x6] =	stream.indirect.gather [hbm4b:s1+s2], $0x40, s0, s2, $0xb8;
	[tilespmem:$0x1B580] =	vst v63  }
0xc9: {  	_ =	swait.ge [sflag:s5], $0x2000  }
0xca: {  	[sflag:s5] =	ssyncset.done $0x0  }
0xcb: {  	[sflag:s5] =	ssyncadd.s32 $0xFFFFE000  }
0xcc: {  	_ =	swait.ge [sflag:s8], $0x2000  }
0xcd: {  	[sflag:s8] =	ssyncset.done $0x0  }
0xce: {  	[sflag:s8] =	ssyncadd.s32 $0xFFFFE000  }
0xcf: {  	[bflag:$0x0] =	sbarrier.arrive $0xFFFF  }
0xd0: {  	s19 =	rddreg [dreg:$0x7]  }
0xd1: {  	[tilespmem:s26], [sflag:$0x1] =	stream.linear.gather [spmem:s19], $0x2000, $0x38;
	[tilespmem:$0x1B580] =	vst v63  }
0xd2: {  	_ =	swait.ge [sflag:s12], $0x2000  }
0xd3: {  	[sflag:s12] =	ssyncset.done $0x0  }
0xd4: {  	s19 =	simm.s32 $0xF020;
	s21 =	rddreg [dreg:$0x8];
	[sflag:s12] =	ssyncadd.s32 $0xFFFFE000  }
0xd5: {  	[tilespmem:s30], [sflag:$0x2] =	stream.linear.gather [spmem:s21], $0x2000, $0x38;
	[tilespmem:$0x1B580] =	vst v63  }
0xd6: {  	v11 =	vld [tilespmem:s19+$0xFFFFFFE0];
	_ =	sdelay $0x4  }
0xd7: {  	s20 =	simm.s32 $0x0;
	v12 =	vunpack.i.l.bf16.f32 v11  }
0xd8: {  	v11 =	vunpack.i.u.bf16.f32 v11;
	[tilespmem:v0+s20+$0x13000] =	vst.idx.msk $0xffff, v12  }
0xd9: {  	[tilespmem:v4+s20+$0x13000] =	vst.idx.msk $0xffff, v11  }
0xda: {  	v11 =	vld [tilespmem:s19+$0xFFFFFFF0];
	_ =	sdelay $0x4  }
0xdb: {  	v61 =	vunpack.i.l.bf16.f32 v11  }
0xdc: {  	v11 =	vunpack.i.u.bf16.f32 v11;
	[tilespmem:v5+s20+$0x13000] =	vst.idx.msk $0xffff, v61  }
0xdd: {  	[tilespmem:v6+s20+$0x13000] =	vst.idx.msk $0xffff, v11  }
0xde: {  	v11 =	vld [tilespmem:s19+$0x0];
	_ =	sdelay $0x4  }
0xdf: {  	v62 =	vunpack.i.l.bf16.f32 v11  }
0xe0: {  	v11 =	vunpack.i.u.bf16.f32 v11;
	[tilespmem:v7+s20+$0x13000] =	vst.idx.msk $0xffff, v62  }
0xe1: {  	[tilespmem:v8+s20+$0x13000] =	vst.idx.msk $0xffff, v11  }
0xe2: {  	v11 =	vld [tilespmem:s19+$0x10];
	_ =	sdelay $0x4  }
0xe3: {  	v63 =	vunpack.i.l.bf16.f32 v11  }
0xe4: {  	s21 =	simm.s32 $0x200;
	v11 =	vunpack.i.u.bf16.f32 v11;
	[tilespmem:v9+s20+$0x13000] =	vst.idx.msk $0xffff, v63  }
.LBB2_6:
0xe5: {  	p0 =	sne.s32 s21, $0xFE00  }
0xe6: {  	[tilespmem:v10+s20+$0x13000] =	vst.idx.msk $0xffff, v11;
	s19 =	sadd.s32 $0x40, s19;
	s20 =	smov.u32 s21;
	s21 =	sadd.s32 $0x200, s21  }
0xe7: {  	v11 =	vld [tilespmem:s19+$0xFFFFFFE0];
	_ =	sdelay $0x4  }
0xe8: {  	s20 =	sshra.s32 s20, $0x2;
	v12 =	vunpack.i.l.bf16.f32 v11  }
0xe9: {  	v11 =	vunpack.i.u.bf16.f32 v11;
	[tilespmem:v0+s20+$0x13000] =	vst.idx.msk $0xffff, v12  }
0xea: {  	[tilespmem:v4+s20+$0x13000] =	vst.idx.msk $0xffff, v11  }
0xeb: {  	v11 =	vld [tilespmem:s19+$0xFFFFFFF0];
	_ =	sdelay $0x4  }
0xec: {  	v12 =	vunpack.i.l.bf16.f32 v11  }
0xed: {  	v11 =	vunpack.i.u.bf16.f32 v11;
	[tilespmem:v5+s20+$0x13000] =	vst.idx.msk $0xffff, v12  }
0xee: {  	[tilespmem:v6+s20+$0x13000] =	vst.idx.msk $0xffff, v11  }
0xef: {  	v11 =	vld [tilespmem:s19+$0x0];
	_ =	sdelay $0x4  }
0xf0: {  	v12 =	vunpack.i.l.bf16.f32 v11  }
0xf1: {  	v11 =	vunpack.i.u.bf16.f32 v11;
	[tilespmem:v7+s20+$0x13000] =	vst.idx.msk $0xffff, v12  }
0xf2: {  	[tilespmem:v8+s20+$0x13000] =	vst.idx.msk $0xffff, v11  }
0xf3: {  	v11 =	vld [tilespmem:s19+$0x10];
	_ =	sdelay $0x1  }
.Ltmp2:
0xf4: {  	(pc) =	sbr.rel @p0 .LBB2_6-.Ltmp2, $3  }
0xf5: {  	_ =	sdelay $0x1  }
0xf6: {  	v12 =	vunpack.i.l.bf16.f32 v11  }
0xf7: {  	v11 =	vunpack.i.u.bf16.f32 v11;
	[tilespmem:v9+s20+$0x13000] =	vst.idx.msk $0xffff, v12  }
0xf8: {  	_ =	sdelay $0x3  }
0xf9: {  	[tilespmem:v10+s20+$0x13000] =	vst.idx.msk $0xffff, v11;
	s19 =	simm.s32 $0x0;
	s21 =	rddreg [dreg:$0x11]  }
0xfa: {  	[hbm4b:s21+s19] =	stream.linear.scatter [tilespmem:s13], [sflag:$0x3], $0x4000, $0x38;
	[tilespmem:$0x1B580] =	vst v63  }
0xfb: {  	_ =	swait.ge [sflag:s14], $0x2000  }
0xfc: {  	[sflag:s14] =	ssyncset.done $0x0  }
0xfd: {  	s19 =	simm.s32 $0x11020;
	s21 =	rddreg [dreg:$0x9];
	[sflag:s14] =	ssyncadd.s32 $0xFFFFE000  }
0xfe: {  	[tilespmem:s26], [sflag:$0x1] =	stream.linear.gather [spmem:s21], $0x2000, $0x38;
	[tilespmem:$0x1B580] =	vst v63  }
0xff: {  	v11 =	vld [tilespmem:s19+$0xFFFFFFE0];
	_ =	sdelay $0x4  }
0x100: {  	s20 =	simm.s32 $0x0;
	v12 =	vunpack.i.l.bf16.f32 v11  }
0x101: {  	v11 =	vunpack.i.u.bf16.f32 v11;
	[tilespmem:v0+s20+$0x17000] =	vst.idx.msk $0xffff, v12  }
0x102: {  	[tilespmem:v4+s20+$0x17000] =	vst.idx.msk $0xffff, v11  }
0x103: {  	v11 =	vld [tilespmem:s19+$0xFFFFFFF0];
	_ =	sdelay $0x4  }
0x104: {  	v61 =	vunpack.i.l.bf16.f32 v11  }
0x105: {  	v11 =	vunpack.i.u.bf16.f32 v11;
	[tilespmem:v5+s20+$0x17000] =	vst.idx.msk $0xffff, v61  }
0x106: {  	[tilespmem:v6+s20+$0x17000] =	vst.idx.msk $0xffff, v11  }
0x107: {  	v11 =	vld [tilespmem:s19+$0x0];
	_ =	sdelay $0x4  }
0x108: {  	v62 =	vunpack.i.l.bf16.f32 v11  }
0x109: {  	v11 =	vunpack.i.u.bf16.f32 v11;
	[tilespmem:v7+s20+$0x17000] =	vst.idx.msk $0xffff, v62  }
0x10a: {  	[tilespmem:v8+s20+$0x17000] =	vst.idx.msk $0xffff, v11  }
0x10b: {  	v11 =	vld [tilespmem:s19+$0x10];
	_ =	sdelay $0x4  }
0x10c: {  	v63 =	vunpack.i.l.bf16.f32 v11  }
0x10d: {  	s21 =	simm.s32 $0x200;
	v11 =	vunpack.i.u.bf16.f32 v11;
	[tilespmem:v9+s20+$0x17000] =	vst.idx.msk $0xffff, v63  }
.LBB2_8:
0x10e: {  	p0 =	sne.s32 s21, $0xFE00  }
0x10f: {  	[tilespmem:v10+s20+$0x17000] =	vst.idx.msk $0xffff, v11;
	s19 =	sadd.s32 $0x40, s19;
	s20 =	smov.u32 s21;
	s21 =	sadd.s32 $0x200, s21  }
0x110: {  	v11 =	vld [tilespmem:s19+$0xFFFFFFE0];
	_ =	sdelay $0x4  }
0x111: {  	s20 =	sshra.s32 s20, $0x2;
	v12 =	vunpack.i.l.bf16.f32 v11  }
0x112: {  	v11 =	vunpack.i.u.bf16.f32 v11;
	[tilespmem:v0+s20+$0x17000] =	vst.idx.msk $0xffff, v12  }
0x113: {  	[tilespmem:v4+s20+$0x17000] =	vst.idx.msk $0xffff, v11  }
0x114: {  	v11 =	vld [tilespmem:s19+$0xFFFFFFF0];
	_ =	sdelay $0x4  }
0x115: {  	v12 =	vunpack.i.l.bf16.f32 v11  }
0x116: {  	v11 =	vunpack.i.u.bf16.f32 v11;
	[tilespmem:v5+s20+$0x17000] =	vst.idx.msk $0xffff, v12  }
0x117: {  	[tilespmem:v6+s20+$0x17000] =	vst.idx.msk $0xffff, v11  }
0x118: {  	v11 =	vld [tilespmem:s19+$0x0];
	_ =	sdelay $0x4  }
0x119: {  	v12 =	vunpack.i.l.bf16.f32 v11  }
0x11a: {  	v11 =	vunpack.i.u.bf16.f32 v11;
	[tilespmem:v7+s20+$0x17000] =	vst.idx.msk $0xffff, v12  }
0x11b: {  	[tilespmem:v8+s20+$0x17000] =	vst.idx.msk $0xffff, v11  }
0x11c: {  	v11 =	vld [tilespmem:s19+$0x10];
	_ =	sdelay $0x1  }
.Ltmp3:
0x11d: {  	(pc) =	sbr.rel @p0 .LBB2_8-.Ltmp3, $3  }
0x11e: {  	_ =	sdelay $0x1  }
0x11f: {  	v12 =	vunpack.i.l.bf16.f32 v11  }
0x120: {  	v11 =	vunpack.i.u.bf16.f32 v11;
	[tilespmem:v9+s20+$0x17000] =	vst.idx.msk $0xffff, v12  }
0x121: {  	_ =	sdelay $0x3  }
0x122: {  	[tilespmem:v10+s20+$0x17000] =	vst.idx.msk $0xffff, v11;
	s19 =	simm.s32 $0x0;
	s21 =	rddreg [dreg:$0x12]  }
0x123: {  	[hbm4b:s21+s19] =	stream.linear.scatter [tilespmem:s15], [sflag:$0x4], $0x4000, $0x38;
	[tilespmem:$0x1B580] =	vst v63  }
0x124: {  	_ =	swait.ge [sflag:s12], $0x2000  }
0x125: {  	[sflag:s12] =	ssyncset.done $0x0  }
0x126: {  	s21 =	rddreg [dreg:$0xa];
	[sflag:s12] =	ssyncadd.s32 $0xFFFFE000  }
0x127: {  	[tilespmem:s30], [sflag:$0x2] =	stream.linear.gather [spmem:s21], $0x2000, $0x38;
	[tilespmem:$0x1B580] =	vst v63  }
0x128: {  	_ =	swait.ge [sflag:s16], $0x4000  }
0x129: {  	[sflag:s16] =	ssyncset.done $0x0  }
0x12a: {  	s19 =	simm.s32 $0xF020;
	[sflag:s16] =	ssyncadd.s32 $0xFFFFC000  }
0x12b: {  	v11 =	vld [tilespmem:s19+$0xFFFFFFE0];
	_ =	sdelay $0x4  }
0x12c: {  	s20 =	simm.s32 $0x0;
	v12 =	vunpack.i.l.bf16.f32 v11  }
0x12d: {  	v11 =	vunpack.i.u.bf16.f32 v11;
	[tilespmem:v0+s20+$0x13000] =	vst.idx.msk $0xffff, v12  }
0x12e: {  	[tilespmem:v4+s20+$0x13000] =	vst.idx.msk $0xffff, v11  }
0x12f: {  	v11 =	vld [tilespmem:s19+$0xFFFFFFF0];
	_ =	sdelay $0x4  }
0x130: {  	v61 =	vunpack.i.l.bf16.f32 v11  }
0x131: {  	v11 =	vunpack.i.u.bf16.f32 v11;
	[tilespmem:v5+s20+$0x13000] =	vst.idx.msk $0xffff, v61  }
0x132: {  	[tilespmem:v6+s20+$0x13000] =	vst.idx.msk $0xffff, v11  }
0x133: {  	v11 =	vld [tilespmem:s19+$0x0];
	_ =	sdelay $0x4  }
0x134: {  	v62 =	vunpack.i.l.bf16.f32 v11  }
0x135: {  	v11 =	vunpack.i.u.bf16.f32 v11;
	[tilespmem:v7+s20+$0x13000] =	vst.idx.msk $0xffff, v62  }
0x136: {  	[tilespmem:v8+s20+$0x13000] =	vst.idx.msk $0xffff, v11  }
0x137: {  	v11 =	vld [tilespmem:s19+$0x10];
	_ =	sdelay $0x4  }
0x138: {  	v63 =	vunpack.i.l.bf16.f32 v11  }
0x139: {  	s21 =	simm.s32 $0x200;
	v11 =	vunpack.i.u.bf16.f32 v11;
	[tilespmem:v9+s20+$0x13000] =	vst.idx.msk $0xffff, v63  }
.LBB2_10:
0x13a: {  	p0 =	sne.s32 s21, $0xFE00  }
0x13b: {  	[tilespmem:v10+s20+$0x13000] =	vst.idx.msk $0xffff, v11;
	s19 =	sadd.s32 $0x40, s19;
	s20 =	smov.u32 s21;
	s21 =	sadd.s32 $0x200, s21  }
0x13c: {  	v11 =	vld [tilespmem:s19+$0xFFFFFFE0];
	_ =	sdelay $0x4  }
0x13d: {  	s20 =	sshra.s32 s20, $0x2;
	v12 =	vunpack.i.l.bf16.f32 v11  }
0x13e: {  	v11 =	vunpack.i.u.bf16.f32 v11;
	[tilespmem:v0+s20+$0x13000] =	vst.idx.msk $0xffff, v12  }
0x13f: {  	[tilespmem:v4+s20+$0x13000] =	vst.idx.msk $0xffff, v11  }
0x140: {  	v11 =	vld [tilespmem:s19+$0xFFFFFFF0];
	_ =	sdelay $0x4  }
0x141: {  	v12 =	vunpack.i.l.bf16.f32 v11  }
0x142: {  	v11 =	vunpack.i.u.bf16.f32 v11;
	[tilespmem:v5+s20+$0x13000] =	vst.idx.msk $0xffff, v12  }
0x143: {  	[tilespmem:v6+s20+$0x13000] =	vst.idx.msk $0xffff, v11  }
0x144: {  	v11 =	vld [tilespmem:s19+$0x0];
	_ =	sdelay $0x4  }
0x145: {  	v12 =	vunpack.i.l.bf16.f32 v11  }
0x146: {  	v11 =	vunpack.i.u.bf16.f32 v11;
	[tilespmem:v7+s20+$0x13000] =	vst.idx.msk $0xffff, v12  }
0x147: {  	[tilespmem:v8+s20+$0x13000] =	vst.idx.msk $0xffff, v11  }
0x148: {  	v11 =	vld [tilespmem:s19+$0x10];
	_ =	sdelay $0x1  }
.Ltmp4:
0x149: {  	(pc) =	sbr.rel @p0 .LBB2_10-.Ltmp4, $3  }
0x14a: {  	_ =	sdelay $0x1  }
0x14b: {  	v12 =	vunpack.i.l.bf16.f32 v11  }
0x14c: {  	v11 =	vunpack.i.u.bf16.f32 v11;
	[tilespmem:v9+s20+$0x13000] =	vst.idx.msk $0xffff, v12  }
0x14d: {  	_ =	sdelay $0x3  }
0x14e: {  	[tilespmem:v10+s20+$0x13000] =	vst.idx.msk $0xffff, v11;
	s19 =	simm.s32 $0x0  }
0x14f: {  	[hbm4b:s22+s19] =	stream.linear.scatter [tilespmem:s13], [sflag:$0x3], $0x4000, $0x38;
	[tilespmem:$0x1B580] =	vst v63  }
0x150: {  	_ =	swait.ge [sflag:s14], $0x2000  }
0x151: {  	[sflag:s14] =	ssyncset.done $0x0  }
0x152: {  	s21 =	rddreg [dreg:$0xb];
	[sflag:s14] =	ssyncadd.s32 $0xFFFFE000  }
0x153: {  	[tilespmem:s26], [sflag:$0x1] =	stream.linear.gather [spmem:s21], $0x2000, $0x38;
	[tilespmem:$0x1B580] =	vst v63  }
0x154: {  	_ =	swait.ge [sflag:s17], $0x4000  }
0x155: {  	[sflag:s17] =	ssyncset.done $0x0  }
0x156: {  	s19 =	simm.s32 $0x11020;
	[sflag:s17] =	ssyncadd.s32 $0xFFFFC000  }
0x157: {  	v11 =	vld [tilespmem:s19+$0xFFFFFFE0];
	_ =	sdelay $0x4  }
0x158: {  	s20 =	simm.s32 $0x0;
	v12 =	vunpack.i.l.bf16.f32 v11  }
0x159: {  	v11 =	vunpack.i.u.bf16.f32 v11;
	[tilespmem:v0+s20+$0x17000] =	vst.idx.msk $0xffff, v12  }
0x15a: {  	[tilespmem:v4+s20+$0x17000] =	vst.idx.msk $0xffff, v11  }
0x15b: {  	v11 =	vld [tilespmem:s19+$0xFFFFFFF0];
	_ =	sdelay $0x4  }
0x15c: {  	v61 =	vunpack.i.l.bf16.f32 v11  }
0x15d: {  	v11 =	vunpack.i.u.bf16.f32 v11;
	[tilespmem:v5+s20+$0x17000] =	vst.idx.msk $0xffff, v61  }
0x15e: {  	[tilespmem:v6+s20+$0x17000] =	vst.idx.msk $0xffff, v11  }
0x15f: {  	v11 =	vld [tilespmem:s19+$0x0];
	_ =	sdelay $0x4  }
0x160: {  	v62 =	vunpack.i.l.bf16.f32 v11  }
0x161: {  	v11 =	vunpack.i.u.bf16.f32 v11;
	[tilespmem:v7+s20+$0x17000] =	vst.idx.msk $0xffff, v62  }
0x162: {  	[tilespmem:v8+s20+$0x17000] =	vst.idx.msk $0xffff, v11  }
0x163: {  	v11 =	vld [tilespmem:s19+$0x10];
	_ =	sdelay $0x4  }
0x164: {  	v63 =	vunpack.i.l.bf16.f32 v11  }
0x165: {  	s21 =	simm.s32 $0x200;
	v11 =	vunpack.i.u.bf16.f32 v11;
	[tilespmem:v9+s20+$0x17000] =	vst.idx.msk $0xffff, v63  }
.LBB2_12:
0x166: {  	p0 =	sne.s32 s21, $0xFE00  }
0x167: {  	[tilespmem:v10+s20+$0x17000] =	vst.idx.msk $0xffff, v11;
	s19 =	sadd.s32 $0x40, s19;
	s20 =	smov.u32 s21;
	s21 =	sadd.s32 $0x200, s21  }
0x168: {  	v11 =	vld [tilespmem:s19+$0xFFFFFFE0];
	_ =	sdelay $0x4  }
0x169: {  	s20 =	sshra.s32 s20, $0x2;
	v12 =	vunpack.i.l.bf16.f32 v11  }
0x16a: {  	v11 =	vunpack.i.u.bf16.f32 v11;
	[tilespmem:v0+s20+$0x17000] =	vst.idx.msk $0xffff, v12  }
0x16b: {  	[tilespmem:v4+s20+$0x17000] =	vst.idx.msk $0xffff, v11  }
0x16c: {  	v11 =	vld [tilespmem:s19+$0xFFFFFFF0];
	_ =	sdelay $0x4  }
0x16d: {  	v12 =	vunpack.i.l.bf16.f32 v11  }
0x16e: {  	v11 =	vunpack.i.u.bf16.f32 v11;
	[tilespmem:v5+s20+$0x17000] =	vst.idx.msk $0xffff, v12  }
0x16f: {  	[tilespmem:v6+s20+$0x17000] =	vst.idx.msk $0xffff, v11  }
0x170: {  	v11 =	vld [tilespmem:s19+$0x0];
	_ =	sdelay $0x4  }
0x171: {  	v12 =	vunpack.i.l.bf16.f32 v11  }
0x172: {  	v11 =	vunpack.i.u.bf16.f32 v11;
	[tilespmem:v7+s20+$0x17000] =	vst.idx.msk $0xffff, v12  }
0x173: {  	[tilespmem:v8+s20+$0x17000] =	vst.idx.msk $0xffff, v11  }
0x174: {  	v11 =	vld [tilespmem:s19+$0x10];
	_ =	sdelay $0x1  }
.Ltmp5:
0x175: {  	(pc) =	sbr.rel @p0 .LBB2_12-.Ltmp5, $3  }
0x176: {  	_ =	sdelay $0x1  }
0x177: {  	v12 =	vunpack.i.l.bf16.f32 v11  }
0x178: {  	v11 =	vunpack.i.u.bf16.f32 v11;
	[tilespmem:v9+s20+$0x17000] =	vst.idx.msk $0xffff, v12  }
0x179: {  	_ =	sdelay $0x3  }
0x17a: {  	[tilespmem:v10+s20+$0x17000] =	vst.idx.msk $0xffff, v11;
	s19 =	simm.s32 $0x0  }
0x17b: {  	[hbm4b:s23+s19] =	stream.linear.scatter [tilespmem:s15], [sflag:$0x4], $0x4000, $0x38;
	[tilespmem:$0x1B580] =	vst v63  }
0x17c: {  	_ =	swait.ge [sflag:s12], $0x2000  }
0x17d: {  	[sflag:s12] =	ssyncset.done $0x0  }
0x17e: {  	[sflag:s12] =	ssyncadd.s32 $0xFFFFE000  }
0x17f: {  	_ =	swait.ge [sflag:s16], $0x4000  }
0x180: {  	[sflag:s16] =	ssyncset.done $0x0  }
0x181: {  	s19 =	simm.s32 $0xF020;
	[sflag:s16] =	ssyncadd.s32 $0xFFFFC000  }
0x182: {  	v11 =	vld [tilespmem:s19+$0xFFFFFFE0];
	_ =	sdelay $0x4  }
0x183: {  	s20 =	simm.s32 $0x0;
	v12 =	vunpack.i.l.bf16.f32 v11  }
0x184: {  	v11 =	vunpack.i.u.bf16.f32 v11;
	[tilespmem:v0+s20+$0x13000] =	vst.idx.msk $0xffff, v12  }
0x185: {  	[tilespmem:v4+s20+$0x13000] =	vst.idx.msk $0xffff, v11  }
0x186: {  	v11 =	vld [tilespmem:s19+$0xFFFFFFF0];
	_ =	sdelay $0x4  }
0x187: {  	v61 =	vunpack.i.l.bf16.f32 v11  }
0x188: {  	v11 =	vunpack.i.u.bf16.f32 v11;
	[tilespmem:v5+s20+$0x13000] =	vst.idx.msk $0xffff, v61  }
0x189: {  	[tilespmem:v6+s20+$0x13000] =	vst.idx.msk $0xffff, v11  }
0x18a: {  	v11 =	vld [tilespmem:s19+$0x0];
	_ =	sdelay $0x4  }
0x18b: {  	v62 =	vunpack.i.l.bf16.f32 v11  }
0x18c: {  	v11 =	vunpack.i.u.bf16.f32 v11;
	[tilespmem:v7+s20+$0x13000] =	vst.idx.msk $0xffff, v62  }
0x18d: {  	[tilespmem:v8+s20+$0x13000] =	vst.idx.msk $0xffff, v11  }
0x18e: {  	v11 =	vld [tilespmem:s19+$0x10];
	_ =	sdelay $0x4  }
0x18f: {  	v63 =	vunpack.i.l.bf16.f32 v11  }
0x190: {  	s21 =	simm.s32 $0x200;
	v11 =	vunpack.i.u.bf16.f32 v11;
	[tilespmem:v9+s20+$0x13000] =	vst.idx.msk $0xffff, v63  }
.LBB2_14:
0x191: {  	p0 =	sne.s32 s21, $0xFE00  }
0x192: {  	[tilespmem:v10+s20+$0x13000] =	vst.idx.msk $0xffff, v11;
	s19 =	sadd.s32 $0x40, s19;
	s20 =	smov.u32 s21;
	s21 =	sadd.s32 $0x200, s21  }
0x193: {  	v11 =	vld [tilespmem:s19+$0xFFFFFFE0];
	_ =	sdelay $0x4  }
0x194: {  	s20 =	sshra.s32 s20, $0x2;
	v12 =	vunpack.i.l.bf16.f32 v11  }
0x195: {  	v11 =	vunpack.i.u.bf16.f32 v11;
	[tilespmem:v0+s20+$0x13000] =	vst.idx.msk $0xffff, v12  }
0x196: {  	[tilespmem:v4+s20+$0x13000] =	vst.idx.msk $0xffff, v11  }
0x197: {  	v11 =	vld [tilespmem:s19+$0xFFFFFFF0];
	_ =	sdelay $0x4  }
0x198: {  	v12 =	vunpack.i.l.bf16.f32 v11  }
0x199: {  	v11 =	vunpack.i.u.bf16.f32 v11;
	[tilespmem:v5+s20+$0x13000] =	vst.idx.msk $0xffff, v12  }
0x19a: {  	[tilespmem:v6+s20+$0x13000] =	vst.idx.msk $0xffff, v11  }
0x19b: {  	v11 =	vld [tilespmem:s19+$0x0];
	_ =	sdelay $0x4  }
0x19c: {  	v12 =	vunpack.i.l.bf16.f32 v11  }
0x19d: {  	v11 =	vunpack.i.u.bf16.f32 v11;
	[tilespmem:v7+s20+$0x13000] =	vst.idx.msk $0xffff, v12  }
0x19e: {  	[tilespmem:v8+s20+$0x13000] =	vst.idx.msk $0xffff, v11  }
0x19f: {  	v11 =	vld [tilespmem:s19+$0x10];
	_ =	sdelay $0x1  }
.Ltmp6:
0x1a0: {  	(pc) =	sbr.rel @p0 .LBB2_14-.Ltmp6, $3  }
0x1a1: {  	_ =	sdelay $0x1  }
0x1a2: {  	v12 =	vunpack.i.l.bf16.f32 v11  }
0x1a3: {  	v11 =	vunpack.i.u.bf16.f32 v11;
	[tilespmem:v9+s20+$0x13000] =	vst.idx.msk $0xffff, v12  }
0x1a4: {  	_ =	sdelay $0x3  }
0x1a5: {  	[tilespmem:v10+s20+$0x13000] =	vst.idx.msk $0xffff, v11;
	s19 =	simm.s32 $0x0  }
0x1a6: {  	[hbm4b:s24+s19] =	stream.linear.scatter [tilespmem:s13], [sflag:$0x3], $0x4000, $0x38;
	[tilespmem:$0x1B580] =	vst v63  }
0x1a7: {  	_ =	swait.ge [sflag:s16], $0x4000  }
0x1a8: {  	[sflag:s16] =	ssyncset.done $0x0  }
0x1a9: {  	[sflag:s16] =	ssyncadd.s32 $0xFFFFC000  }
0x1aa: {  	_ =	swait.ge [sflag:s17], $0x4000  }
0x1ab: {  	[sflag:s17] =	ssyncset.done $0x0  }
0x1ac: {  	[sflag:s17] =	ssyncadd.s32 $0xFFFFC000  }
0x1ad: {  	[tilespmem:s31], [sflag:$0x7] =	stream.linear.gather [spmem:s9], $0x280, $0x38;
	[tilespmem:$0x1B580] =	vst v63  }
0x1ae: {  	_ =	swait.ge [sflag:s28], $0x280  }
0x1af: {  	[sflag:s28] =	ssyncset.done $0x0  }
0x1b0: {  	s21 =	rddreg [dreg:$0xc];
	[sflag:s28] =	ssyncadd.s32 $0xFFFFFD80  }
0x1b1: {  	[hbm4b:s21+s19] =	stream.linear.scatter [tilespmem:s31], [sflag:$0x7], $0x280, $0x38;
	[tilespmem:$0x1B580] =	vst v63  }
0x1b2: {  	_ =	swait.ge [sflag:s28], $0x280  }
0x1b3: {  	s18 =	sadd.s32 $0x1, s18;
	s21 =	rddreg [dreg:$0xd]  }
0x1b4: {  	p0 =	sne.s32 s18, s21  }
.Ltmp7:
0x1b5: {  	_ = 	snop;
	(pc) =	sbr.rel @p0 .LBB2_1-.Ltmp7, $3  }
0x1b6: {  	_ =	sdelay $0x1  }
0x1b7: {  	[sflag:s28] =	ssyncset.done $0x0  }
0x1b8: {  	[sflag:s28] =	ssyncadd.s32 $0xFFFFFD80  }
0x1b9: {  	_ =	sfence.sel $0x180000  }
0x1ba: {  	[bflag:$0x0] =	sbarrier.arrive $0xFFFF  }
0x1bb: {  	_ =	strace $0x90000047  }
0x1bc: {  	s0 =	stileid.u32;
	[bflag:$0x2] =	sbarrier.arrive $0xFFFF  }
0x1bd: {  	p0 =	sne.s32 s0, $0x0;
	s0 =	rddreg [dreg:$0x4]  }
0x1be: {  	s0 =	sadd.s32 @!p0 $0x100000, s0  }
0x1bf: {  	[sflag:s0] =	ssyncadd.tile.s32 @!p0 $0x1;
	_ =	shalt  }
.Lfunc_end2:
_tile_overlayer_lowered:
.L_overlay_start_2:
0x1c0: {  	(tag) =	ssettag $0x2  }
0x1c1: {  	s0 =	rddreg [dreg:$0x0];
	s2 =	stileid.u32  }
0x1c2: {  	s1 =	rddreg [dreg:$0x1];
	p0 =	sne.s32 s2, $0x0  }
0x1c3: {  	s3 =	rddreg [dreg:$0x2];
	[bflag:$0x3] =	sbarrier.arrive $0xFFFF;
	s2 =	simm.s32 @!p0 $0x1C07  }
0x1c4: {  	[timem:s3], [sflag:s2] =	dma.local @!p0 [hbm:s0], s1  }
0x1c5: {  	s0 =	simm.s32 @!p0 $0x7  }
0x1c6: {  	_ =	swait.ge @!p0 [sflag:s0], s1  }
0x1c7: {  	s1 =	ssub.s32 @!p0 $0x0, s1;
	[sflag:s0] =	ssyncset.done @!p0 $0x0  }
0x1c8: {  	[sflag:s0] =	ssyncadd.s32 @!p0 s1  }
0x1c9: {  	[bflag:$0x3] =	sbarrier.arrive $0xFFFF  }
0x1ca: {  	_ =	shalt  }

</sc_bundles>
